<compile_context>
chip_gen: v7x
topology: tpu7x:2x2x1
jax: 0.10.2.dev20260603
libtpu: 0.0.44.dev20260713+nightly
codegen_flags: <defaults>
</compile_context>

<pallas_src>
import dataclasses
import functools

import jax
import jax.numpy as jnp
from jax import lax
from jax.experimental import pallas as pl
from jax.experimental.pallas import tpu as pltpu
from jax.experimental.pallas import tpu_sc as plsc

N = 10000
E = 320000
D = 128
NP = 10240
EPAD = 327680
NC = 2
NS = 16
NW = NC * NS
EPW = EPAD // NW
NCH = EPW // 128
RPT = NP // NS
RB = 1024
GRID = NP // RB

_mesh = plsc.VectorSubcoreMesh(core_axis_name="c", subcore_axis_name="s")

_sc_params = pltpu.CompilerParams()
if "needs_layout_passes" in pltpu.CompilerParams.__dataclass_fields__:
    _sc_params = dataclasses.replace(_sc_params, needs_layout_passes=False)


@functools.partial(
    pl.kernel,
    mesh=_mesh,
    out_type=jax.ShapeDtypeStruct((NW, NP), jnp.float32),
    compiler_params=_sc_params,
    scratch_types=[
        pltpu.VMEM((EPW,), jnp.int32),
        pltpu.VMEM((NP,), jnp.float32),
    ],
)
def _deg_kernel(dst_hbm, out_hbm, dst_v, hist_v):
    c = lax.axis_index("c")
    s = lax.axis_index("s")
    wid = s * NC + c
    pltpu.sync_copy(dst_hbm.at[pl.ds(wid * EPW, EPW)], dst_v)

    zeros16 = jnp.zeros((16,), jnp.float32)
    ones16 = jnp.ones((16,), jnp.float32)

    @pl.loop(0, NP // 16)
    def _(i):
        hist_v[pl.ds(i * 16, 16)] = zeros16

    @pl.loop(0, EPW // 16)
    def _(j):
        idx = dst_v[pl.ds(j * 16, 16)]
        plsc.addupdate_scatter(hist_v, [idx], ones16)

    pltpu.sync_copy(hist_v, out_hbm.at[wid])


KBUF = 2
CH = 128
NCHT = NCH
NSTG = 2
IH = NCHT // NSTG


@functools.partial(
    pl.kernel,
    mesh=_mesh,
    out_type=jax.ShapeDtypeStruct((NC, NP, D), jnp.float32),
    scratch_types=[
        pltpu.VMEM((IH, CH), jnp.int32),
        pltpu.VMEM((IH, CH), jnp.int32),
        pltpu.VMEM((KBUF * CH, D), jnp.float32),
        pltpu.VMEM_SHARED((NP, D), jnp.float32),
    ] + [pltpu.SemaphoreType.DMA] * KBUF,
)
def _edge_kernel(g_hbm, src_hbm, dst_hbm, out_hbm, src_v, dst_v, rows_v,
                 acc_s, *gsems):
    c = lax.axis_index("c")
    s = lax.axis_index("s")
    wid = s * NC + c

    def buf(k):
        return rows_v.at[pl.ds(k * CH, CH)]

    zeros16 = jnp.zeros((16,), jnp.float32)

    @pl.loop(0, CH)
    def _(r):
        @pl.loop(0, D // 16)
        def _(k):
            rows_v[r, pl.ds(k * 16, 16)] = zeros16

    @pl.loop(0, RPT // CH)
    def _(t):
        pltpu.sync_copy(buf(0), acc_s.at[pl.ds(s * RPT + t * CH, CH)])

    plsc.subcore_barrier()

    def start_gather(j, k):
        pltpu.async_copy(g_hbm.at[src_v.at[j]], buf(k), gsems[k])

    def finish_chunk(j, k):
        pltpu.make_async_copy(g_hbm.at[src_v.at[j]], buf(k),
                              gsems[k]).wait()
        pltpu.sync_copy(buf(k), acc_s.at[dst_v.at[j]], add=True)

    for stg in range(NSTG):
        base = wid * NCHT + stg * IH
        pltpu.sync_copy(src_hbm.at[pl.ds(base, IH)], src_v)
        pltpu.sync_copy(dst_hbm.at[pl.ds(base, IH)], dst_v)

        for k in range(KBUF):
            start_gather(k, k)

        @pl.loop(0, IH // KBUF - 1)
        def _(t):
            for k in range(KBUF):
                j = t * KBUF + k
                finish_chunk(j, k)
                start_gather(j + KBUF, k)

        for k in range(KBUF):
            finish_chunk(IH - KBUF + k, k)

    plsc.subcore_barrier()

    @pl.loop(0, RPT // CH)
    def _(t):
        pltpu.sync_copy(acc_s.at[pl.ds(s * RPT + t * CH, CH)], buf(0))
        pltpu.sync_copy(buf(0), out_hbm.at[c, pl.ds(s * RPT + t * CH, CH)])


def _pre_body(x_ref, w_ref, hist_ref, g_ref, dinv_ref):
    deg = jnp.sum(hist_ref[...], axis=0) + 2.0
    dinv = lax.rsqrt(deg)
    h = jnp.dot(x_ref[...], w_ref[...], preferred_element_type=jnp.float32)
    g_ref[...] = h * dinv[:, None]
    dinv_ref[...] = dinv


_pre_call = pl.pallas_call(
    _pre_body,
    grid=(GRID,),
    in_specs=[
        pl.BlockSpec((RB, D), lambda i: (i, 0)),
        pl.BlockSpec((D, D), lambda i: (0, 0)),
        pl.BlockSpec((NW, RB), lambda i: (0, i)),
    ],
    out_specs=[
        pl.BlockSpec((RB, D), lambda i: (i, 0)),
        pl.BlockSpec((RB,), lambda i: (i,)),
    ],
    out_shape=[
        jax.ShapeDtypeStruct((NP, D), jnp.float32),
        jax.ShapeDtypeStruct((NP,), jnp.float32),
    ],
)


def _mid_body(p_ref, g1_ref, dinv_ref, b1_ref, w2_ref, g2_ref):
    acc = p_ref[0] + p_ref[1]
    dinv = dinv_ref[...]
    m = (acc + 2.0 * g1_ref[...]) * dinv[:, None] + b1_ref[...]
    h = jnp.maximum(m, 0.0)
    g2_ref[...] = jnp.dot(h, w2_ref[...],
                          preferred_element_type=jnp.float32) * dinv[:, None]


_mid_call = pl.pallas_call(
    _mid_body,
    grid=(GRID,),
    in_specs=[
        pl.BlockSpec((NC, RB, D), lambda i: (0, i, 0)),
        pl.BlockSpec((RB, D), lambda i: (i, 0)),
        pl.BlockSpec((RB,), lambda i: (i,)),
        pl.BlockSpec((1, D), lambda i: (0, 0)),
        pl.BlockSpec((D, D), lambda i: (0, 0)),
    ],
    out_specs=pl.BlockSpec((RB, D), lambda i: (i, 0)),
    out_shape=jax.ShapeDtypeStruct((NP, D), jnp.float32),
)


def _fin_body(p_ref, g2_ref, dinv_ref, b2_ref, out_ref):
    acc = p_ref[0] + p_ref[1]
    dinv = dinv_ref[...]
    m = (acc + 2.0 * g2_ref[...]) * dinv[:, None] + b2_ref[...]
    out_ref[...] = jnp.maximum(m, 0.0) + jnp.log1p(jnp.exp(-jnp.abs(m)))


_fin_call = pl.pallas_call(
    _fin_body,
    grid=(GRID,),
    in_specs=[
        pl.BlockSpec((NC, RB, D), lambda i: (0, i, 0)),
        pl.BlockSpec((RB, D), lambda i: (i, 0)),
        pl.BlockSpec((RB,), lambda i: (i,)),
        pl.BlockSpec((1, D), lambda i: (0, 0)),
    ],
    out_specs=pl.BlockSpec((RB, D), lambda i: (i, 0)),
    out_shape=jax.ShapeDtypeStruct((NP, D), jnp.float32),
)


def kernel(x, edge_index, W1, b1, W2, b2, threshold):
    ei = edge_index.astype(jnp.int32)
    pad = jnp.full((EPAD - E,), N, jnp.int32)
    src = jnp.concatenate([ei[0], pad])
    dst = jnp.concatenate([ei[1], pad])
    src2d = src.reshape(EPAD // CH, CH)
    dst2d = dst.reshape(EPAD // CH, CH)

    xp = jnp.pad(x, ((0, NP - N), (0, 0)))
    b1r = b1.reshape(1, D)
    b2r = b2.reshape(1, D)

    hist = _deg_kernel(dst)
    g1, dinv = _pre_call(xp, W1, hist)
    p1 = _edge_kernel(g1, src2d, dst2d)
    g2 = _mid_call(p1, g1, dinv, b1r, W2)
    p2 = _edge_kernel(g2, src2d, dst2d)
    out = _fin_call(p2, g2, dinv, b2r)
    return out[:N]

# --- scband reference (transcript-rebuilt; emitter-appended) ---
"""Pipeline reference for scband-gnn-27539330302469 (READ-ONLY COPY).

The authoritative reference and input builder live on the scoring server;
editing this copy changes nothing except your own understanding.
"""

import jax, jax.numpy as jnp
import numpy as np

N_NODES = 10000
N_EDGES = 320000
D = 128


def gcn_conv(x, edge_index, W, b, n_nodes):
    # GCNConv with improved=True: A_hat = A + 2I, sym norm D^-1/2 A_hat D^-1/2
    src = edge_index[0]
    dst = edge_index[1]
    loop = jnp.arange(n_nodes, dtype=edge_index.dtype)
    src_full = jnp.concatenate([src, loop])
    dst_full = jnp.concatenate([dst, loop])
    ew = jnp.concatenate([jnp.ones((src.shape[0],), dtype=x.dtype),
                          2.0 * jnp.ones((n_nodes,), dtype=x.dtype)])  # improved -> fill 2.0
    deg = jax.ops.segment_sum(ew, dst_full, num_segments=n_nodes)
    dinv = jnp.where(deg > 0, 1.0 / jnp.sqrt(deg), 0.0)
    norm = dinv[src_full] * ew * dinv[dst_full]
    h = x @ W  # linear transform
    msg = norm[:, None] * jnp.take(h, src_full, axis=0)
    out = jax.ops.segment_sum(msg, dst_full, num_segments=n_nodes)
    return out + b


def setup_inputs(seed: int = 0) -> dict:
    key = jax.random.key(seed)
    k1, k2, k3 = jax.random.split(key, 3)
    x = jax.random.normal(k1, (N_NODES, D), dtype=jnp.float32)
    edge_index = jax.random.randint(k2, (2, N_EDGES), 0, N_NODES, dtype=jnp.int64)
    kW1, kW2 = jax.random.split(k3)
    W1 = jax.random.normal(kW1, (D, D), dtype=jnp.float32) * 0.05
    b1 = jnp.zeros((D,), dtype=jnp.float32)
    W2 = jax.random.normal(kW2, (D, D), dtype=jnp.float32) * 0.05
    b2 = jnp.zeros((D,), dtype=jnp.float32)
    threshold = jnp.log(jnp.expm1(jnp.asarray(1.0, dtype=jnp.float32)))  # inv_softplus(1.0)
    return {"x": x, "edge_index": edge_index, "W1": W1, "b1": b1, "W2": W2, "b2": b2, "threshold": threshold}


def reference(x, edge_index, W1, b1, W2, b2, threshold):
    # conv 1 (hidden layer) + ReLU
    h = gcn_conv(x, edge_index, W1, b1, N_NODES)
    h = jax.nn.relu(h)
    # conv_last + softplus
    h = gcn_conv(h, edge_index, W2, b2, N_NODES)
    h = jax.nn.softplus(h)
    module_representation = h
    # transform_probability_method == 'tanh' (computed; fed only to empty out_models dict)
    _x_prob = jnp.tanh(jax.nn.softplus(threshold) * h)
    # out_models is empty -> y_preds = {}; return the module representation
    return module_representation

if __name__ == "__main__":
    import jax
    _d = setup_inputs()
    print(jax.jit(kernel)(*tuple(_d.values())))

</pallas_src>

<mosaic_0001>
#map = affine_map<(d0, d1) -> (0, 0)>
#map1 = affine_map<(d0, d1) -> (0, 0, 0)>
module attributes {stable_mosaic.version = 14 : i64} {
  func.func @_edge_kernel(%arg0: i32, %arg1: i32, %arg2: memref<10240x128xf32, #tpu.memory_space<hbm>>, %arg3: memref<2560x128xi32, #tpu.memory_space<hbm>>, %arg4: memref<2560x128xi32, #tpu.memory_space<hbm>>, %arg5: memref<2x10240x128xf32, #tpu.memory_space<hbm>>, %arg6: memref<40x128xi32, #tpu.memory_space<vmem>>, %arg7: memref<40x128xi32, #tpu.memory_space<vmem>>, %arg8: memref<256x128xf32, #tpu.memory_space<vmem>>, %arg9: memref<10240x128xf32, #tpu.memory_space<vmem_shared>>, %arg10: memref<!tpu.dma_semaphore, #tpu.memory_space<semaphore_mem>>, %arg11: memref<!tpu.dma_semaphore, #tpu.memory_space<semaphore_mem>>) attributes {dimension_semantics = [#tpu.dimension_semantics<core_parallel>, #tpu.dimension_semantics<subcore_parallel>], iteration_bounds = array<i64: 2, 16>, scalar_prefetch = 0 : i64, scratch_operands = 6 : i64, tpu.core_type = #tpu.core_type<sc_vector_subcore>, window_params = [{transform_indices = #map}, {transform_indices = #map}, {transform_indices = #map}, {transform_indices = #map1}]} {
    %mul3A = arith.constant 2 : i32
    %mul3A_0 = arith.muli %arg1, %mul3A : i32
    %add3A = arith.addi %mul3A_0, %arg0 : i32
    %broadcast_in_dim3A = arith.constant 0.000000e+00 : f32
    %broadcast_in_dim3A_1 = vector.broadcast %broadcast_in_dim3A : f32 to vector<16xf32>
    %scan3A = arith.constant 0 : i32
    %scan3A_2 = arith.constant 128 : i32
    %scan3A_3 = arith.addi %scan3A, %scan3A_2 : i32
    %scan3A_4 = arith.constant 1 : i32
    scf.for %scan3A_116 = %scan3A to %scan3A_3 step %scan3A_4  : i32 {
      %mul3A_117 = arith.constant 1 : i32
      %mul3A_118 = arith.muli %scan3A_116, %mul3A_117 : i32
      %add3A_119 = arith.constant 0 : i32
      %add3A_120 = arith.addi %add3A_119, %mul3A_118 : i32
      %scan3A_121 = arith.constant 0 : i32
      %scan3A_122 = arith.constant 8 : i32
      %scan3A_123 = arith.addi %scan3A_121, %scan3A_122 : i32
      %scan3A_124 = arith.constant 1 : i32
      scf.for %scan3A_126 = %scan3A_121 to %scan3A_123 step %scan3A_124  : i32 {
        %mul3A_127 = arith.constant 1 : i32
        %mul3A_128 = arith.muli %scan3A_126, %mul3A_127 : i32
        %add3A_129 = arith.constant 0 : i32
        %add3A_130 = arith.addi %add3A_129, %mul3A_128 : i32
        %mul3A_131 = arith.constant 16 : i32
        %mul3A_132 = arith.muli %add3A_130, %mul3A_131 : i32
        %swap3A = arith.index_cast %add3A_120 : i32 to index
        %swap3A_133 = arith.index_cast %mul3A_132 : i32 to index
        %swap3A_134 = tpu.vector_load %arg8[%swap3A, %swap3A_133] {strides = array<i32>} : memref<256x128xf32, #tpu.memory_space<vmem>>, vector<1x16xf32>,
        %swap3A_135 = vector.shape_cast %swap3A_134 : vector<1x16xf32> to vector<16xf32>
        %swap3A_136 = vector.shape_cast %broadcast_in_dim3A_1 : vector<16xf32> to vector<1x16xf32>
        tpu.vector_store %arg8[%swap3A, %swap3A_133], %swap3A_136 {strides = array<i32>} : memref<256x128xf32, #tpu.memory_space<vmem>>, vector<1x16xf32>,
      }
      %scan3A_125 = arith.constant 8 : i32
    }
    %scan3A_5 = arith.constant 128 : i32
    %scan3A_6 = arith.constant 0 : i32
    %scan3A_7 = arith.constant 5 : i32
    %scan3A_8 = arith.addi %scan3A_6, %scan3A_7 : i32
    %scan3A_9 = arith.constant 1 : i32
    scf.for %scan3A_116 = %scan3A_6 to %scan3A_8 step %scan3A_9  : i32 {
      %mul3A_117 = arith.constant 1 : i32
      %mul3A_118 = arith.muli %scan3A_116, %mul3A_117 : i32
      %add3A_119 = arith.constant 0 : i32
      %add3A_120 = arith.addi %add3A_119, %mul3A_118 : i32
      %mul3A_121 = arith.constant 640 : i32
      %mul3A_122 = arith.muli %arg1, %mul3A_121 : i32
      %mul3A_123 = arith.constant 128 : i32
      %mul3A_124 = arith.muli %add3A_120, %mul3A_123 : i32
      %add3A_125 = arith.addi %mul3A_122, %mul3A_124 : i32
      "tpu.region"() ({
        %run_scoped3A_126 = tpu.sem_alloc : memref<!tpu.dma_semaphore, #tpu.memory_space<semaphore_mem>>
        %dma_start3A_127 = arith.constant 0 : i32
        %dma_start3A_128 = arith.constant 0 : i32
        %dma_start3A_129 = tpu.memref_slice %arg8[%dma_start3A_127, %dma_start3A_128] : memref<256x128xf32, #tpu.memory_space<vmem>> -> memref<128x128xf32, #tpu.memory_space<vmem>>
        %dma_start3A_130 = arith.constant 0 : i32
        %dma_start3A_131 = tpu.memref_slice %arg9[%add3A_125, %dma_start3A_130] : memref<10240x128xf32, #tpu.memory_space<vmem_shared>> -> memref<128x128xf32, #tpu.memory_space<vmem_shared>>
        %dma_start3A_132 = arith.constant 0 : i32
        %dma_start3A_133 = tpu.memref_slice %arg9[%add3A_125, %dma_start3A_132] : memref<10240x128xf32, #tpu.memory_space<vmem_shared>> -> memref<128x128xf32, #tpu.memory_space<vmem_shared>>
        %dma_start3A_134 = arith.constant 0 : i32
        %dma_start3A_135 = arith.constant 0 : i32
        %dma_start3A_136 = tpu.memref_slice %arg8[%dma_start3A_134, %dma_start3A_135] : memref<256x128xf32, #tpu.memory_space<vmem>> -> memref<128x128xf32, #tpu.memory_space<vmem>>
        tpu.enqueue_dma source(%dma_start3A_136 : memref<128x128xf32, #tpu.memory_space<vmem>>) target(%dma_start3A_133 : memref<128x128xf32, #tpu.memory_space<vmem_shared>>) target_semaphore(%run_scoped3A_126 : memref<!tpu.dma_semaphore, #tpu.memory_space<semaphore_mem>>)
        %dma_wait3A_137 = arith.constant 0 : i32
        %dma_wait3A_138 = arith.constant 0 : i32
        %dma_wait3A_139 = tpu.memref_slice %arg8[%dma_wait3A_137, %dma_wait3A_138] : memref<256x128xf32, #tpu.memory_space<vmem>> -> memref<128x128xf32, #tpu.memory_space<vmem>>
        %dma_wait3A_140 = arith.constant 0 : i32
        %dma_wait3A_141 = tpu.memref_slice %arg9[%add3A_125, %dma_wait3A_140] : memref<10240x128xf32, #tpu.memory_space<vmem_shared>> -> memref<128x128xf32, #tpu.memory_space<vmem_shared>>
        %dma_wait3A_142 = arith.constant 0 : i32
        %dma_wait3A_143 = tpu.memref_slice %arg9[%add3A_125, %dma_wait3A_142] : memref<10240x128xf32, #tpu.memory_space<vmem_shared>> -> memref<128x128xf32, #tpu.memory_space<vmem_shared>>
        %dma_wait3A_144 = arith.constant 0 : i32
        %dma_wait3A_145 = arith.constant 0 : i32
        %dma_wait3A_146 = tpu.memref_slice %arg8[%dma_wait3A_144, %dma_wait3A_145] : memref<256x128xf32, #tpu.memory_space<vmem>> -> memref<128x128xf32, #tpu.memory_space<vmem>>
        tpu.wait_dma2 semaphore(%run_scoped3A_126 : memref<!tpu.dma_semaphore, #tpu.memory_space<semaphore_mem>>) src(%dma_wait3A_146 : memref<128x128xf32, #tpu.memory_space<vmem>>) dst(%dma_wait3A_143 : memref<128x128xf32, #tpu.memory_space<vmem_shared>>)
        tpu.yield
      }) : () -> ()
    }
    %scan3A_10 = arith.constant 5 : i32
    %barrier3A = arith.constant 0 : index
    tpu.barrier barrier_id(%barrier3A)
    %mul3A_11 = arith.constant 80 : i32
    %mul3A_12 = arith.muli %add3A, %mul3A_11 : i32
    %add3A_13 = arith.constant 0 : i32
    %add3A_14 = arith.addi %mul3A_12, %add3A_13 : i32
    "tpu.region"() ({
      %run_scoped3A_116 = tpu.sem_alloc : memref<!tpu.dma_semaphore, #tpu.memory_space<semaphore_mem>>
      %dma_start3A_117 = arith.constant 0 : i32
      %dma_start3A_118 = tpu.memref_slice %arg3[%add3A_14, %dma_start3A_117] : memref<2560x128xi32, #tpu.memory_space<hbm>> -> memref<40x128xi32, #tpu.memory_space<hbm>>
      %dma_start3A_119 = arith.constant 0 : i32
      %dma_start3A_120 = tpu.memref_slice %arg3[%add3A_14, %dma_start3A_119] : memref<2560x128xi32, #tpu.memory_space<hbm>> -> memref<40x128xi32, #tpu.memory_space<hbm>>
      tpu.enqueue_dma source(%dma_start3A_120 : memref<40x128xi32, #tpu.memory_space<hbm>>) target(%arg6 : memref<40x128xi32, #tpu.memory_space<vmem>>) target_semaphore(%run_scoped3A_116 : memref<!tpu.dma_semaphore, #tpu.memory_space<semaphore_mem>>)
      %dma_wait3A_121 = arith.constant 0 : i32
      %dma_wait3A_122 = tpu.memref_slice %arg3[%add3A_14, %dma_wait3A_121] : memref<2560x128xi32, #tpu.memory_space<hbm>> -> memref<40x128xi32, #tpu.memory_space<hbm>>
      %dma_wait3A_123 = arith.constant 0 : i32
      %dma_wait3A_124 = tpu.memref_slice %arg3[%add3A_14, %dma_wait3A_123] : memref<2560x128xi32, #tpu.memory_space<hbm>> -> memref<40x128xi32, #tpu.memory_space<hbm>>
      tpu.wait_dma2 semaphore(%run_scoped3A_116 : memref<!tpu.dma_semaphore, #tpu.memory_space<semaphore_mem>>) src(%dma_wait3A_124 : memref<40x128xi32, #tpu.memory_space<hbm>>) dst(%arg6 : memref<40x128xi32, #tpu.memory_space<vmem>>)
      tpu.yield
    }) : () -> ()
    "tpu.region"() ({
      %run_scoped3A_116 = tpu.sem_alloc : memref<!tpu.dma_semaphore, #tpu.memory_space<semaphore_mem>>
      %dma_start3A_117 = arith.constant 0 : i32
      %dma_start3A_118 = tpu.memref_slice %arg4[%add3A_14, %dma_start3A_117] : memref<2560x128xi32, #tpu.memory_space<hbm>> -> memref<40x128xi32, #tpu.memory_space<hbm>>
      %dma_start3A_119 = arith.constant 0 : i32
      %dma_start3A_120 = tpu.memref_slice %arg4[%add3A_14, %dma_start3A_119] : memref<2560x128xi32, #tpu.memory_space<hbm>> -> memref<40x128xi32, #tpu.memory_space<hbm>>
      tpu.enqueue_dma source(%dma_start3A_120 : memref<40x128xi32, #tpu.memory_space<hbm>>) target(%arg7 : memref<40x128xi32, #tpu.memory_space<vmem>>) target_semaphore(%run_scoped3A_116 : memref<!tpu.dma_semaphore, #tpu.memory_space<semaphore_mem>>)
      %dma_wait3A_121 = arith.constant 0 : i32
      %dma_wait3A_122 = tpu.memref_slice %arg4[%add3A_14, %dma_wait3A_121] : memref<2560x128xi32, #tpu.memory_space<hbm>> -> memref<40x128xi32, #tpu.memory_space<hbm>>
      %dma_wait3A_123 = arith.constant 0 : i32
      %dma_wait3A_124 = tpu.memref_slice %arg4[%add3A_14, %dma_wait3A_123] : memref<2560x128xi32, #tpu.memory_space<hbm>> -> memref<40x128xi32, #tpu.memory_space<hbm>>
      tpu.wait_dma2 semaphore(%run_scoped3A_116 : memref<!tpu.dma_semaphore, #tpu.memory_space<semaphore_mem>>) src(%dma_wait3A_124 : memref<40x128xi32, #tpu.memory_space<hbm>>) dst(%arg7 : memref<40x128xi32, #tpu.memory_space<vmem>>)
      tpu.yield
    }) : () -> ()
    %dma_start3A = arith.constant 0 : i32
    %dma_start3A_15 = arith.constant 0 : i32
    %dma_start3A_16 = arith.constant 0 : i32
    %dma_start3A_17 = tpu.memref_slice %arg8[%dma_start3A_15, %dma_start3A_16] : memref<256x128xf32, #tpu.memory_space<vmem>> -> memref<128x128xf32, #tpu.memory_space<vmem>>
    %dma_start3A_18 = arith.constant 0 : i32
    %dma_start3A_19 = tpu.memref_slice %arg6[%dma_start3A, %dma_start3A_18] : memref<40x128xi32, #tpu.memory_space<vmem>> -> memref<1x128xi32, #tpu.memory_space<vmem>>
    %dma_start3A_20 = tpu.memref_squeeze %dma_start3A_19 : memref<1x128xi32, #tpu.memory_space<vmem>> -> memref<128xi32, #tpu.memory_space<vmem>>
    %dma_start3A_21 = arith.constant 0 : i32
    %dma_start3A_22 = arith.constant 0 : i32
    %dma_start3A_23 = tpu.memref_slice %arg2[%dma_start3A_21, %dma_start3A_22] : memref<10240x128xf32, #tpu.memory_space<hbm>> -> memref<10240x128xf32, #tpu.memory_space<hbm>>
    tpu.enqueue_indirect_dma source(%dma_start3A_23 : memref<10240x128xf32, #tpu.memory_space<hbm>>) target(%dma_start3A_17 : memref<128x128xf32, #tpu.memory_space<vmem>>) offsets(%dma_start3A_20 : memref<128xi32, #tpu.memory_space<vmem>>) semaphore(%arg10 : memref<!tpu.dma_semaphore, #tpu.memory_space<semaphore_mem>>)
    %dma_start3A_24 = arith.constant 1 : i32
    %dma_start3A_25 = arith.constant 128 : i32
    %dma_start3A_26 = arith.constant 0 : i32
    %dma_start3A_27 = tpu.memref_slice %arg8[%dma_start3A_25, %dma_start3A_26] : memref<256x128xf32, #tpu.memory_space<vmem>> -> memref<128x128xf32, #tpu.memory_space<vmem>>
    %dma_start3A_28 = arith.constant 0 : i32
    %dma_start3A_29 = tpu.memref_slice %arg6[%dma_start3A_24, %dma_start3A_28] : memref<40x128xi32, #tpu.memory_space<vmem>> -> memref<1x128xi32, #tpu.memory_space<vmem>>
    %dma_start3A_30 = tpu.memref_squeeze %dma_start3A_29 : memref<1x128xi32, #tpu.memory_space<vmem>> -> memref<128xi32, #tpu.memory_space<vmem>>
    %dma_start3A_31 = arith.constant 0 : i32
    %dma_start3A_32 = arith.constant 0 : i32
    %dma_start3A_33 = tpu.memref_slice %arg2[%dma_start3A_31, %dma_start3A_32] : memref<10240x128xf32, #tpu.memory_space<hbm>> -> memref<10240x128xf32, #tpu.memory_space<hbm>>
    tpu.enqueue_indirect_dma source(%dma_start3A_33 : memref<10240x128xf32, #tpu.memory_space<hbm>>) target(%dma_start3A_27 : memref<128x128xf32, #tpu.memory_space<vmem>>) offsets(%dma_start3A_30 : memref<128xi32, #tpu.memory_space<vmem>>) semaphore(%arg11 : memref<!tpu.dma_semaphore, #tpu.memory_space<semaphore_mem>>)
    %scan3A_34 = arith.constant 0 : i32
    %scan3A_35 = arith.constant 19 : i32
    %scan3A_36 = arith.addi %scan3A_34, %scan3A_35 : i32
    %scan3A_37 = arith.constant 1 : i32
    scf.for %scan3A_116 = %scan3A_34 to %scan3A_36 step %scan3A_37  : i32 {
      %mul3A_117 = arith.constant 1 : i32
      %mul3A_118 = arith.muli %scan3A_116, %mul3A_117 : i32
      %add3A_119 = arith.constant 0 : i32
      %add3A_120 = arith.addi %add3A_119, %mul3A_118 : i32
      %mul3A_121 = arith.constant 2 : i32
      %mul3A_122 = arith.muli %add3A_120, %mul3A_121 : i32
      %add3A_123 = arith.constant 0 : i32
      %add3A_124 = arith.addi %mul3A_122, %add3A_123 : i32
      %dma_wait3A_125 = arith.constant 0 : i32
      %dma_wait3A_126 = arith.constant 0 : i32
      %dma_wait3A_127 = tpu.memref_slice %arg8[%dma_wait3A_125, %dma_wait3A_126] : memref<256x128xf32, #tpu.memory_space<vmem>> -> memref<128x128xf32, #tpu.memory_space<vmem>>
      %dma_wait3A_128 = arith.constant 0 : i32
      %dma_wait3A_129 = tpu.memref_slice %arg6[%add3A_124, %dma_wait3A_128] : memref<40x128xi32, #tpu.memory_space<vmem>> -> memref<1x128xi32, #tpu.memory_space<vmem>>
      %dma_wait3A_130 = tpu.memref_squeeze %dma_wait3A_129 : memref<1x128xi32, #tpu.memory_space<vmem>> -> memref<128xi32, #tpu.memory_space<vmem>>
      %dma_wait3A_131 = arith.constant 0 : i32
      %dma_wait3A_132 = arith.constant 0 : i32
      %dma_wait3A_133 = tpu.memref_slice %arg2[%dma_wait3A_131, %dma_wait3A_132] : memref<10240x128xf32, #tpu.memory_space<hbm>> -> memref<10240x128xf32, #tpu.memory_space<hbm>>
      tpu.wait_indirect_dma semaphore(%arg10 : memref<!tpu.dma_semaphore, #tpu.memory_space<semaphore_mem>>) src(%dma_wait3A_133 : memref<10240x128xf32, #tpu.memory_space<hbm>>) dst(%dma_wait3A_127 : memref<128x128xf32, #tpu.memory_space<vmem>>)
      "tpu.region"() ({
        %run_scoped3A_169 = tpu.sem_alloc : memref<!tpu.dma_semaphore, #tpu.memory_space<semaphore_mem>>
        %dma_start3A_170 = arith.constant 0 : i32
        %dma_start3A_171 = arith.constant 0 : i32
        %dma_start3A_172 = tpu.memref_slice %arg8[%dma_start3A_170, %dma_start3A_171] : memref<256x128xf32, #tpu.memory_space<vmem>> -> memref<128x128xf32, #tpu.memory_space<vmem>>
        %dma_start3A_173 = arith.constant 0 : i32
        %dma_start3A_174 = tpu.memref_slice %arg7[%add3A_124, %dma_start3A_173] : memref<40x128xi32, #tpu.memory_space<vmem>> -> memref<1x128xi32, #tpu.memory_space<vmem>>
        %dma_start3A_175 = tpu.memref_squeeze %dma_start3A_174 : memref<1x128xi32, #tpu.memory_space<vmem>> -> memref<128xi32, #tpu.memory_space<vmem>>
        %dma_start3A_176 = arith.constant 0 : i32
        %dma_start3A_177 = arith.constant 0 : i32
        %dma_start3A_178 = tpu.memref_slice %arg9[%dma_start3A_176, %dma_start3A_177] : memref<10240x128xf32, #tpu.memory_space<vmem_shared>> -> memref<10240x128xf32, #tpu.memory_space<vmem_shared>>
        tpu.enqueue_indirect_dma source(%dma_start3A_172 : memref<128x128xf32, #tpu.memory_space<vmem>>) target(%dma_start3A_178 : memref<10240x128xf32, #tpu.memory_space<vmem_shared>>) offsets(%dma_start3A_175 : memref<128xi32, #tpu.memory_space<vmem>>) semaphore(%run_scoped3A_169 : memref<!tpu.dma_semaphore, #tpu.memory_space<semaphore_mem>>) {add = true}
        %dma_wait3A_179 = arith.constant 0 : i32
        %dma_wait3A_180 = arith.constant 0 : i32
        %dma_wait3A_181 = tpu.memref_slice %arg8[%dma_wait3A_179, %dma_wait3A_180] : memref<256x128xf32, #tpu.memory_space<vmem>> -> memref<128x128xf32, #tpu.memory_space<vmem>>
        %dma_wait3A_182 = arith.constant 0 : i32
        %dma_wait3A_183 = tpu.memref_slice %arg7[%add3A_124, %dma_wait3A_182] : memref<40x128xi32, #tpu.memory_space<vmem>> -> memref<1x128xi32, #tpu.memory_space<vmem>>
        %dma_wait3A_184 = tpu.memref_squeeze %dma_wait3A_183 : memref<1x128xi32, #tpu.memory_space<vmem>> -> memref<128xi32, #tpu.memory_space<vmem>>
        %dma_wait3A_185 = arith.constant 0 : i32
        %dma_wait3A_186 = arith.constant 0 : i32
        %dma_wait3A_187 = tpu.memref_slice %arg9[%dma_wait3A_185, %dma_wait3A_186] : memref<10240x128xf32, #tpu.memory_space<vmem_shared>> -> memref<10240x128xf32, #tpu.memory_space<vmem_shared>>
        tpu.wait_indirect_dma semaphore(%run_scoped3A_169 : memref<!tpu.dma_semaphore, #tpu.memory_space<semaphore_mem>>) src(%dma_wait3A_181 : memref<128x128xf32, #tpu.memory_space<vmem>>) dst(%dma_wait3A_187 : memref<10240x128xf32, #tpu.memory_space<vmem_shared>>)
        tpu.yield
      }) : () -> ()
      %add3A_134 = arith.constant 2 : i32
      %add3A_135 = arith.addi %add3A_124, %add3A_134 : i32
      %dma_start3A_136 = arith.constant 0 : i32
      %dma_start3A_137 = arith.constant 0 : i32
      %dma_start3A_138 = tpu.memref_slice %arg8[%dma_start3A_136, %dma_start3A_137] : memref<256x128xf32, #tpu.memory_space<vmem>> -> memref<128x128xf32, #tpu.memory_space<vmem>>
      %dma_start3A_139 = arith.constant 0 : i32
      %dma_start3A_140 = tpu.memref_slice %arg6[%add3A_135, %dma_start3A_139] : memref<40x128xi32, #tpu.memory_space<vmem>> -> memref<1x128xi32, #tpu.memory_space<vmem>>
      %dma_start3A_141 = tpu.memref_squeeze %dma_start3A_140 : memref<1x128xi32, #tpu.memory_space<vmem>> -> memref<128xi32, #tpu.memory_space<vmem>>
      %dma_start3A_142 = arith.constant 0 : i32
      %dma_start3A_143 = arith.constant 0 : i32
      %dma_start3A_144 = tpu.memref_slice %arg2[%dma_start3A_142, %dma_start3A_143] : memref<10240x128xf32, #tpu.memory_space<hbm>> -> memref<10240x128xf32, #tpu.memory_space<hbm>>
      tpu.enqueue_indirect_dma source(%dma_start3A_144 : memref<10240x128xf32, #tpu.memory_space<hbm>>) target(%dma_start3A_138 : memref<128x128xf32, #tpu.memory_space<vmem>>) offsets(%dma_start3A_141 : memref<128xi32, #tpu.memory_space<vmem>>) semaphore(%arg10 : memref<!tpu.dma_semaphore, #tpu.memory_space<semaphore_mem>>)
      %mul3A_145 = arith.constant 2 : i32
      %mul3A_146 = arith.muli %add3A_120, %mul3A_145 : i32
      %add3A_147 = arith.constant 1 : i32
      %add3A_148 = arith.addi %mul3A_146, %add3A_147 : i32
      %dma_wait3A_149 = arith.constant 128 : i32
      %dma_wait3A_150 = arith.constant 0 : i32
      %dma_wait3A_151 = tpu.memref_slice %arg8[%dma_wait3A_149, %dma_wait3A_150] : memref<256x128xf32, #tpu.memory_space<vmem>> -> memref<128x128xf32, #tpu.memory_space<vmem>>
      %dma_wait3A_152 = arith.constant 0 : i32
      %dma_wait3A_153 = tpu.memref_slice %arg6[%add3A_148, %dma_wait3A_152] : memref<40x128xi32, #tpu.memory_space<vmem>> -> memref<1x128xi32, #tpu.memory_space<vmem>>
      %dma_wait3A_154 = tpu.memref_squeeze %dma_wait3A_153 : memref<1x128xi32, #tpu.memory_space<vmem>> -> memref<128xi32, #tpu.memory_space<vmem>>
      %dma_wait3A_155 = arith.constant 0 : i32
      %dma_wait3A_156 = arith.constant 0 : i32
      %dma_wait3A_157 = tpu.memref_slice %arg2[%dma_wait3A_155, %dma_wait3A_156] : memref<10240x128xf32, #tpu.memory_space<hbm>> -> memref<10240x128xf32, #tpu.memory_space<hbm>>
      tpu.wait_indirect_dma semaphore(%arg11 : memref<!tpu.dma_semaphore, #tpu.memory_space<semaphore_mem>>) src(%dma_wait3A_157 : memref<10240x128xf32, #tpu.memory_space<hbm>>) dst(%dma_wait3A_151 : memref<128x128xf32, #tpu.memory_space<vmem>>)
      "tpu.region"() ({
        %run_scoped3A_169 = tpu.sem_alloc : memref<!tpu.dma_semaphore, #tpu.memory_space<semaphore_mem>>
        %dma_start3A_170 = arith.constant 128 : i32
        %dma_start3A_171 = arith.constant 0 : i32
        %dma_start3A_172 = tpu.memref_slice %arg8[%dma_start3A_170, %dma_start3A_171] : memref<256x128xf32, #tpu.memory_space<vmem>> -> memref<128x128xf32, #tpu.memory_space<vmem>>
        %dma_start3A_173 = arith.constant 0 : i32
        %dma_start3A_174 = tpu.memref_slice %arg7[%add3A_148, %dma_start3A_173] : memref<40x128xi32, #tpu.memory_space<vmem>> -> memref<1x128xi32, #tpu.memory_space<vmem>>
        %dma_start3A_175 = tpu.memref_squeeze %dma_start3A_174 : memref<1x128xi32, #tpu.memory_space<vmem>> -> memref<128xi32, #tpu.memory_space<vmem>>
        %dma_start3A_176 = arith.constant 0 : i32
        %dma_start3A_177 = arith.constant 0 : i32
        %dma_start3A_178 = tpu.memref_slice %arg9[%dma_start3A_176, %dma_start3A_177] : memref<10240x128xf32, #tpu.memory_space<vmem_shared>> -> memref<10240x128xf32, #tpu.memory_space<vmem_shared>>
        tpu.enqueue_indirect_dma source(%dma_start3A_172 : memref<128x128xf32, #tpu.memory_space<vmem>>) target(%dma_start3A_178 : memref<10240x128xf32, #tpu.memory_space<vmem_shared>>) offsets(%dma_start3A_175 : memref<128xi32, #tpu.memory_space<vmem>>) semaphore(%run_scoped3A_169 : memref<!tpu.dma_semaphore, #tpu.memory_space<semaphore_mem>>) {add = true}
        %dma_wait3A_179 = arith.constant 128 : i32
        %dma_wait3A_180 = arith.constant 0 : i32
        %dma_wait3A_181 = tpu.memref_slice %arg8[%dma_wait3A_179, %dma_wait3A_180] : memref<256x128xf32, #tpu.memory_space<vmem>> -> memref<128x128xf32, #tpu.memory_space<vmem>>
        %dma_wait3A_182 = arith.constant 0 : i32
        %dma_wait3A_183 = tpu.memref_slice %arg7[%add3A_148, %dma_wait3A_182] : memref<40x128xi32, #tpu.memory_space<vmem>> -> memref<1x128xi32, #tpu.memory_space<vmem>>
        %dma_wait3A_184 = tpu.memref_squeeze %dma_wait3A_183 : memref<1x128xi32, #tpu.memory_space<vmem>> -> memref<128xi32, #tpu.memory_space<vmem>>
        %dma_wait3A_185 = arith.constant 0 : i32
        %dma_wait3A_186 = arith.constant 0 : i32
        %dma_wait3A_187 = tpu.memref_slice %arg9[%dma_wait3A_185, %dma_wait3A_186] : memref<10240x128xf32, #tpu.memory_space<vmem_shared>> -> memref<10240x128xf32, #tpu.memory_space<vmem_shared>>
        tpu.wait_indirect_dma semaphore(%run_scoped3A_169 : memref<!tpu.dma_semaphore, #tpu.memory_space<semaphore_mem>>) src(%dma_wait3A_181 : memref<128x128xf32, #tpu.memory_space<vmem>>) dst(%dma_wait3A_187 : memref<10240x128xf32, #tpu.memory_space<vmem_shared>>)
        tpu.yield
      }) : () -> ()
      %add3A_158 = arith.constant 2 : i32
      %add3A_159 = arith.addi %add3A_148, %add3A_158 : i32
      %dma_start3A_160 = arith.constant 128 : i32
      %dma_start3A_161 = arith.constant 0 : i32
      %dma_start3A_162 = tpu.memref_slice %arg8[%dma_start3A_160, %dma_start3A_161] : memref<256x128xf32, #tpu.memory_space<vmem>> -> memref<128x128xf32, #tpu.memory_space<vmem>>
      %dma_start3A_163 = arith.constant 0 : i32
      %dma_start3A_164 = tpu.memref_slice %arg6[%add3A_159, %dma_start3A_163] : memref<40x128xi32, #tpu.memory_space<vmem>> -> memref<1x128xi32, #tpu.memory_space<vmem>>
      %dma_start3A_165 = tpu.memref_squeeze %dma_start3A_164 : memref<1x128xi32, #tpu.memory_space<vmem>> -> memref<128xi32, #tpu.memory_space<vmem>>
      %dma_start3A_166 = arith.constant 0 : i32
      %dma_start3A_167 = arith.constant 0 : i32
      %dma_start3A_168 = tpu.memref_slice %arg2[%dma_start3A_166, %dma_start3A_167] : memref<10240x128xf32, #tpu.memory_space<hbm>> -> memref<10240x128xf32, #tpu.memory_space<hbm>>
      tpu.enqueue_indirect_dma source(%dma_start3A_168 : memref<10240x128xf32, #tpu.memory_space<hbm>>) target(%dma_start3A_162 : memref<128x128xf32, #tpu.memory_space<vmem>>) offsets(%dma_start3A_165 : memref<128xi32, #tpu.memory_space<vmem>>) semaphore(%arg11 : memref<!tpu.dma_semaphore, #tpu.memory_space<semaphore_mem>>)
    }
    %scan3A_38 = arith.constant 19 : i32
    %dma_wait3A = arith.constant 38 : i32
    %dma_wait3A_39 = arith.constant 0 : i32
    %dma_wait3A_40 = arith.constant 0 : i32
    %dma_wait3A_41 = tpu.memref_slice %arg8[%dma_wait3A_39, %dma_wait3A_40] : memref<256x128xf32, #tpu.memory_space<vmem>> -> memref<128x128xf32, #tpu.memory_space<vmem>>
    %dma_wait3A_42 = arith.constant 0 : i32
    %dma_wait3A_43 = tpu.memref_slice %arg6[%dma_wait3A, %dma_wait3A_42] : memref<40x128xi32, #tpu.memory_space<vmem>> -> memref<1x128xi32, #tpu.memory_space<vmem>>
    %dma_wait3A_44 = tpu.memref_squeeze %dma_wait3A_43 : memref<1x128xi32, #tpu.memory_space<vmem>> -> memref<128xi32, #tpu.memory_space<vmem>>
    %dma_wait3A_45 = arith.constant 0 : i32
    %dma_wait3A_46 = arith.constant 0 : i32
    %dma_wait3A_47 = tpu.memref_slice %arg2[%dma_wait3A_45, %dma_wait3A_46] : memref<10240x128xf32, #tpu.memory_space<hbm>> -> memref<10240x128xf32, #tpu.memory_space<hbm>>
    tpu.wait_indirect_dma semaphore(%arg10 : memref<!tpu.dma_semaphore, #tpu.memory_space<semaphore_mem>>) src(%dma_wait3A_47 : memref<10240x128xf32, #tpu.memory_space<hbm>>) dst(%dma_wait3A_41 : memref<128x128xf32, #tpu.memory_space<vmem>>)
    %run_scoped3A = arith.constant 38 : i32
    "tpu.region"() ({
      %run_scoped3A_116 = tpu.sem_alloc : memref<!tpu.dma_semaphore, #tpu.memory_space<semaphore_mem>>
      %dma_start3A_117 = arith.constant 0 : i32
      %dma_start3A_118 = arith.constant 0 : i32
      %dma_start3A_119 = tpu.memref_slice %arg8[%dma_start3A_117, %dma_start3A_118] : memref<256x128xf32, #tpu.memory_space<vmem>> -> memref<128x128xf32, #tpu.memory_space<vmem>>
      %dma_start3A_120 = arith.constant 0 : i32
      %dma_start3A_121 = tpu.memref_slice %arg7[%run_scoped3A, %dma_start3A_120] : memref<40x128xi32, #tpu.memory_space<vmem>> -> memref<1x128xi32, #tpu.memory_space<vmem>>
      %dma_start3A_122 = tpu.memref_squeeze %dma_start3A_121 : memref<1x128xi32, #tpu.memory_space<vmem>> -> memref<128xi32, #tpu.memory_space<vmem>>
      %dma_start3A_123 = arith.constant 0 : i32
      %dma_start3A_124 = arith.constant 0 : i32
      %dma_start3A_125 = tpu.memref_slice %arg9[%dma_start3A_123, %dma_start3A_124] : memref<10240x128xf32, #tpu.memory_space<vmem_shared>> -> memref<10240x128xf32, #tpu.memory_space<vmem_shared>>
      tpu.enqueue_indirect_dma source(%dma_start3A_119 : memref<128x128xf32, #tpu.memory_space<vmem>>) target(%dma_start3A_125 : memref<10240x128xf32, #tpu.memory_space<vmem_shared>>) offsets(%dma_start3A_122 : memref<128xi32, #tpu.memory_space<vmem>>) semaphore(%run_scoped3A_116 : memref<!tpu.dma_semaphore, #tpu.memory_space<semaphore_mem>>) {add = true}
      %dma_wait3A_126 = arith.constant 0 : i32
      %dma_wait3A_127 = arith.constant 0 : i32
      %dma_wait3A_128 = tpu.memref_slice %arg8[%dma_wait3A_126, %dma_wait3A_127] : memref<256x128xf32, #tpu.memory_space<vmem>> -> memref<128x128xf32, #tpu.memory_space<vmem>>
      %dma_wait3A_129 = arith.constant 0 : i32
      %dma_wait3A_130 = tpu.memref_slice %arg7[%run_scoped3A, %dma_wait3A_129] : memref<40x128xi32, #tpu.memory_space<vmem>> -> memref<1x128xi32, #tpu.memory_space<vmem>>
      %dma_wait3A_131 = tpu.memref_squeeze %dma_wait3A_130 : memref<1x128xi32, #tpu.memory_space<vmem>> -> memref<128xi32, #tpu.memory_space<vmem>>
      %dma_wait3A_132 = arith.constant 0 : i32
      %dma_wait3A_133 = arith.constant 0 : i32
      %dma_wait3A_134 = tpu.memref_slice %arg9[%dma_wait3A_132, %dma_wait3A_133] : memref<10240x128xf32, #tpu.memory_space<vmem_shared>> -> memref<10240x128xf32, #tpu.memory_space<vmem_shared>>
      tpu.wait_indirect_dma semaphore(%run_scoped3A_116 : memref<!tpu.dma_semaphore, #tpu.memory_space<semaphore_mem>>) src(%dma_wait3A_128 : memref<128x128xf32, #tpu.memory_space<vmem>>) dst(%dma_wait3A_134 : memref<10240x128xf32, #tpu.memory_space<vmem_shared>>)
      tpu.yield
    }) : () -> ()
    %dma_wait3A_48 = arith.constant 39 : i32
    %dma_wait3A_49 = arith.constant 128 : i32
    %dma_wait3A_50 = arith.constant 0 : i32
    %dma_wait3A_51 = tpu.memref_slice %arg8[%dma_wait3A_49, %dma_wait3A_50] : memref<256x128xf32, #tpu.memory_space<vmem>> -> memref<128x128xf32, #tpu.memory_space<vmem>>
    %dma_wait3A_52 = arith.constant 0 : i32
    %dma_wait3A_53 = tpu.memref_slice %arg6[%dma_wait3A_48, %dma_wait3A_52] : memref<40x128xi32, #tpu.memory_space<vmem>> -> memref<1x128xi32, #tpu.memory_space<vmem>>
    %dma_wait3A_54 = tpu.memref_squeeze %dma_wait3A_53 : memref<1x128xi32, #tpu.memory_space<vmem>> -> memref<128xi32, #tpu.memory_space<vmem>>
    %dma_wait3A_55 = arith.constant 0 : i32
    %dma_wait3A_56 = arith.constant 0 : i32
    %dma_wait3A_57 = tpu.memref_slice %arg2[%dma_wait3A_55, %dma_wait3A_56] : memref<10240x128xf32, #tpu.memory_space<hbm>> -> memref<10240x128xf32, #tpu.memory_space<hbm>>
    tpu.wait_indirect_dma semaphore(%arg11 : memref<!tpu.dma_semaphore, #tpu.memory_space<semaphore_mem>>) src(%dma_wait3A_57 : memref<10240x128xf32, #tpu.memory_space<hbm>>) dst(%dma_wait3A_51 : memref<128x128xf32, #tpu.memory_space<vmem>>)
    %run_scoped3A_58 = arith.constant 39 : i32
    "tpu.region"() ({
      %run_scoped3A_116 = tpu.sem_alloc : memref<!tpu.dma_semaphore, #tpu.memory_space<semaphore_mem>>
      %dma_start3A_117 = arith.constant 128 : i32
      %dma_start3A_118 = arith.constant 0 : i32
      %dma_start3A_119 = tpu.memref_slice %arg8[%dma_start3A_117, %dma_start3A_118] : memref<256x128xf32, #tpu.memory_space<vmem>> -> memref<128x128xf32, #tpu.memory_space<vmem>>
      %dma_start3A_120 = arith.constant 0 : i32
      %dma_start3A_121 = tpu.memref_slice %arg7[%run_scoped3A_58, %dma_start3A_120] : memref<40x128xi32, #tpu.memory_space<vmem>> -> memref<1x128xi32, #tpu.memory_space<vmem>>
      %dma_start3A_122 = tpu.memref_squeeze %dma_start3A_121 : memref<1x128xi32, #tpu.memory_space<vmem>> -> memref<128xi32, #tpu.memory_space<vmem>>
      %dma_start3A_123 = arith.constant 0 : i32
      %dma_start3A_124 = arith.constant 0 : i32
      %dma_start3A_125 = tpu.memref_slice %arg9[%dma_start3A_123, %dma_start3A_124] : memref<10240x128xf32, #tpu.memory_space<vmem_shared>> -> memref<10240x128xf32, #tpu.memory_space<vmem_shared>>
      tpu.enqueue_indirect_dma source(%dma_start3A_119 : memref<128x128xf32, #tpu.memory_space<vmem>>) target(%dma_start3A_125 : memref<10240x128xf32, #tpu.memory_space<vmem_shared>>) offsets(%dma_start3A_122 : memref<128xi32, #tpu.memory_space<vmem>>) semaphore(%run_scoped3A_116 : memref<!tpu.dma_semaphore, #tpu.memory_space<semaphore_mem>>) {add = true}
      %dma_wait3A_126 = arith.constant 128 : i32
      %dma_wait3A_127 = arith.constant 0 : i32
      %dma_wait3A_128 = tpu.memref_slice %arg8[%dma_wait3A_126, %dma_wait3A_127] : memref<256x128xf32, #tpu.memory_space<vmem>> -> memref<128x128xf32, #tpu.memory_space<vmem>>
      %dma_wait3A_129 = arith.constant 0 : i32
      %dma_wait3A_130 = tpu.memref_slice %arg7[%run_scoped3A_58, %dma_wait3A_129] : memref<40x128xi32, #tpu.memory_space<vmem>> -> memref<1x128xi32, #tpu.memory_space<vmem>>
      %dma_wait3A_131 = tpu.memref_squeeze %dma_wait3A_130 : memref<1x128xi32, #tpu.memory_space<vmem>> -> memref<128xi32, #tpu.memory_space<vmem>>
      %dma_wait3A_132 = arith.constant 0 : i32
      %dma_wait3A_133 = arith.constant 0 : i32
      %dma_wait3A_134 = tpu.memref_slice %arg9[%dma_wait3A_132, %dma_wait3A_133] : memref<10240x128xf32, #tpu.memory_space<vmem_shared>> -> memref<10240x128xf32, #tpu.memory_space<vmem_shared>>
      tpu.wait_indirect_dma semaphore(%run_scoped3A_116 : memref<!tpu.dma_semaphore, #tpu.memory_space<semaphore_mem>>) src(%dma_wait3A_128 : memref<128x128xf32, #tpu.memory_space<vmem>>) dst(%dma_wait3A_134 : memref<10240x128xf32, #tpu.memory_space<vmem_shared>>)
      tpu.yield
    }) : () -> ()
    %mul3A_59 = arith.constant 80 : i32
    %mul3A_60 = arith.muli %add3A, %mul3A_59 : i32
    %add3A_61 = arith.constant 40 : i32
    %add3A_62 = arith.addi %mul3A_60, %add3A_61 : i32
    "tpu.region"() ({
      %run_scoped3A_116 = tpu.sem_alloc : memref<!tpu.dma_semaphore, #tpu.memory_space<semaphore_mem>>
      %dma_start3A_117 = arith.constant 0 : i32
      %dma_start3A_118 = tpu.memref_slice %arg3[%add3A_62, %dma_start3A_117] : memref<2560x128xi32, #tpu.memory_space<hbm>> -> memref<40x128xi32, #tpu.memory_space<hbm>>
      %dma_start3A_119 = arith.constant 0 : i32
      %dma_start3A_120 = tpu.memref_slice %arg3[%add3A_62, %dma_start3A_119] : memref<2560x128xi32, #tpu.memory_space<hbm>> -> memref<40x128xi32, #tpu.memory_space<hbm>>
      tpu.enqueue_dma source(%dma_start3A_120 : memref<40x128xi32, #tpu.memory_space<hbm>>) target(%arg6 : memref<40x128xi32, #tpu.memory_space<vmem>>) target_semaphore(%run_scoped3A_116 : memref<!tpu.dma_semaphore, #tpu.memory_space<semaphore_mem>>)
      %dma_wait3A_121 = arith.constant 0 : i32
      %dma_wait3A_122 = tpu.memref_slice %arg3[%add3A_62, %dma_wait3A_121] : memref<2560x128xi32, #tpu.memory_space<hbm>> -> memref<40x128xi32, #tpu.memory_space<hbm>>
      %dma_wait3A_123 = arith.constant 0 : i32
      %dma_wait3A_124 = tpu.memref_slice %arg3[%add3A_62, %dma_wait3A_123] : memref<2560x128xi32, #tpu.memory_space<hbm>> -> memref<40x128xi32, #tpu.memory_space<hbm>>
      tpu.wait_dma2 semaphore(%run_scoped3A_116 : memref<!tpu.dma_semaphore, #tpu.memory_space<semaphore_mem>>) src(%dma_wait3A_124 : memref<40x128xi32, #tpu.memory_space<hbm>>) dst(%arg6 : memref<40x128xi32, #tpu.memory_space<vmem>>)
      tpu.yield
    }) : () -> ()
    "tpu.region"() ({
      %run_scoped3A_116 = tpu.sem_alloc : memref<!tpu.dma_semaphore, #tpu.memory_space<semaphore_mem>>
      %dma_start3A_117 = arith.constant 0 : i32
      %dma_start3A_118 = tpu.memref_slice %arg4[%add3A_62, %dma_start3A_117] : memref<2560x128xi32, #tpu.memory_space<hbm>> -> memref<40x128xi32, #tpu.memory_space<hbm>>
      %dma_start3A_119 = arith.constant 0 : i32
      %dma_start3A_120 = tpu.memref_slice %arg4[%add3A_62, %dma_start3A_119] : memref<2560x128xi32, #tpu.memory_space<hbm>> -> memref<40x128xi32, #tpu.memory_space<hbm>>
      tpu.enqueue_dma source(%dma_start3A_120 : memref<40x128xi32, #tpu.memory_space<hbm>>) target(%arg7 : memref<40x128xi32, #tpu.memory_space<vmem>>) target_semaphore(%run_scoped3A_116 : memref<!tpu.dma_semaphore, #tpu.memory_space<semaphore_mem>>)
      %dma_wait3A_121 = arith.constant 0 : i32
      %dma_wait3A_122 = tpu.memref_slice %arg4[%add3A_62, %dma_wait3A_121] : memref<2560x128xi32, #tpu.memory_space<hbm>> -> memref<40x128xi32, #tpu.memory_space<hbm>>
      %dma_wait3A_123 = arith.constant 0 : i32
      %dma_wait3A_124 = tpu.memref_slice %arg4[%add3A_62, %dma_wait3A_123] : memref<2560x128xi32, #tpu.memory_space<hbm>> -> memref<40x128xi32, #tpu.memory_space<hbm>>
      tpu.wait_dma2 semaphore(%run_scoped3A_116 : memref<!tpu.dma_semaphore, #tpu.memory_space<semaphore_mem>>) src(%dma_wait3A_124 : memref<40x128xi32, #tpu.memory_space<hbm>>) dst(%arg7 : memref<40x128xi32, #tpu.memory_space<vmem>>)
      tpu.yield
    }) : () -> ()
    %dma_start3A_63 = arith.constant 0 : i32
    %dma_start3A_64 = arith.constant 0 : i32
    %dma_start3A_65 = arith.constant 0 : i32
    %dma_start3A_66 = tpu.memref_slice %arg8[%dma_start3A_64, %dma_start3A_65] : memref<256x128xf32, #tpu.memory_space<vmem>> -> memref<128x128xf32, #tpu.memory_space<vmem>>
    %dma_start3A_67 = arith.constant 0 : i32
    %dma_start3A_68 = tpu.memref_slice %arg6[%dma_start3A_63, %dma_start3A_67] : memref<40x128xi32, #tpu.memory_space<vmem>> -> memref<1x128xi32, #tpu.memory_space<vmem>>
    %dma_start3A_69 = tpu.memref_squeeze %dma_start3A_68 : memref<1x128xi32, #tpu.memory_space<vmem>> -> memref<128xi32, #tpu.memory_space<vmem>>
    %dma_start3A_70 = arith.constant 0 : i32
    %dma_start3A_71 = arith.constant 0 : i32
    %dma_start3A_72 = tpu.memref_slice %arg2[%dma_start3A_70, %dma_start3A_71] : memref<10240x128xf32, #tpu.memory_space<hbm>> -> memref<10240x128xf32, #tpu.memory_space<hbm>>
    tpu.enqueue_indirect_dma source(%dma_start3A_72 : memref<10240x128xf32, #tpu.memory_space<hbm>>) target(%dma_start3A_66 : memref<128x128xf32, #tpu.memory_space<vmem>>) offsets(%dma_start3A_69 : memref<128xi32, #tpu.memory_space<vmem>>) semaphore(%arg10 : memref<!tpu.dma_semaphore, #tpu.memory_space<semaphore_mem>>)
    %dma_start3A_73 = arith.constant 1 : i32
    %dma_start3A_74 = arith.constant 128 : i32
    %dma_start3A_75 = arith.constant 0 : i32
    %dma_start3A_76 = tpu.memref_slice %arg8[%dma_start3A_74, %dma_start3A_75] : memref<256x128xf32, #tpu.memory_space<vmem>> -> memref<128x128xf32, #tpu.memory_space<vmem>>
    %dma_start3A_77 = arith.constant 0 : i32
    %dma_start3A_78 = tpu.memref_slice %arg6[%dma_start3A_73, %dma_start3A_77] : memref<40x128xi32, #tpu.memory_space<vmem>> -> memref<1x128xi32, #tpu.memory_space<vmem>>
    %dma_start3A_79 = tpu.memref_squeeze %dma_start3A_78 : memref<1x128xi32, #tpu.memory_space<vmem>> -> memref<128xi32, #tpu.memory_space<vmem>>
    %dma_start3A_80 = arith.constant 0 : i32
    %dma_start3A_81 = arith.constant 0 : i32
    %dma_start3A_82 = tpu.memref_slice %arg2[%dma_start3A_80, %dma_start3A_81] : memref<10240x128xf32, #tpu.memory_space<hbm>> -> memref<10240x128xf32, #tpu.memory_space<hbm>>
    tpu.enqueue_indirect_dma source(%dma_start3A_82 : memref<10240x128xf32, #tpu.memory_space<hbm>>) target(%dma_start3A_76 : memref<128x128xf32, #tpu.memory_space<vmem>>) offsets(%dma_start3A_79 : memref<128xi32, #tpu.memory_space<vmem>>) semaphore(%arg11 : memref<!tpu.dma_semaphore, #tpu.memory_space<semaphore_mem>>)
    %scan3A_83 = arith.constant 0 : i32
    %scan3A_84 = arith.constant 19 : i32
    %scan3A_85 = arith.addi %scan3A_83, %scan3A_84 : i32
    %scan3A_86 = arith.constant 1 : i32
    scf.for %scan3A_116 = %scan3A_83 to %scan3A_85 step %scan3A_86  : i32 {
      %mul3A_117 = arith.constant 1 : i32
      %mul3A_118 = arith.muli %scan3A_116, %mul3A_117 : i32
      %add3A_119 = arith.constant 0 : i32
      %add3A_120 = arith.addi %add3A_119, %mul3A_118 : i32
      %mul3A_121 = arith.constant 2 : i32
      %mul3A_122 = arith.muli %add3A_120, %mul3A_121 : i32
      %add3A_123 = arith.constant 0 : i32
      %add3A_124 = arith.addi %mul3A_122, %add3A_123 : i32
      %dma_wait3A_125 = arith.constant 0 : i32
      %dma_wait3A_126 = arith.constant 0 : i32
      %dma_wait3A_127 = tpu.memref_slice %arg8[%dma_wait3A_125, %dma_wait3A_126] : memref<256x128xf32, #tpu.memory_space<vmem>> -> memref<128x128xf32, #tpu.memory_space<vmem>>
      %dma_wait3A_128 = arith.constant 0 : i32
      %dma_wait3A_129 = tpu.memref_slice %arg6[%add3A_124, %dma_wait3A_128] : memref<40x128xi32, #tpu.memory_space<vmem>> -> memref<1x128xi32, #tpu.memory_space<vmem>>
      %dma_wait3A_130 = tpu.memref_squeeze %dma_wait3A_129 : memref<1x128xi32, #tpu.memory_space<vmem>> -> memref<128xi32, #tpu.memory_space<vmem>>
      %dma_wait3A_131 = arith.constant 0 : i32
      %dma_wait3A_132 = arith.constant 0 : i32
      %dma_wait3A_133 = tpu.memref_slice %arg2[%dma_wait3A_131, %dma_wait3A_132] : memref<10240x128xf32, #tpu.memory_space<hbm>> -> memref<10240x128xf32, #tpu.memory_space<hbm>>
      tpu.wait_indirect_dma semaphore(%arg10 : memref<!tpu.dma_semaphore, #tpu.memory_space<semaphore_mem>>) src(%dma_wait3A_133 : memref<10240x128xf32, #tpu.memory_space<hbm>>) dst(%dma_wait3A_127 : memref<128x128xf32, #tpu.memory_space<vmem>>)
      "tpu.region"() ({
        %run_scoped3A_169 = tpu.sem_alloc : memref<!tpu.dma_semaphore, #tpu.memory_space<semaphore_mem>>
        %dma_start3A_170 = arith.constant 0 : i32
        %dma_start3A_171 = arith.constant 0 : i32
        %dma_start3A_172 = tpu.memref_slice %arg8[%dma_start3A_170, %dma_start3A_171] : memref<256x128xf32, #tpu.memory_space<vmem>> -> memref<128x128xf32, #tpu.memory_space<vmem>>
        %dma_start3A_173 = arith.constant 0 : i32
        %dma_start3A_174 = tpu.memref_slice %arg7[%add3A_124, %dma_start3A_173] : memref<40x128xi32, #tpu.memory_space<vmem>> -> memref<1x128xi32, #tpu.memory_space<vmem>>
        %dma_start3A_175 = tpu.memref_squeeze %dma_start3A_174 : memref<1x128xi32, #tpu.memory_space<vmem>> -> memref<128xi32, #tpu.memory_space<vmem>>
        %dma_start3A_176 = arith.constant 0 : i32
        %dma_start3A_177 = arith.constant 0 : i32
        %dma_start3A_178 = tpu.memref_slice %arg9[%dma_start3A_176, %dma_start3A_177] : memref<10240x128xf32, #tpu.memory_space<vmem_shared>> -> memref<10240x128xf32, #tpu.memory_space<vmem_shared>>
        tpu.enqueue_indirect_dma source(%dma_start3A_172 : memref<128x128xf32, #tpu.memory_space<vmem>>) target(%dma_start3A_178 : memref<10240x128xf32, #tpu.memory_space<vmem_shared>>) offsets(%dma_start3A_175 : memref<128xi32, #tpu.memory_space<vmem>>) semaphore(%run_scoped3A_169 : memref<!tpu.dma_semaphore, #tpu.memory_space<semaphore_mem>>) {add = true}
        %dma_wait3A_179 = arith.constant 0 : i32
        %dma_wait3A_180 = arith.constant 0 : i32
        %dma_wait3A_181 = tpu.memref_slice %arg8[%dma_wait3A_179, %dma_wait3A_180] : memref<256x128xf32, #tpu.memory_space<vmem>> -> memref<128x128xf32, #tpu.memory_space<vmem>>
        %dma_wait3A_182 = arith.constant 0 : i32
        %dma_wait3A_183 = tpu.memref_slice %arg7[%add3A_124, %dma_wait3A_182] : memref<40x128xi32, #tpu.memory_space<vmem>> -> memref<1x128xi32, #tpu.memory_space<vmem>>
        %dma_wait3A_184 = tpu.memref_squeeze %dma_wait3A_183 : memref<1x128xi32, #tpu.memory_space<vmem>> -> memref<128xi32, #tpu.memory_space<vmem>>
        %dma_wait3A_185 = arith.constant 0 : i32
        %dma_wait3A_186 = arith.constant 0 : i32
        %dma_wait3A_187 = tpu.memref_slice %arg9[%dma_wait3A_185, %dma_wait3A_186] : memref<10240x128xf32, #tpu.memory_space<vmem_shared>> -> memref<10240x128xf32, #tpu.memory_space<vmem_shared>>
        tpu.wait_indirect_dma semaphore(%run_scoped3A_169 : memref<!tpu.dma_semaphore, #tpu.memory_space<semaphore_mem>>) src(%dma_wait3A_181 : memref<128x128xf32, #tpu.memory_space<vmem>>) dst(%dma_wait3A_187 : memref<10240x128xf32, #tpu.memory_space<vmem_shared>>)
        tpu.yield
      }) : () -> ()
      %add3A_134 = arith.constant 2 : i32
      %add3A_135 = arith.addi %add3A_124, %add3A_134 : i32
      %dma_start3A_136 = arith.constant 0 : i32
      %dma_start3A_137 = arith.constant 0 : i32
      %dma_start3A_138 = tpu.memref_slice %arg8[%dma_start3A_136, %dma_start3A_137] : memref<256x128xf32, #tpu.memory_space<vmem>> -> memref<128x128xf32, #tpu.memory_space<vmem>>
      %dma_start3A_139 = arith.constant 0 : i32
      %dma_start3A_140 = tpu.memref_slice %arg6[%add3A_135, %dma_start3A_139] : memref<40x128xi32, #tpu.memory_space<vmem>> -> memref<1x128xi32, #tpu.memory_space<vmem>>
      %dma_start3A_141 = tpu.memref_squeeze %dma_start3A_140 : memref<1x128xi32, #tpu.memory_space<vmem>> -> memref<128xi32, #tpu.memory_space<vmem>>
      %dma_start3A_142 = arith.constant 0 : i32
      %dma_start3A_143 = arith.constant 0 : i32
      %dma_start3A_144 = tpu.memref_slice %arg2[%dma_start3A_142, %dma_start3A_143] : memref<10240x128xf32, #tpu.memory_space<hbm>> -> memref<10240x128xf32, #tpu.memory_space<hbm>>
      tpu.enqueue_indirect_dma source(%dma_start3A_144 : memref<10240x128xf32, #tpu.memory_space<hbm>>) target(%dma_start3A_138 : memref<128x128xf32, #tpu.memory_space<vmem>>) offsets(%dma_start3A_141 : memref<128xi32, #tpu.memory_space<vmem>>) semaphore(%arg10 : memref<!tpu.dma_semaphore, #tpu.memory_space<semaphore_mem>>)
      %mul3A_145 = arith.constant 2 : i32
      %mul3A_146 = arith.muli %add3A_120, %mul3A_145 : i32
      %add3A_147 = arith.constant 1 : i32
      %add3A_148 = arith.addi %mul3A_146, %add3A_147 : i32
      %dma_wait3A_149 = arith.constant 128 : i32
      %dma_wait3A_150 = arith.constant 0 : i32
      %dma_wait3A_151 = tpu.memref_slice %arg8[%dma_wait3A_149, %dma_wait3A_150] : memref<256x128xf32, #tpu.memory_space<vmem>> -> memref<128x128xf32, #tpu.memory_space<vmem>>
      %dma_wait3A_152 = arith.constant 0 : i32
      %dma_wait3A_153 = tpu.memref_slice %arg6[%add3A_148, %dma_wait3A_152] : memref<40x128xi32, #tpu.memory_space<vmem>> -> memref<1x128xi32, #tpu.memory_space<vmem>>
      %dma_wait3A_154 = tpu.memref_squeeze %dma_wait3A_153 : memref<1x128xi32, #tpu.memory_space<vmem>> -> memref<128xi32, #tpu.memory_space<vmem>>
      %dma_wait3A_155 = arith.constant 0 : i32
      %dma_wait3A_156 = arith.constant 0 : i32
      %dma_wait3A_157 = tpu.memref_slice %arg2[%dma_wait3A_155, %dma_wait3A_156] : memref<10240x128xf32, #tpu.memory_space<hbm>> -> memref<10240x128xf32, #tpu.memory_space<hbm>>
      tpu.wait_indirect_dma semaphore(%arg11 : memref<!tpu.dma_semaphore, #tpu.memory_space<semaphore_mem>>) src(%dma_wait3A_157 : memref<10240x128xf32, #tpu.memory_space<hbm>>) dst(%dma_wait3A_151 : memref<128x128xf32, #tpu.memory_space<vmem>>)
      "tpu.region"() ({
        %run_scoped3A_169 = tpu.sem_alloc : memref<!tpu.dma_semaphore, #tpu.memory_space<semaphore_mem>>
        %dma_start3A_170 = arith.constant 128 : i32
        %dma_start3A_171 = arith.constant 0 : i32
        %dma_start3A_172 = tpu.memref_slice %arg8[%dma_start3A_170, %dma_start3A_171] : memref<256x128xf32, #tpu.memory_space<vmem>> -> memref<128x128xf32, #tpu.memory_space<vmem>>
        %dma_start3A_173 = arith.constant 0 : i32
        %dma_start3A_174 = tpu.memref_slice %arg7[%add3A_148, %dma_start3A_173] : memref<40x128xi32, #tpu.memory_space<vmem>> -> memref<1x128xi32, #tpu.memory_space<vmem>>
        %dma_start3A_175 = tpu.memref_squeeze %dma_start3A_174 : memref<1x128xi32, #tpu.memory_space<vmem>> -> memref<128xi32, #tpu.memory_space<vmem>>
        %dma_start3A_176 = arith.constant 0 : i32
        %dma_start3A_177 = arith.constant 0 : i32
        %dma_start3A_178 = tpu.memref_slice %arg9[%dma_start3A_176, %dma_start3A_177] : memref<10240x128xf32, #tpu.memory_space<vmem_shared>> -> memref<10240x128xf32, #tpu.memory_space<vmem_shared>>
        tpu.enqueue_indirect_dma source(%dma_start3A_172 : memref<128x128xf32, #tpu.memory_space<vmem>>) target(%dma_start3A_178 : memref<10240x128xf32, #tpu.memory_space<vmem_shared>>) offsets(%dma_start3A_175 : memref<128xi32, #tpu.memory_space<vmem>>) semaphore(%run_scoped3A_169 : memref<!tpu.dma_semaphore, #tpu.memory_space<semaphore_mem>>) {add = true}
        %dma_wait3A_179 = arith.constant 128 : i32
        %dma_wait3A_180 = arith.constant 0 : i32
        %dma_wait3A_181 = tpu.memref_slice %arg8[%dma_wait3A_179, %dma_wait3A_180] : memref<256x128xf32, #tpu.memory_space<vmem>> -> memref<128x128xf32, #tpu.memory_space<vmem>>
        %dma_wait3A_182 = arith.constant 0 : i32
        %dma_wait3A_183 = tpu.memref_slice %arg7[%add3A_148, %dma_wait3A_182] : memref<40x128xi32, #tpu.memory_space<vmem>> -> memref<1x128xi32, #tpu.memory_space<vmem>>
        %dma_wait3A_184 = tpu.memref_squeeze %dma_wait3A_183 : memref<1x128xi32, #tpu.memory_space<vmem>> -> memref<128xi32, #tpu.memory_space<vmem>>
        %dma_wait3A_185 = arith.constant 0 : i32
        %dma_wait3A_186 = arith.constant 0 : i32
        %dma_wait3A_187 = tpu.memref_slice %arg9[%dma_wait3A_185, %dma_wait3A_186] : memref<10240x128xf32, #tpu.memory_space<vmem_shared>> -> memref<10240x128xf32, #tpu.memory_space<vmem_shared>>
        tpu.wait_indirect_dma semaphore(%run_scoped3A_169 : memref<!tpu.dma_semaphore, #tpu.memory_space<semaphore_mem>>) src(%dma_wait3A_181 : memref<128x128xf32, #tpu.memory_space<vmem>>) dst(%dma_wait3A_187 : memref<10240x128xf32, #tpu.memory_space<vmem_shared>>)
        tpu.yield
      }) : () -> ()
      %add3A_158 = arith.constant 2 : i32
      %add3A_159 = arith.addi %add3A_148, %add3A_158 : i32
      %dma_start3A_160 = arith.constant 128 : i32
      %dma_start3A_161 = arith.constant 0 : i32
      %dma_start3A_162 = tpu.memref_slice %arg8[%dma_start3A_160, %dma_start3A_161] : memref<256x128xf32, #tpu.memory_space<vmem>> -> memref<128x128xf32, #tpu.memory_space<vmem>>
      %dma_start3A_163 = arith.constant 0 : i32
      %dma_start3A_164 = tpu.memref_slice %arg6[%add3A_159, %dma_start3A_163] : memref<40x128xi32, #tpu.memory_space<vmem>> -> memref<1x128xi32, #tpu.memory_space<vmem>>
      %dma_start3A_165 = tpu.memref_squeeze %dma_start3A_164 : memref<1x128xi32, #tpu.memory_space<vmem>> -> memref<128xi32, #tpu.memory_space<vmem>>
      %dma_start3A_166 = arith.constant 0 : i32
      %dma_start3A_167 = arith.constant 0 : i32
      %dma_start3A_168 = tpu.memref_slice %arg2[%dma_start3A_166, %dma_start3A_167] : memref<10240x128xf32, #tpu.memory_space<hbm>> -> memref<10240x128xf32, #tpu.memory_space<hbm>>
      tpu.enqueue_indirect_dma source(%dma_start3A_168 : memref<10240x128xf32, #tpu.memory_space<hbm>>) target(%dma_start3A_162 : memref<128x128xf32, #tpu.memory_space<vmem>>) offsets(%dma_start3A_165 : memref<128xi32, #tpu.memory_space<vmem>>) semaphore(%arg11 : memref<!tpu.dma_semaphore, #tpu.memory_space<semaphore_mem>>)
    }
    %scan3A_87 = arith.constant 19 : i32
    %dma_wait3A_88 = arith.constant 38 : i32
    %dma_wait3A_89 = arith.constant 0 : i32
    %dma_wait3A_90 = arith.constant 0 : i32
    %dma_wait3A_91 = tpu.memref_slice %arg8[%dma_wait3A_89, %dma_wait3A_90] : memref<256x128xf32, #tpu.memory_space<vmem>> -> memref<128x128xf32, #tpu.memory_space<vmem>>
    %dma_wait3A_92 = arith.constant 0 : i32
    %dma_wait3A_93 = tpu.memref_slice %arg6[%dma_wait3A_88, %dma_wait3A_92] : memref<40x128xi32, #tpu.memory_space<vmem>> -> memref<1x128xi32, #tpu.memory_space<vmem>>
    %dma_wait3A_94 = tpu.memref_squeeze %dma_wait3A_93 : memref<1x128xi32, #tpu.memory_space<vmem>> -> memref<128xi32, #tpu.memory_space<vmem>>
    %dma_wait3A_95 = arith.constant 0 : i32
    %dma_wait3A_96 = arith.constant 0 : i32
    %dma_wait3A_97 = tpu.memref_slice %arg2[%dma_wait3A_95, %dma_wait3A_96] : memref<10240x128xf32, #tpu.memory_space<hbm>> -> memref<10240x128xf32, #tpu.memory_space<hbm>>
    tpu.wait_indirect_dma semaphore(%arg10 : memref<!tpu.dma_semaphore, #tpu.memory_space<semaphore_mem>>) src(%dma_wait3A_97 : memref<10240x128xf32, #tpu.memory_space<hbm>>) dst(%dma_wait3A_91 : memref<128x128xf32, #tpu.memory_space<vmem>>)
    %run_scoped3A_98 = arith.constant 38 : i32
    "tpu.region"() ({
      %run_scoped3A_116 = tpu.sem_alloc : memref<!tpu.dma_semaphore, #tpu.memory_space<semaphore_mem>>
      %dma_start3A_117 = arith.constant 0 : i32
      %dma_start3A_118 = arith.constant 0 : i32
      %dma_start3A_119 = tpu.memref_slice %arg8[%dma_start3A_117, %dma_start3A_118] : memref<256x128xf32, #tpu.memory_space<vmem>> -> memref<128x128xf32, #tpu.memory_space<vmem>>
      %dma_start3A_120 = arith.constant 0 : i32
      %dma_start3A_121 = tpu.memref_slice %arg7[%run_scoped3A_98, %dma_start3A_120] : memref<40x128xi32, #tpu.memory_space<vmem>> -> memref<1x128xi32, #tpu.memory_space<vmem>>
      %dma_start3A_122 = tpu.memref_squeeze %dma_start3A_121 : memref<1x128xi32, #tpu.memory_space<vmem>> -> memref<128xi32, #tpu.memory_space<vmem>>
      %dma_start3A_123 = arith.constant 0 : i32
      %dma_start3A_124 = arith.constant 0 : i32
      %dma_start3A_125 = tpu.memref_slice %arg9[%dma_start3A_123, %dma_start3A_124] : memref<10240x128xf32, #tpu.memory_space<vmem_shared>> -> memref<10240x128xf32, #tpu.memory_space<vmem_shared>>
      tpu.enqueue_indirect_dma source(%dma_start3A_119 : memref<128x128xf32, #tpu.memory_space<vmem>>) target(%dma_start3A_125 : memref<10240x128xf32, #tpu.memory_space<vmem_shared>>) offsets(%dma_start3A_122 : memref<128xi32, #tpu.memory_space<vmem>>) semaphore(%run_scoped3A_116 : memref<!tpu.dma_semaphore, #tpu.memory_space<semaphore_mem>>) {add = true}
      %dma_wait3A_126 = arith.constant 0 : i32
      %dma_wait3A_127 = arith.constant 0 : i32
      %dma_wait3A_128 = tpu.memref_slice %arg8[%dma_wait3A_126, %dma_wait3A_127] : memref<256x128xf32, #tpu.memory_space<vmem>> -> memref<128x128xf32, #tpu.memory_space<vmem>>
      %dma_wait3A_129 = arith.constant 0 : i32
      %dma_wait3A_130 = tpu.memref_slice %arg7[%run_scoped3A_98, %dma_wait3A_129] : memref<40x128xi32, #tpu.memory_space<vmem>> -> memref<1x128xi32, #tpu.memory_space<vmem>>
      %dma_wait3A_131 = tpu.memref_squeeze %dma_wait3A_130 : memref<1x128xi32, #tpu.memory_space<vmem>> -> memref<128xi32, #tpu.memory_space<vmem>>
      %dma_wait3A_132 = arith.constant 0 : i32
      %dma_wait3A_133 = arith.constant 0 : i32
      %dma_wait3A_134 = tpu.memref_slice %arg9[%dma_wait3A_132, %dma_wait3A_133] : memref<10240x128xf32, #tpu.memory_space<vmem_shared>> -> memref<10240x128xf32, #tpu.memory_space<vmem_shared>>
      tpu.wait_indirect_dma semaphore(%run_scoped3A_116 : memref<!tpu.dma_semaphore, #tpu.memory_space<semaphore_mem>>) src(%dma_wait3A_128 : memref<128x128xf32, #tpu.memory_space<vmem>>) dst(%dma_wait3A_134 : memref<10240x128xf32, #tpu.memory_space<vmem_shared>>)
      tpu.yield
    }) : () -> ()
    %dma_wait3A_99 = arith.constant 39 : i32
    %dma_wait3A_100 = arith.constant 128 : i32
    %dma_wait3A_101 = arith.constant 0 : i32
    %dma_wait3A_102 = tpu.memref_slice %arg8[%dma_wait3A_100, %dma_wait3A_101] : memref<256x128xf32, #tpu.memory_space<vmem>> -> memref<128x128xf32, #tpu.memory_space<vmem>>
    %dma_wait3A_103 = arith.constant 0 : i32
    %dma_wait3A_104 = tpu.memref_slice %arg6[%dma_wait3A_99, %dma_wait3A_103] : memref<40x128xi32, #tpu.memory_space<vmem>> -> memref<1x128xi32, #tpu.memory_space<vmem>>
    %dma_wait3A_105 = tpu.memref_squeeze %dma_wait3A_104 : memref<1x128xi32, #tpu.memory_space<vmem>> -> memref<128xi32, #tpu.memory_space<vmem>>
    %dma_wait3A_106 = arith.constant 0 : i32
    %dma_wait3A_107 = arith.constant 0 : i32
    %dma_wait3A_108 = tpu.memref_slice %arg2[%dma_wait3A_106, %dma_wait3A_107] : memref<10240x128xf32, #tpu.memory_space<hbm>> -> memref<10240x128xf32, #tpu.memory_space<hbm>>
    tpu.wait_indirect_dma semaphore(%arg11 : memref<!tpu.dma_semaphore, #tpu.memory_space<semaphore_mem>>) src(%dma_wait3A_108 : memref<10240x128xf32, #tpu.memory_space<hbm>>) dst(%dma_wait3A_102 : memref<128x128xf32, #tpu.memory_space<vmem>>)
    %run_scoped3A_109 = arith.constant 39 : i32
    "tpu.region"() ({
      %run_scoped3A_116 = tpu.sem_alloc : memref<!tpu.dma_semaphore, #tpu.memory_space<semaphore_mem>>
      %dma_start3A_117 = arith.constant 128 : i32
      %dma_start3A_118 = arith.constant 0 : i32
      %dma_start3A_119 = tpu.memref_slice %arg8[%dma_start3A_117, %dma_start3A_118] : memref<256x128xf32, #tpu.memory_space<vmem>> -> memref<128x128xf32, #tpu.memory_space<vmem>>
      %dma_start3A_120 = arith.constant 0 : i32
      %dma_start3A_121 = tpu.memref_slice %arg7[%run_scoped3A_109, %dma_start3A_120] : memref<40x128xi32, #tpu.memory_space<vmem>> -> memref<1x128xi32, #tpu.memory_space<vmem>>
      %dma_start3A_122 = tpu.memref_squeeze %dma_start3A_121 : memref<1x128xi32, #tpu.memory_space<vmem>> -> memref<128xi32, #tpu.memory_space<vmem>>
      %dma_start3A_123 = arith.constant 0 : i32
      %dma_start3A_124 = arith.constant 0 : i32
      %dma_start3A_125 = tpu.memref_slice %arg9[%dma_start3A_123, %dma_start3A_124] : memref<10240x128xf32, #tpu.memory_space<vmem_shared>> -> memref<10240x128xf32, #tpu.memory_space<vmem_shared>>
      tpu.enqueue_indirect_dma source(%dma_start3A_119 : memref<128x128xf32, #tpu.memory_space<vmem>>) target(%dma_start3A_125 : memref<10240x128xf32, #tpu.memory_space<vmem_shared>>) offsets(%dma_start3A_122 : memref<128xi32, #tpu.memory_space<vmem>>) semaphore(%run_scoped3A_116 : memref<!tpu.dma_semaphore, #tpu.memory_space<semaphore_mem>>) {add = true}
      %dma_wait3A_126 = arith.constant 128 : i32
      %dma_wait3A_127 = arith.constant 0 : i32
      %dma_wait3A_128 = tpu.memref_slice %arg8[%dma_wait3A_126, %dma_wait3A_127] : memref<256x128xf32, #tpu.memory_space<vmem>> -> memref<128x128xf32, #tpu.memory_space<vmem>>
      %dma_wait3A_129 = arith.constant 0 : i32
      %dma_wait3A_130 = tpu.memref_slice %arg7[%run_scoped3A_109, %dma_wait3A_129] : memref<40x128xi32, #tpu.memory_space<vmem>> -> memref<1x128xi32, #tpu.memory_space<vmem>>
      %dma_wait3A_131 = tpu.memref_squeeze %dma_wait3A_130 : memref<1x128xi32, #tpu.memory_space<vmem>> -> memref<128xi32, #tpu.memory_space<vmem>>
      %dma_wait3A_132 = arith.constant 0 : i32
      %dma_wait3A_133 = arith.constant 0 : i32
      %dma_wait3A_134 = tpu.memref_slice %arg9[%dma_wait3A_132, %dma_wait3A_133] : memref<10240x128xf32, #tpu.memory_space<vmem_shared>> -> memref<10240x128xf32, #tpu.memory_space<vmem_shared>>
      tpu.wait_indirect_dma semaphore(%run_scoped3A_116 : memref<!tpu.dma_semaphore, #tpu.memory_space<semaphore_mem>>) src(%dma_wait3A_128 : memref<128x128xf32, #tpu.memory_space<vmem>>) dst(%dma_wait3A_134 : memref<10240x128xf32, #tpu.memory_space<vmem_shared>>)
      tpu.yield
    }) : () -> ()
    %barrier3A_110 = arith.constant 0 : index
    tpu.barrier barrier_id(%barrier3A_110)
    %scan3A_111 = arith.constant 0 : i32
    %scan3A_112 = arith.constant 5 : i32
    %scan3A_113 = arith.addi %scan3A_111, %scan3A_112 : i32
    %scan3A_114 = arith.constant 1 : i32
    scf.for %scan3A_116 = %scan3A_111 to %scan3A_113 step %scan3A_114  : i32 {
      %mul3A_117 = arith.constant 1 : i32
      %mul3A_118 = arith.muli %scan3A_116, %mul3A_117 : i32
      %add3A_119 = arith.constant 0 : i32
      %add3A_120 = arith.addi %add3A_119, %mul3A_118 : i32
      %mul3A_121 = arith.constant 640 : i32
      %mul3A_122 = arith.muli %arg1, %mul3A_121 : i32
      %mul3A_123 = arith.constant 128 : i32
      %mul3A_124 = arith.muli %add3A_120, %mul3A_123 : i32
      %add3A_125 = arith.addi %mul3A_122, %mul3A_124 : i32
      "tpu.region"() ({
        %run_scoped3A_131 = tpu.sem_alloc : memref<!tpu.dma_semaphore, #tpu.memory_space<semaphore_mem>>
        %dma_start3A_132 = arith.constant 0 : i32
        %dma_start3A_133 = arith.constant 0 : i32
        %dma_start3A_134 = tpu.memref_slice %arg8[%dma_start3A_132, %dma_start3A_133] : memref<256x128xf32, #tpu.memory_space<vmem>> -> memref<128x128xf32, #tpu.memory_space<vmem>>
        %dma_start3A_135 = arith.constant 0 : i32
        %dma_start3A_136 = tpu.memref_slice %arg9[%add3A_125, %dma_start3A_135] : memref<10240x128xf32, #tpu.memory_space<vmem_shared>> -> memref<128x128xf32, #tpu.memory_space<vmem_shared>>
        %dma_start3A_137 = arith.constant 0 : i32
        %dma_start3A_138 = arith.constant 0 : i32
        %dma_start3A_139 = tpu.memref_slice %arg8[%dma_start3A_137, %dma_start3A_138] : memref<256x128xf32, #tpu.memory_space<vmem>> -> memref<128x128xf32, #tpu.memory_space<vmem>>
        %dma_start3A_140 = arith.constant 0 : i32
        %dma_start3A_141 = tpu.memref_slice %arg9[%add3A_125, %dma_start3A_140] : memref<10240x128xf32, #tpu.memory_space<vmem_shared>> -> memref<128x128xf32, #tpu.memory_space<vmem_shared>>
        tpu.enqueue_dma source(%dma_start3A_141 : memref<128x128xf32, #tpu.memory_space<vmem_shared>>) target(%dma_start3A_139 : memref<128x128xf32, #tpu.memory_space<vmem>>) target_semaphore(%run_scoped3A_131 : memref<!tpu.dma_semaphore, #tpu.memory_space<semaphore_mem>>)
        %dma_wait3A_142 = arith.constant 0 : i32
        %dma_wait3A_143 = arith.constant 0 : i32
        %dma_wait3A_144 = tpu.memref_slice %arg8[%dma_wait3A_142, %dma_wait3A_143] : memref<256x128xf32, #tpu.memory_space<vmem>> -> memref<128x128xf32, #tpu.memory_space<vmem>>
        %dma_wait3A_145 = arith.constant 0 : i32
        %dma_wait3A_146 = tpu.memref_slice %arg9[%add3A_125, %dma_wait3A_145] : memref<10240x128xf32, #tpu.memory_space<vmem_shared>> -> memref<128x128xf32, #tpu.memory_space<vmem_shared>>
        %dma_wait3A_147 = arith.constant 0 : i32
        %dma_wait3A_148 = arith.constant 0 : i32
        %dma_wait3A_149 = tpu.memref_slice %arg8[%dma_wait3A_147, %dma_wait3A_148] : memref<256x128xf32, #tpu.memory_space<vmem>> -> memref<128x128xf32, #tpu.memory_space<vmem>>
        %dma_wait3A_150 = arith.constant 0 : i32
        %dma_wait3A_151 = tpu.memref_slice %arg9[%add3A_125, %dma_wait3A_150] : memref<10240x128xf32, #tpu.memory_space<vmem_shared>> -> memref<128x128xf32, #tpu.memory_space<vmem_shared>>
        tpu.wait_dma2 semaphore(%run_scoped3A_131 : memref<!tpu.dma_semaphore, #tpu.memory_space<semaphore_mem>>) src(%dma_wait3A_151 : memref<128x128xf32, #tpu.memory_space<vmem_shared>>) dst(%dma_wait3A_149 : memref<128x128xf32, #tpu.memory_space<vmem>>)
        tpu.yield
      }) : () -> ()
      %mul3A_126 = arith.constant 640 : i32
      %mul3A_127 = arith.muli %arg1, %mul3A_126 : i32
      %mul3A_128 = arith.constant 128 : i32
      %mul3A_129 = arith.muli %add3A_120, %mul3A_128 : i32
      %add3A_130 = arith.addi %mul3A_127, %mul3A_129 : i32
      "tpu.region"() ({
        %run_scoped3A_131 = tpu.sem_alloc : memref<!tpu.dma_semaphore, #tpu.memory_space<semaphore_mem>>
        %dma_start3A_132 = arith.constant 0 : i32
        %dma_start3A_133 = arith.constant 0 : i32
        %dma_start3A_134 = tpu.memref_slice %arg8[%dma_start3A_132, %dma_start3A_133] : memref<256x128xf32, #tpu.memory_space<vmem>> -> memref<128x128xf32, #tpu.memory_space<vmem>>
        %dma_start3A_135 = arith.constant 0 : i32
        %dma_start3A_136 = tpu.memref_slice %arg5[%arg0, %add3A_130, %dma_start3A_135] : memref<2x10240x128xf32, #tpu.memory_space<hbm>> -> memref<1x128x128xf32, #tpu.memory_space<hbm>>
        %dma_start3A_137 = tpu.memref_squeeze %dma_start3A_136 : memref<1x128x128xf32, #tpu.memory_space<hbm>> -> memref<128x128xf32, #tpu.memory_space<hbm>>
        %dma_start3A_138 = arith.constant 0 : i32
        %dma_start3A_139 = tpu.memref_slice %arg5[%arg0, %add3A_130, %dma_start3A_138] : memref<2x10240x128xf32, #tpu.memory_space<hbm>> -> memref<1x128x128xf32, #tpu.memory_space<hbm>>
        %dma_start3A_140 = tpu.memref_squeeze %dma_start3A_139 : memref<1x128x128xf32, #tpu.memory_space<hbm>> -> memref<128x128xf32, #tpu.memory_space<hbm>>
        %dma_start3A_141 = arith.constant 0 : i32
        %dma_start3A_142 = arith.constant 0 : i32
        %dma_start3A_143 = tpu.memref_slice %arg8[%dma_start3A_141, %dma_start3A_142] : memref<256x128xf32, #tpu.memory_space<vmem>> -> memref<128x128xf32, #tpu.memory_space<vmem>>
        tpu.enqueue_dma source(%dma_start3A_143 : memref<128x128xf32, #tpu.memory_space<vmem>>) target(%dma_start3A_140 : memref<128x128xf32, #tpu.memory_space<hbm>>) target_semaphore(%run_scoped3A_131 : memref<!tpu.dma_semaphore, #tpu.memory_space<semaphore_mem>>)
        %dma_wait3A_144 = arith.constant 0 : i32
        %dma_wait3A_145 = arith.constant 0 : i32
        %dma_wait3A_146 = tpu.memref_slice %arg8[%dma_wait3A_144, %dma_wait3A_145] : memref<256x128xf32, #tpu.memory_space<vmem>> -> memref<128x128xf32, #tpu.memory_space<vmem>>
        %dma_wait3A_147 = arith.constant 0 : i32
        %dma_wait3A_148 = tpu.memref_slice %arg5[%arg0, %add3A_130, %dma_wait3A_147] : memref<2x10240x128xf32, #tpu.memory_space<hbm>> -> memref<1x128x128xf32, #tpu.memory_space<hbm>>
        %dma_wait3A_149 = tpu.memref_squeeze %dma_wait3A_148 : memref<1x128x128xf32, #tpu.memory_space<hbm>> -> memref<128x128xf32, #tpu.memory_space<hbm>>
        %dma_wait3A_150 = arith.constant 0 : i32
        %dma_wait3A_151 = tpu.memref_slice %arg5[%arg0, %add3A_130, %dma_wait3A_150] : memref<2x10240x128xf32, #tpu.memory_space<hbm>> -> memref<1x128x128xf32, #tpu.memory_space<hbm>>
        %dma_wait3A_152 = tpu.memref_squeeze %dma_wait3A_151 : memref<1x128x128xf32, #tpu.memory_space<hbm>> -> memref<128x128xf32, #tpu.memory_space<hbm>>
        %dma_wait3A_153 = arith.constant 0 : i32
        %dma_wait3A_154 = arith.constant 0 : i32
        %dma_wait3A_155 = tpu.memref_slice %arg8[%dma_wait3A_153, %dma_wait3A_154] : memref<256x128xf32, #tpu.memory_space<vmem>> -> memref<128x128xf32, #tpu.memory_space<vmem>>
        tpu.wait_dma2 semaphore(%run_scoped3A_131 : memref<!tpu.dma_semaphore, #tpu.memory_space<semaphore_mem>>) src(%dma_wait3A_155 : memref<128x128xf32, #tpu.memory_space<vmem>>) dst(%dma_wait3A_152 : memref<128x128xf32, #tpu.memory_space<hbm>>)
        tpu.yield
      }) : () -> ()
    }
    %scan3A_115 = arith.constant 5 : i32
    return
  }
}

#map = affine_map<(d0, d1) -> (0, 0)>
#map1 = affine_map<(d0, d1) -> (0, 0, 0)>
module attributes {stable_mosaic.version = 14 : i64} {
  func.func @_edge_kernel(%arg0: i32, %arg1: i32, %arg2: memref<10240x128xf32, #tpu.memory_space<hbm>>, %arg3: memref<2560x128xi32, #tpu.memory_space<hbm>>, %arg4: memref<2560x128xi32, #tpu.memory_space<hbm>>, %arg5: memref<2x10240x128xf32, #tpu.memory_space<hbm>>, %arg6: memref<40x128xi32, #tpu.memory_space<vmem>>, %arg7: memref<40x128xi32, #tpu.memory_space<vmem>>, %arg8: memref<256x128xf32, #tpu.memory_space<vmem>>, %arg9: memref<10240x128xf32, #tpu.memory_space<vmem_shared>>, %arg10: memref<!tpu.dma_semaphore, #tpu.memory_space<semaphore_mem>>, %arg11: memref<!tpu.dma_semaphore, #tpu.memory_space<semaphore_mem>>) attributes {dimension_semantics = [#tpu.dimension_semantics<core_parallel>, #tpu.dimension_semantics<subcore_parallel>], iteration_bounds = array<i64: 2, 16>, scalar_prefetch = 0 : i64, scratch_operands = 6 : i64, tpu.core_type = #tpu.core_type<sc_vector_subcore>, window_params = [{transform_indices = #map}, {transform_indices = #map}, {transform_indices = #map}, {transform_indices = #map1}]} {
    %mul3A = arith.constant 2 : i32
    %mul3A_0 = arith.muli %arg1, %mul3A : i32
    %add3A = arith.addi %mul3A_0, %arg0 : i32
    %broadcast_in_dim3A = arith.constant 0.000000e+00 : f32
    %broadcast_in_dim3A_1 = vector.broadcast %broadcast_in_dim3A : f32 to vector<16xf32>
    %scan3A = arith.constant 0 : i32
    %scan3A_2 = arith.constant 128 : i32
    %scan3A_3 = arith.addi %scan3A, %scan3A_2 : i32
    %scan3A_4 = arith.constant 1 : i32
    scf.for %scan3A_116 = %scan3A to %scan3A_3 step %scan3A_4  : i32 {
      %mul3A_117 = arith.constant 1 : i32
      %mul3A_118 = arith.muli %scan3A_116, %mul3A_117 : i32
      %add3A_119 = arith.constant 0 : i32
      %add3A_120 = arith.addi %add3A_119, %mul3A_118 : i32
      %scan3A_121 = arith.constant 0 : i32
      %scan3A_122 = arith.constant 8 : i32
      %scan3A_123 = arith.addi %scan3A_121, %scan3A_122 : i32
      %scan3A_124 = arith.constant 1 : i32
      scf.for %scan3A_126 = %scan3A_121 to %scan3A_123 step %scan3A_124  : i32 {
        %mul3A_127 = arith.constant 1 : i32
        %mul3A_128 = arith.muli %scan3A_126, %mul3A_127 : i32
        %add3A_129 = arith.constant 0 : i32
        %add3A_130 = arith.addi %add3A_129, %mul3A_128 : i32
        %mul3A_131 = arith.constant 16 : i32
        %mul3A_132 = arith.muli %add3A_130, %mul3A_131 : i32
        %swap3A = arith.index_cast %add3A_120 : i32 to index
        %swap3A_133 = arith.index_cast %mul3A_132 : i32 to index
        %swap3A_134 = tpu.vector_load %arg8[%swap3A, %swap3A_133] {strides = array<i32>} : memref<256x128xf32, #tpu.memory_space<vmem>>, vector<1x16xf32>,
        %swap3A_135 = vector.shape_cast %swap3A_134 : vector<1x16xf32> to vector<16xf32>
        %swap3A_136 = vector.shape_cast %broadcast_in_dim3A_1 : vector<16xf32> to vector<1x16xf32>
        tpu.vector_store %arg8[%swap3A, %swap3A_133], %swap3A_136 {strides = array<i32>} : memref<256x128xf32, #tpu.memory_space<vmem>>, vector<1x16xf32>,
      }
      %scan3A_125 = arith.constant 8 : i32
    }
    %scan3A_5 = arith.constant 128 : i32
    %scan3A_6 = arith.constant 0 : i32
    %scan3A_7 = arith.constant 5 : i32
    %scan3A_8 = arith.addi %scan3A_6, %scan3A_7 : i32
    %scan3A_9 = arith.constant 1 : i32
    scf.for %scan3A_116 = %scan3A_6 to %scan3A_8 step %scan3A_9  : i32 {
      %mul3A_117 = arith.constant 1 : i32
      %mul3A_118 = arith.muli %scan3A_116, %mul3A_117 : i32
      %add3A_119 = arith.constant 0 : i32
      %add3A_120 = arith.addi %add3A_119, %mul3A_118 : i32
      %mul3A_121 = arith.constant 640 : i32
      %mul3A_122 = arith.muli %arg1, %mul3A_121 : i32
      %mul3A_123 = arith.constant 128 : i32
      %mul3A_124 = arith.muli %add3A_120, %mul3A_123 : i32
      %add3A_125 = arith.addi %mul3A_122, %mul3A_124 : i32
      "tpu.region"() ({
        %run_scoped3A_126 = tpu.sem_alloc : memref<!tpu.dma_semaphore, #tpu.memory_space<semaphore_mem>>
        %dma_start3A_127 = arith.constant 0 : i32
        %dma_start3A_128 = arith.constant 0 : i32
        %dma_start3A_129 = tpu.memref_slice %arg8[%dma_start3A_127, %dma_start3A_128] : memref<256x128xf32, #tpu.memory_space<vmem>> -> memref<128x128xf32, #tpu.memory_space<vmem>>
        %dma_start3A_130 = arith.constant 0 : i32
        %dma_start3A_131 = tpu.memref_slice %arg9[%add3A_125, %dma_start3A_130] : memref<10240x128xf32, #tpu.memory_space<vmem_shared>> -> memref<128x128xf32, #tpu.memory_space<vmem_shared>>
        %dma_start3A_132 = arith.constant 0 : i32
        %dma_start3A_133 = tpu.memref_slice %arg9[%add3A_125, %dma_start3A_132] : memref<10240x128xf32, #tpu.memory_space<vmem_shared>> -> memref<128x128xf32, #tpu.memory_space<vmem_shared>>
        %dma_start3A_134 = arith.constant 0 : i32
        %dma_start3A_135 = arith.constant 0 : i32
        %dma_start3A_136 = tpu.memref_slice %arg8[%dma_start3A_134, %dma_start3A_135] : memref<256x128xf32, #tpu.memory_space<vmem>> -> memref<128x128xf32, #tpu.memory_space<vmem>>
        tpu.enqueue_dma source(%dma_start3A_136 : memref<128x128xf32, #tpu.memory_space<vmem>>) target(%dma_start3A_133 : memref<128x128xf32, #tpu.memory_space<vmem_shared>>) target_semaphore(%run_scoped3A_126 : memref<!tpu.dma_semaphore, #tpu.memory_space<semaphore_mem>>)
        %dma_wait3A_137 = arith.constant 0 : i32
        %dma_wait3A_138 = arith.constant 0 : i32
        %dma_wait3A_139 = tpu.memref_slice %arg8[%dma_wait3A_137, %dma_wait3A_138] : memref<256x128xf32, #tpu.memory_space<vmem>> -> memref<128x128xf32, #tpu.memory_space<vmem>>
        %dma_wait3A_140 = arith.constant 0 : i32
        %dma_wait3A_141 = tpu.memref_slice %arg9[%add3A_125, %dma_wait3A_140] : memref<10240x128xf32, #tpu.memory_space<vmem_shared>> -> memref<128x128xf32, #tpu.memory_space<vmem_shared>>
        %dma_wait3A_142 = arith.constant 0 : i32
        %dma_wait3A_143 = tpu.memref_slice %arg9[%add3A_125, %dma_wait3A_142] : memref<10240x128xf32, #tpu.memory_space<vmem_shared>> -> memref<128x128xf32, #tpu.memory_space<vmem_shared>>
        %dma_wait3A_144 = arith.constant 0 : i32
        %dma_wait3A_145 = arith.constant 0 : i32
        %dma_wait3A_146 = tpu.memref_slice %arg8[%dma_wait3A_144, %dma_wait3A_145] : memref<256x128xf32, #tpu.memory_space<vmem>> -> memref<128x128xf32, #tpu.memory_space<vmem>>
        tpu.wait_dma2 semaphore(%run_scoped3A_126 : memref<!tpu.dma_semaphore, #tpu.memory_space<semaphore_mem>>) src(%dma_wait3A_146 : memref<128x128xf32, #tpu.memory_space<vmem>>) dst(%dma_wait3A_143 : memref<128x128xf32, #tpu.memory_space<vmem_shared>>)
        tpu.yield
      }) : () -> ()
    }
    %scan3A_10 = arith.constant 5 : i32
    %barrier3A = arith.constant 0 : index
    tpu.barrier barrier_id(%barrier3A)
    %mul3A_11 = arith.constant 80 : i32
    %mul3A_12 = arith.muli %add3A, %mul3A_11 : i32
    %add3A_13 = arith.constant 0 : i32
    %add3A_14 = arith.addi %mul3A_12, %add3A_13 : i32
    "tpu.region"() ({
      %run_scoped3A_116 = tpu.sem_alloc : memref<!tpu.dma_semaphore, #tpu.memory_space<semaphore_mem>>
      %dma_start3A_117 = arith.constant 0 : i32
      %dma_start3A_118 = tpu.memref_slice %arg3[%add3A_14, %dma_start3A_117] : memref<2560x128xi32, #tpu.memory_space<hbm>> -> memref<40x128xi32, #tpu.memory_space<hbm>>
      %dma_start3A_119 = arith.constant 0 : i32
      %dma_start3A_120 = tpu.memref_slice %arg3[%add3A_14, %dma_start3A_119] : memref<2560x128xi32, #tpu.memory_space<hbm>> -> memref<40x128xi32, #tpu.memory_space<hbm>>
      tpu.enqueue_dma source(%dma_start3A_120 : memref<40x128xi32, #tpu.memory_space<hbm>>) target(%arg6 : memref<40x128xi32, #tpu.memory_space<vmem>>) target_semaphore(%run_scoped3A_116 : memref<!tpu.dma_semaphore, #tpu.memory_space<semaphore_mem>>)
      %dma_wait3A_121 = arith.constant 0 : i32
      %dma_wait3A_122 = tpu.memref_slice %arg3[%add3A_14, %dma_wait3A_121] : memref<2560x128xi32, #tpu.memory_space<hbm>> -> memref<40x128xi32, #tpu.memory_space<hbm>>
      %dma_wait3A_123 = arith.constant 0 : i32
      %dma_wait3A_124 = tpu.memref_slice %arg3[%add3A_14, %dma_wait3A_123] : memref<2560x128xi32, #tpu.memory_space<hbm>> -> memref<40x128xi32, #tpu.memory_space<hbm>>
      tpu.wait_dma2 semaphore(%run_scoped3A_116 : memref<!tpu.dma_semaphore, #tpu.memory_space<semaphore_mem>>) src(%dma_wait3A_124 : memref<40x128xi32, #tpu.memory_space<hbm>>) dst(%arg6 : memref<40x128xi32, #tpu.memory_space<vmem>>)
      tpu.yield
    }) : () -> ()
    "tpu.region"() ({
      %run_scoped3A_116 = tpu.sem_alloc : memref<!tpu.dma_semaphore, #tpu.memory_space<semaphore_mem>>
      %dma_start3A_117 = arith.constant 0 : i32
      %dma_start3A_118 = tpu.memref_slice %arg4[%add3A_14, %dma_start3A_117] : memref<2560x128xi32, #tpu.memory_space<hbm>> -> memref<40x128xi32, #tpu.memory_space<hbm>>
      %dma_start3A_119 = arith.constant 0 : i32
      %dma_start3A_120 = tpu.memref_slice %arg4[%add3A_14, %dma_start3A_119] : memref<2560x128xi32, #tpu.memory_space<hbm>> -> memref<40x128xi32, #tpu.memory_space<hbm>>
      tpu.enqueue_dma source(%dma_start3A_120 : memref<40x128xi32, #tpu.memory_space<hbm>>) target(%arg7 : memref<40x128xi32, #tpu.memory_space<vmem>>) target_semaphore(%run_scoped3A_116 : memref<!tpu.dma_semaphore, #tpu.memory_space<semaphore_mem>>)
      %dma_wait3A_121 = arith.constant 0 : i32
      %dma_wait3A_122 = tpu.memref_slice %arg4[%add3A_14, %dma_wait3A_121] : memref<2560x128xi32, #tpu.memory_space<hbm>> -> memref<40x128xi32, #tpu.memory_space<hbm>>
      %dma_wait3A_123 = arith.constant 0 : i32
      %dma_wait3A_124 = tpu.memref_slice %arg4[%add3A_14, %dma_wait3A_123] : memref<2560x128xi32, #tpu.memory_space<hbm>> -> memref<40x128xi32, #tpu.memory_space<hbm>>
      tpu.wait_dma2 semaphore(%run_scoped3A_116 : memref<!tpu.dma_semaphore, #tpu.memory_space<semaphore_mem>>) src(%dma_wait3A_124 : memref<40x128xi32, #tpu.memory_space<hbm>>) dst(%arg7 : memref<40x128xi32, #tpu.memory_space<vmem>>)
      tpu.yield
    }) : () -> ()
    %dma_start3A = arith.constant 0 : i32
    %dma_start3A_15 = arith.constant 0 : i32
    %dma_start3A_16 = arith.constant 0 : i32
    %dma_start3A_17 = tpu.memref_slice %arg8[%dma_start3A_15, %dma_start3A_16] : memref<256x128xf32, #tpu.memory_space<vmem>> -> memref<128x128xf32, #tpu.memory_space<vmem>>
    %dma_start3A_18 = arith.constant 0 : i32
    %dma_start3A_19 = tpu.memref_slice %arg6[%dma_start3A, %dma_start3A_18] : memref<40x128xi32, #tpu.memory_space<vmem>> -> memref<1x128xi32, #tpu.memory_space<vmem>>
    %dma_start3A_20 = tpu.memref_squeeze %dma_start3A_19 : memref<1x128xi32, #tpu.memory_space<vmem>> -> memref<128xi32, #tpu.memory_space<vmem>>
    %dma_start3A_21 = arith.constant 0 : i32
    %dma_start3A_22 = arith.constant 0 : i32
    %dma_start3A_23 = tpu.memref_slice %arg2[%dma_start3A_21, %dma_start3A_22] : memref<10240x128xf32, #tpu.memory_space<hbm>> -> memref<10240x128xf32, #tpu.memory_space<hbm>>
    tpu.enqueue_indirect_dma source(%dma_start3A_23 : memref<10240x128xf32, #tpu.memory_space<hbm>>) target(%dma_start3A_17 : memref<128x128xf32, #tpu.memory_space<vmem>>) offsets(%dma_start3A_20 : memref<128xi32, #tpu.memory_space<vmem>>) semaphore(%arg10 : memref<!tpu.dma_semaphore, #tpu.memory_space<semaphore_mem>>)
    %dma_start3A_24 = arith.constant 1 : i32
    %dma_start3A_25 = arith.constant 128 : i32
    %dma_start3A_26 = arith.constant 0 : i32
    %dma_start3A_27 = tpu.memref_slice %arg8[%dma_start3A_25, %dma_start3A_26] : memref<256x128xf32, #tpu.memory_space<vmem>> -> memref<128x128xf32, #tpu.memory_space<vmem>>
    %dma_start3A_28 = arith.constant 0 : i32
    %dma_start3A_29 = tpu.memref_slice %arg6[%dma_start3A_24, %dma_start3A_28] : memref<40x128xi32, #tpu.memory_space<vmem>> -> memref<1x128xi32, #tpu.memory_space<vmem>>
    %dma_start3A_30 = tpu.memref_squeeze %dma_start3A_29 : memref<1x128xi32, #tpu.memory_space<vmem>> -> memref<128xi32, #tpu.memory_space<vmem>>
    %dma_start3A_31 = arith.constant 0 : i32
    %dma_start3A_32 = arith.constant 0 : i32
    %dma_start3A_33 = tpu.memref_slice %arg2[%dma_start3A_31, %dma_start3A_32] : memref<10240x128xf32, #tpu.memory_space<hbm>> -> memref<10240x128xf32, #tpu.memory_space<hbm>>
    tpu.enqueue_indirect_dma source(%dma_start3A_33 : memref<10240x128xf32, #tpu.memory_space<hbm>>) target(%dma_start3A_27 : memref<128x128xf32, #tpu.memory_space<vmem>>) offsets(%dma_start3A_30 : memref<128xi32, #tpu.memory_space<vmem>>) semaphore(%arg11 : memref<!tpu.dma_semaphore, #tpu.memory_space<semaphore_mem>>)
    %scan3A_34 = arith.constant 0 : i32
    %scan3A_35 = arith.constant 19 : i32
    %scan3A_36 = arith.addi %scan3A_34, %scan3A_35 : i32
    %scan3A_37 = arith.constant 1 : i32
    scf.for %scan3A_116 = %scan3A_34 to %scan3A_36 step %scan3A_37  : i32 {
      %mul3A_117 = arith.constant 1 : i32
      %mul3A_118 = arith.muli %scan3A_116, %mul3A_117 : i32
      %add3A_119 = arith.constant 0 : i32
      %add3A_120 = arith.addi %add3A_119, %mul3A_118 : i32
      %mul3A_121 = arith.constant 2 : i32
      %mul3A_122 = arith.muli %add3A_120, %mul3A_121 : i32
      %add3A_123 = arith.constant 0 : i32
      %add3A_124 = arith.addi %mul3A_122, %add3A_123 : i32
      %dma_wait3A_125 = arith.constant 0 : i32
      %dma_wait3A_126 = arith.constant 0 : i32
      %dma_wait3A_127 = tpu.memref_slice %arg8[%dma_wait3A_125, %dma_wait3A_126] : memref<256x128xf32, #tpu.memory_space<vmem>> -> memref<128x128xf32, #tpu.memory_space<vmem>>
      %dma_wait3A_128 = arith.constant 0 : i32
      %dma_wait3A_129 = tpu.memref_slice %arg6[%add3A_124, %dma_wait3A_128] : memref<40x128xi32, #tpu.memory_space<vmem>> -> memref<1x128xi32, #tpu.memory_space<vmem>>
      %dma_wait3A_130 = tpu.memref_squeeze %dma_wait3A_129 : memref<1x128xi32, #tpu.memory_space<vmem>> -> memref<128xi32, #tpu.memory_space<vmem>>
      %dma_wait3A_131 = arith.constant 0 : i32
      %dma_wait3A_132 = arith.constant 0 : i32
      %dma_wait3A_133 = tpu.memref_slice %arg2[%dma_wait3A_131, %dma_wait3A_132] : memref<10240x128xf32, #tpu.memory_space<hbm>> -> memref<10240x128xf32, #tpu.memory_space<hbm>>
      tpu.wait_indirect_dma semaphore(%arg10 : memref<!tpu.dma_semaphore, #tpu.memory_space<semaphore_mem>>) src(%dma_wait3A_133 : memref<10240x128xf32, #tpu.memory_space<hbm>>) dst(%dma_wait3A_127 : memref<128x128xf32, #tpu.memory_space<vmem>>)
      "tpu.region"() ({
        %run_scoped3A_169 = tpu.sem_alloc : memref<!tpu.dma_semaphore, #tpu.memory_space<semaphore_mem>>
        %dma_start3A_170 = arith.constant 0 : i32
        %dma_start3A_171 = arith.constant 0 : i32
        %dma_start3A_172 = tpu.memref_slice %arg8[%dma_start3A_170, %dma_start3A_171] : memref<256x128xf32, #tpu.memory_space<vmem>> -> memref<128x128xf32, #tpu.memory_space<vmem>>
        %dma_start3A_173 = arith.constant 0 : i32
        %dma_start3A_174 = tpu.memref_slice %arg7[%add3A_124, %dma_start3A_173] : memref<40x128xi32, #tpu.memory_space<vmem>> -> memref<1x128xi32, #tpu.memory_space<vmem>>
        %dma_start3A_175 = tpu.memref_squeeze %dma_start3A_174 : memref<1x128xi32, #tpu.memory_space<vmem>> -> memref<128xi32, #tpu.memory_space<vmem>>
        %dma_start3A_176 = arith.constant 0 : i32
        %dma_start3A_177 = arith.constant 0 : i32
        %dma_start3A_178 = tpu.memref_slice %arg9[%dma_start3A_176, %dma_start3A_177] : memref<10240x128xf32, #tpu.memory_space<vmem_shared>> -> memref<10240x128xf32, #tpu.memory_space<vmem_shared>>
        tpu.enqueue_indirect_dma source(%dma_start3A_172 : memref<128x128xf32, #tpu.memory_space<vmem>>) target(%dma_start3A_178 : memref<10240x128xf32, #tpu.memory_space<vmem_shared>>) offsets(%dma_start3A_175 : memref<128xi32, #tpu.memory_space<vmem>>) semaphore(%run_scoped3A_169 : memref<!tpu.dma_semaphore, #tpu.memory_space<semaphore_mem>>) {add = true}
        %dma_wait3A_179 = arith.constant 0 : i32
        %dma_wait3A_180 = arith.constant 0 : i32
        %dma_wait3A_181 = tpu.memref_slice %arg8[%dma_wait3A_179, %dma_wait3A_180] : memref<256x128xf32, #tpu.memory_space<vmem>> -> memref<128x128xf32, #tpu.memory_space<vmem>>
        %dma_wait3A_182 = arith.constant 0 : i32
        %dma_wait3A_183 = tpu.memref_slice %arg7[%add3A_124, %dma_wait3A_182] : memref<40x128xi32, #tpu.memory_space<vmem>> -> memref<1x128xi32, #tpu.memory_space<vmem>>
        %dma_wait3A_184 = tpu.memref_squeeze %dma_wait3A_183 : memref<1x128xi32, #tpu.memory_space<vmem>> -> memref<128xi32, #tpu.memory_space<vmem>>
        %dma_wait3A_185 = arith.constant 0 : i32
        %dma_wait3A_186 = arith.constant 0 : i32
        %dma_wait3A_187 = tpu.memref_slice %arg9[%dma_wait3A_185, %dma_wait3A_186] : memref<10240x128xf32, #tpu.memory_space<vmem_shared>> -> memref<10240x128xf32, #tpu.memory_space<vmem_shared>>
        tpu.wait_indirect_dma semaphore(%run_scoped3A_169 : memref<!tpu.dma_semaphore, #tpu.memory_space<semaphore_mem>>) src(%dma_wait3A_181 : memref<128x128xf32, #tpu.memory_space<vmem>>) dst(%dma_wait3A_187 : memref<10240x128xf32, #tpu.memory_space<vmem_shared>>)
        tpu.yield
      }) : () -> ()
      %add3A_134 = arith.constant 2 : i32
      %add3A_135 = arith.addi %add3A_124, %add3A_134 : i32
      %dma_start3A_136 = arith.constant 0 : i32
      %dma_start3A_137 = arith.constant 0 : i32
      %dma_start3A_138 = tpu.memref_slice %arg8[%dma_start3A_136, %dma_start3A_137] : memref<256x128xf32, #tpu.memory_space<vmem>> -> memref<128x128xf32, #tpu.memory_space<vmem>>
      %dma_start3A_139 = arith.constant 0 : i32
      %dma_start3A_140 = tpu.memref_slice %arg6[%add3A_135, %dma_start3A_139] : memref<40x128xi32, #tpu.memory_space<vmem>> -> memref<1x128xi32, #tpu.memory_space<vmem>>
      %dma_start3A_141 = tpu.memref_squeeze %dma_start3A_140 : memref<1x128xi32, #tpu.memory_space<vmem>> -> memref<128xi32, #tpu.memory_space<vmem>>
      %dma_start3A_142 = arith.constant 0 : i32
      %dma_start3A_143 = arith.constant 0 : i32
      %dma_start3A_144 = tpu.memref_slice %arg2[%dma_start3A_142, %dma_start3A_143] : memref<10240x128xf32, #tpu.memory_space<hbm>> -> memref<10240x128xf32, #tpu.memory_space<hbm>>
      tpu.enqueue_indirect_dma source(%dma_start3A_144 : memref<10240x128xf32, #tpu.memory_space<hbm>>) target(%dma_start3A_138 : memref<128x128xf32, #tpu.memory_space<vmem>>) offsets(%dma_start3A_141 : memref<128xi32, #tpu.memory_space<vmem>>) semaphore(%arg10 : memref<!tpu.dma_semaphore, #tpu.memory_space<semaphore_mem>>)
      %mul3A_145 = arith.constant 2 : i32
      %mul3A_146 = arith.muli %add3A_120, %mul3A_145 : i32
      %add3A_147 = arith.constant 1 : i32
      %add3A_148 = arith.addi %mul3A_146, %add3A_147 : i32
      %dma_wait3A_149 = arith.constant 128 : i32
      %dma_wait3A_150 = arith.constant 0 : i32
      %dma_wait3A_151 = tpu.memref_slice %arg8[%dma_wait3A_149, %dma_wait3A_150] : memref<256x128xf32, #tpu.memory_space<vmem>> -> memref<128x128xf32, #tpu.memory_space<vmem>>
      %dma_wait3A_152 = arith.constant 0 : i32
      %dma_wait3A_153 = tpu.memref_slice %arg6[%add3A_148, %dma_wait3A_152] : memref<40x128xi32, #tpu.memory_space<vmem>> -> memref<1x128xi32, #tpu.memory_space<vmem>>
      %dma_wait3A_154 = tpu.memref_squeeze %dma_wait3A_153 : memref<1x128xi32, #tpu.memory_space<vmem>> -> memref<128xi32, #tpu.memory_space<vmem>>
      %dma_wait3A_155 = arith.constant 0 : i32
      %dma_wait3A_156 = arith.constant 0 : i32
      %dma_wait3A_157 = tpu.memref_slice %arg2[%dma_wait3A_155, %dma_wait3A_156] : memref<10240x128xf32, #tpu.memory_space<hbm>> -> memref<10240x128xf32, #tpu.memory_space<hbm>>
      tpu.wait_indirect_dma semaphore(%arg11 : memref<!tpu.dma_semaphore, #tpu.memory_space<semaphore_mem>>) src(%dma_wait3A_157 : memref<10240x128xf32, #tpu.memory_space<hbm>>) dst(%dma_wait3A_151 : memref<128x128xf32, #tpu.memory_space<vmem>>)
      "tpu.region"() ({
        %run_scoped3A_169 = tpu.sem_alloc : memref<!tpu.dma_semaphore, #tpu.memory_space<semaphore_mem>>
        %dma_start3A_170 = arith.constant 128 : i32
        %dma_start3A_171 = arith.constant 0 : i32
        %dma_start3A_172 = tpu.memref_slice %arg8[%dma_start3A_170, %dma_start3A_171] : memref<256x128xf32, #tpu.memory_space<vmem>> -> memref<128x128xf32, #tpu.memory_space<vmem>>
        %dma_start3A_173 = arith.constant 0 : i32
        %dma_start3A_174 = tpu.memref_slice %arg7[%add3A_148, %dma_start3A_173] : memref<40x128xi32, #tpu.memory_space<vmem>> -> memref<1x128xi32, #tpu.memory_space<vmem>>
        %dma_start3A_175 = tpu.memref_squeeze %dma_start3A_174 : memref<1x128xi32, #tpu.memory_space<vmem>> -> memref<128xi32, #tpu.memory_space<vmem>>
        %dma_start3A_176 = arith.constant 0 : i32
        %dma_start3A_177 = arith.constant 0 : i32
        %dma_start3A_178 = tpu.memref_slice %arg9[%dma_start3A_176, %dma_start3A_177] : memref<10240x128xf32, #tpu.memory_space<vmem_shared>> -> memref<10240x128xf32, #tpu.memory_space<vmem_shared>>
        tpu.enqueue_indirect_dma source(%dma_start3A_172 : memref<128x128xf32, #tpu.memory_space<vmem>>) target(%dma_start3A_178 : memref<10240x128xf32, #tpu.memory_space<vmem_shared>>) offsets(%dma_start3A_175 : memref<128xi32, #tpu.memory_space<vmem>>) semaphore(%run_scoped3A_169 : memref<!tpu.dma_semaphore, #tpu.memory_space<semaphore_mem>>) {add = true}
        %dma_wait3A_179 = arith.constant 128 : i32
        %dma_wait3A_180 = arith.constant 0 : i32
        %dma_wait3A_181 = tpu.memref_slice %arg8[%dma_wait3A_179, %dma_wait3A_180] : memref<256x128xf32, #tpu.memory_space<vmem>> -> memref<128x128xf32, #tpu.memory_space<vmem>>
        %dma_wait3A_182 = arith.constant 0 : i32
        %dma_wait3A_183 = tpu.memref_slice %arg7[%add3A_148, %dma_wait3A_182] : memref<40x128xi32, #tpu.memory_space<vmem>> -> memref<1x128xi32, #tpu.memory_space<vmem>>
        %dma_wait3A_184 = tpu.memref_squeeze %dma_wait3A_183 : memref<1x128xi32, #tpu.memory_space<vmem>> -> memref<128xi32, #tpu.memory_space<vmem>>
        %dma_wait3A_185 = arith.constant 0 : i32
        %dma_wait3A_186 = arith.constant 0 : i32
        %dma_wait3A_187 = tpu.memref_slice %arg9[%dma_wait3A_185, %dma_wait3A_186] : memref<10240x128xf32, #tpu.memory_space<vmem_shared>> -> memref<10240x128xf32, #tpu.memory_space<vmem_shared>>
        tpu.wait_indirect_dma semaphore(%run_scoped3A_169 : memref<!tpu.dma_semaphore, #tpu.memory_space<semaphore_mem>>) src(%dma_wait3A_181 : memref<128x128xf32, #tpu.memory_space<vmem>>) dst(%dma_wait3A_187 : memref<10240x128xf32, #tpu.memory_space<vmem_shared>>)
        tpu.yield
      }) : () -> ()
      %add3A_158 = arith.constant 2 : i32
      %add3A_159 = arith.addi %add3A_148, %add3A_158 : i32
      %dma_start3A_160 = arith.constant 128 : i32
      %dma_start3A_161 = arith.constant 0 : i32
      %dma_start3A_162 = tpu.memref_slice %arg8[%dma_start3A_160, %dma_start3A_161] : memref<256x128xf32, #tpu.memory_space<vmem>> -> memref<128x128xf32, #tpu.memory_space<vmem>>
      %dma_start3A_163 = arith.constant 0 : i32
      %dma_start3A_164 = tpu.memref_slice %arg6[%add3A_159, %dma_start3A_163] : memref<40x128xi32, #tpu.memory_space<vmem>> -> memref<1x128xi32, #tpu.memory_space<vmem>>
      %dma_start3A_165 = tpu.memref_squeeze %dma_start3A_164 : memref<1x128xi32, #tpu.memory_space<vmem>> -> memref<128xi32, #tpu.memory_space<vmem>>
      %dma_start3A_166 = arith.constant 0 : i32
      %dma_start3A_167 = arith.constant 0 : i32
      %dma_start3A_168 = tpu.memref_slice %arg2[%dma_start3A_166, %dma_start3A_167] : memref<10240x128xf32, #tpu.memory_space<hbm>> -> memref<10240x128xf32, #tpu.memory_space<hbm>>
      tpu.enqueue_indirect_dma source(%dma_start3A_168 : memref<10240x128xf32, #tpu.memory_space<hbm>>) target(%dma_start3A_162 : memref<128x128xf32, #tpu.memory_space<vmem>>) offsets(%dma_start3A_165 : memref<128xi32, #tpu.memory_space<vmem>>) semaphore(%arg11 : memref<!tpu.dma_semaphore, #tpu.memory_space<semaphore_mem>>)
    }
    %scan3A_38 = arith.constant 19 : i32
    %dma_wait3A = arith.constant 38 : i32
    %dma_wait3A_39 = arith.constant 0 : i32
    %dma_wait3A_40 = arith.constant 0 : i32
    %dma_wait3A_41 = tpu.memref_slice %arg8[%dma_wait3A_39, %dma_wait3A_40] : memref<256x128xf32, #tpu.memory_space<vmem>> -> memref<128x128xf32, #tpu.memory_space<vmem>>
    %dma_wait3A_42 = arith.constant 0 : i32
    %dma_wait3A_43 = tpu.memref_slice %arg6[%dma_wait3A, %dma_wait3A_42] : memref<40x128xi32, #tpu.memory_space<vmem>> -> memref<1x128xi32, #tpu.memory_space<vmem>>
    %dma_wait3A_44 = tpu.memref_squeeze %dma_wait3A_43 : memref<1x128xi32, #tpu.memory_space<vmem>> -> memref<128xi32, #tpu.memory_space<vmem>>
    %dma_wait3A_45 = arith.constant 0 : i32
    %dma_wait3A_46 = arith.constant 0 : i32
    %dma_wait3A_47 = tpu.memref_slice %arg2[%dma_wait3A_45, %dma_wait3A_46] : memref<10240x128xf32, #tpu.memory_space<hbm>> -> memref<10240x128xf32, #tpu.memory_space<hbm>>
    tpu.wait_indirect_dma semaphore(%arg10 : memref<!tpu.dma_semaphore, #tpu.memory_space<semaphore_mem>>) src(%dma_wait3A_47 : memref<10240x128xf32, #tpu.memory_space<hbm>>) dst(%dma_wait3A_41 : memref<128x128xf32, #tpu.memory_space<vmem>>)
    %run_scoped3A = arith.constant 38 : i32
    "tpu.region"() ({
      %run_scoped3A_116 = tpu.sem_alloc : memref<!tpu.dma_semaphore, #tpu.memory_space<semaphore_mem>>
      %dma_start3A_117 = arith.constant 0 : i32
      %dma_start3A_118 = arith.constant 0 : i32
      %dma_start3A_119 = tpu.memref_slice %arg8[%dma_start3A_117, %dma_start3A_118] : memref<256x128xf32, #tpu.memory_space<vmem>> -> memref<128x128xf32, #tpu.memory_space<vmem>>
      %dma_start3A_120 = arith.constant 0 : i32
      %dma_start3A_121 = tpu.memref_slice %arg7[%run_scoped3A, %dma_start3A_120] : memref<40x128xi32, #tpu.memory_space<vmem>> -> memref<1x128xi32, #tpu.memory_space<vmem>>
      %dma_start3A_122 = tpu.memref_squeeze %dma_start3A_121 : memref<1x128xi32, #tpu.memory_space<vmem>> -> memref<128xi32, #tpu.memory_space<vmem>>
      %dma_start3A_123 = arith.constant 0 : i32
      %dma_start3A_124 = arith.constant 0 : i32
      %dma_start3A_125 = tpu.memref_slice %arg9[%dma_start3A_123, %dma_start3A_124] : memref<10240x128xf32, #tpu.memory_space<vmem_shared>> -> memref<10240x128xf32, #tpu.memory_space<vmem_shared>>
      tpu.enqueue_indirect_dma source(%dma_start3A_119 : memref<128x128xf32, #tpu.memory_space<vmem>>) target(%dma_start3A_125 : memref<10240x128xf32, #tpu.memory_space<vmem_shared>>) offsets(%dma_start3A_122 : memref<128xi32, #tpu.memory_space<vmem>>) semaphore(%run_scoped3A_116 : memref<!tpu.dma_semaphore, #tpu.memory_space<semaphore_mem>>) {add = true}
      %dma_wait3A_126 = arith.constant 0 : i32
      %dma_wait3A_127 = arith.constant 0 : i32
      %dma_wait3A_128 = tpu.memref_slice %arg8[%dma_wait3A_126, %dma_wait3A_127] : memref<256x128xf32, #tpu.memory_space<vmem>> -> memref<128x128xf32, #tpu.memory_space<vmem>>
      %dma_wait3A_129 = arith.constant 0 : i32
      %dma_wait3A_130 = tpu.memref_slice %arg7[%run_scoped3A, %dma_wait3A_129] : memref<40x128xi32, #tpu.memory_space<vmem>> -> memref<1x128xi32, #tpu.memory_space<vmem>>
      %dma_wait3A_131 = tpu.memref_squeeze %dma_wait3A_130 : memref<1x128xi32, #tpu.memory_space<vmem>> -> memref<128xi32, #tpu.memory_space<vmem>>
      %dma_wait3A_132 = arith.constant 0 : i32
      %dma_wait3A_133 = arith.constant 0 : i32
      %dma_wait3A_134 = tpu.memref_slice %arg9[%dma_wait3A_132, %dma_wait3A_133] : memref<10240x128xf32, #tpu.memory_space<vmem_shared>> -> memref<10240x128xf32, #tpu.memory_space<vmem_shared>>
      tpu.wait_indirect_dma semaphore(%run_scoped3A_116 : memref<!tpu.dma_semaphore, #tpu.memory_space<semaphore_mem>>) src(%dma_wait3A_128 : memref<128x128xf32, #tpu.memory_space<vmem>>) dst(%dma_wait3A_134 : memref<10240x128xf32, #tpu.memory_space<vmem_shared>>)
      tpu.yield
    }) : () -> ()
    %dma_wait3A_48 = arith.constant 39 : i32
    %dma_wait3A_49 = arith.constant 128 : i32
    %dma_wait3A_50 = arith.constant 0 : i32
    %dma_wait3A_51 = tpu.memref_slice %arg8[%dma_wait3A_49, %dma_wait3A_50] : memref<256x128xf32, #tpu.memory_space<vmem>> -> memref<128x128xf32, #tpu.memory_space<vmem>>
    %dma_wait3A_52 = arith.constant 0 : i32
    %dma_wait3A_53 = tpu.memref_slice %arg6[%dma_wait3A_48, %dma_wait3A_52] : memref<40x128xi32, #tpu.memory_space<vmem>> -> memref<1x128xi32, #tpu.memory_space<vmem>>
    %dma_wait3A_54 = tpu.memref_squeeze %dma_wait3A_53 : memref<1x128xi32, #tpu.memory_space<vmem>> -> memref<128xi32, #tpu.memory_space<vmem>>
    %dma_wait3A_55 = arith.constant 0 : i32
    %dma_wait3A_56 = arith.constant 0 : i32
    %dma_wait3A_57 = tpu.memref_slice %arg2[%dma_wait3A_55, %dma_wait3A_56] : memref<10240x128xf32, #tpu.memory_space<hbm>> -> memref<10240x128xf32, #tpu.memory_space<hbm>>
    tpu.wait_indirect_dma semaphore(%arg11 : memref<!tpu.dma_semaphore, #tpu.memory_space<semaphore_mem>>) src(%dma_wait3A_57 : memref<10240x128xf32, #tpu.memory_space<hbm>>) dst(%dma_wait3A_51 : memref<128x128xf32, #tpu.memory_space<vmem>>)
    %run_scoped3A_58 = arith.constant 39 : i32
    "tpu.region"() ({
      %run_scoped3A_116 = tpu.sem_alloc : memref<!tpu.dma_semaphore, #tpu.memory_space<semaphore_mem>>
      %dma_start3A_117 = arith.constant 128 : i32
      %dma_start3A_118 = arith.constant 0 : i32
      %dma_start3A_119 = tpu.memref_slice %arg8[%dma_start3A_117, %dma_start3A_118] : memref<256x128xf32, #tpu.memory_space<vmem>> -> memref<128x128xf32, #tpu.memory_space<vmem>>
      %dma_start3A_120 = arith.constant 0 : i32
      %dma_start3A_121 = tpu.memref_slice %arg7[%run_scoped3A_58, %dma_start3A_120] : memref<40x128xi32, #tpu.memory_space<vmem>> -> memref<1x128xi32, #tpu.memory_space<vmem>>
      %dma_start3A_122 = tpu.memref_squeeze %dma_start3A_121 : memref<1x128xi32, #tpu.memory_space<vmem>> -> memref<128xi32, #tpu.memory_space<vmem>>
      %dma_start3A_123 = arith.constant 0 : i32
      %dma_start3A_124 = arith.constant 0 : i32
      %dma_start3A_125 = tpu.memref_slice %arg9[%dma_start3A_123, %dma_start3A_124] : memref<10240x128xf32, #tpu.memory_space<vmem_shared>> -> memref<10240x128xf32, #tpu.memory_space<vmem_shared>>
      tpu.enqueue_indirect_dma source(%dma_start3A_119 : memref<128x128xf32, #tpu.memory_space<vmem>>) target(%dma_start3A_125 : memref<10240x128xf32, #tpu.memory_space<vmem_shared>>) offsets(%dma_start3A_122 : memref<128xi32, #tpu.memory_space<vmem>>) semaphore(%run_scoped3A_116 : memref<!tpu.dma_semaphore, #tpu.memory_space<semaphore_mem>>) {add = true}
      %dma_wait3A_126 = arith.constant 128 : i32
      %dma_wait3A_127 = arith.constant 0 : i32
      %dma_wait3A_128 = tpu.memref_slice %arg8[%dma_wait3A_126, %dma_wait3A_127] : memref<256x128xf32, #tpu.memory_space<vmem>> -> memref<128x128xf32, #tpu.memory_space<vmem>>
      %dma_wait3A_129 = arith.constant 0 : i32
      %dma_wait3A_130 = tpu.memref_slice %arg7[%run_scoped3A_58, %dma_wait3A_129] : memref<40x128xi32, #tpu.memory_space<vmem>> -> memref<1x128xi32, #tpu.memory_space<vmem>>
      %dma_wait3A_131 = tpu.memref_squeeze %dma_wait3A_130 : memref<1x128xi32, #tpu.memory_space<vmem>> -> memref<128xi32, #tpu.memory_space<vmem>>
      %dma_wait3A_132 = arith.constant 0 : i32
      %dma_wait3A_133 = arith.constant 0 : i32
      %dma_wait3A_134 = tpu.memref_slice %arg9[%dma_wait3A_132, %dma_wait3A_133] : memref<10240x128xf32, #tpu.memory_space<vmem_shared>> -> memref<10240x128xf32, #tpu.memory_space<vmem_shared>>
      tpu.wait_indirect_dma semaphore(%run_scoped3A_116 : memref<!tpu.dma_semaphore, #tpu.memory_space<semaphore_mem>>) src(%dma_wait3A_128 : memref<128x128xf32, #tpu.memory_space<vmem>>) dst(%dma_wait3A_134 : memref<10240x128xf32, #tpu.memory_space<vmem_shared>>)
      tpu.yield
    }) : () -> ()
    %mul3A_59 = arith.constant 80 : i32
    %mul3A_60 = arith.muli %add3A, %mul3A_59 : i32
    %add3A_61 = arith.constant 40 : i32
    %add3A_62 = arith.addi %mul3A_60, %add3A_61 : i32
    "tpu.region"() ({
      %run_scoped3A_116 = tpu.sem_alloc : memref<!tpu.dma_semaphore, #tpu.memory_space<semaphore_mem>>
      %dma_start3A_117 = arith.constant 0 : i32
      %dma_start3A_118 = tpu.memref_slice %arg3[%add3A_62, %dma_start3A_117] : memref<2560x128xi32, #tpu.memory_space<hbm>> -> memref<40x128xi32, #tpu.memory_space<hbm>>
      %dma_start3A_119 = arith.constant 0 : i32
      %dma_start3A_120 = tpu.memref_slice %arg3[%add3A_62, %dma_start3A_119] : memref<2560x128xi32, #tpu.memory_space<hbm>> -> memref<40x128xi32, #tpu.memory_space<hbm>>
      tpu.enqueue_dma source(%dma_start3A_120 : memref<40x128xi32, #tpu.memory_space<hbm>>) target(%arg6 : memref<40x128xi32, #tpu.memory_space<vmem>>) target_semaphore(%run_scoped3A_116 : memref<!tpu.dma_semaphore, #tpu.memory_space<semaphore_mem>>)
      %dma_wait3A_121 = arith.constant 0 : i32
      %dma_wait3A_122 = tpu.memref_slice %arg3[%add3A_62, %dma_wait3A_121] : memref<2560x128xi32, #tpu.memory_space<hbm>> -> memref<40x128xi32, #tpu.memory_space<hbm>>
      %dma_wait3A_123 = arith.constant 0 : i32
      %dma_wait3A_124 = tpu.memref_slice %arg3[%add3A_62, %dma_wait3A_123] : memref<2560x128xi32, #tpu.memory_space<hbm>> -> memref<40x128xi32, #tpu.memory_space<hbm>>
      tpu.wait_dma2 semaphore(%run_scoped3A_116 : memref<!tpu.dma_semaphore, #tpu.memory_space<semaphore_mem>>) src(%dma_wait3A_124 : memref<40x128xi32, #tpu.memory_space<hbm>>) dst(%arg6 : memref<40x128xi32, #tpu.memory_space<vmem>>)
      tpu.yield
    }) : () -> ()
    "tpu.region"() ({
      %run_scoped3A_116 = tpu.sem_alloc : memref<!tpu.dma_semaphore, #tpu.memory_space<semaphore_mem>>
      %dma_start3A_117 = arith.constant 0 : i32
      %dma_start3A_118 = tpu.memref_slice %arg4[%add3A_62, %dma_start3A_117] : memref<2560x128xi32, #tpu.memory_space<hbm>> -> memref<40x128xi32, #tpu.memory_space<hbm>>
      %dma_start3A_119 = arith.constant 0 : i32
      %dma_start3A_120 = tpu.memref_slice %arg4[%add3A_62, %dma_start3A_119] : memref<2560x128xi32, #tpu.memory_space<hbm>> -> memref<40x128xi32, #tpu.memory_space<hbm>>
      tpu.enqueue_dma source(%dma_start3A_120 : memref<40x128xi32, #tpu.memory_space<hbm>>) target(%arg7 : memref<40x128xi32, #tpu.memory_space<vmem>>) target_semaphore(%run_scoped3A_116 : memref<!tpu.dma_semaphore, #tpu.memory_space<semaphore_mem>>)
      %dma_wait3A_121 = arith.constant 0 : i32
      %dma_wait3A_122 = tpu.memref_slice %arg4[%add3A_62, %dma_wait3A_121] : memref<2560x128xi32, #tpu.memory_space<hbm>> -> memref<40x128xi32, #tpu.memory_space<hbm>>
      %dma_wait3A_123 = arith.constant 0 : i32
      %dma_wait3A_124 = tpu.memref_slice %arg4[%add3A_62, %dma_wait3A_123] : memref<2560x128xi32, #tpu.memory_space<hbm>> -> memref<40x128xi32, #tpu.memory_space<hbm>>
      tpu.wait_dma2 semaphore(%run_scoped3A_116 : memref<!tpu.dma_semaphore, #tpu.memory_space<semaphore_mem>>) src(%dma_wait3A_124 : memref<40x128xi32, #tpu.memory_space<hbm>>) dst(%arg7 : memref<40x128xi32, #tpu.memory_space<vmem>>)
      tpu.yield
    }) : () -> ()
    %dma_start3A_63 = arith.constant 0 : i32
    %dma_start3A_64 = arith.constant 0 : i32
    %dma_start3A_65 = arith.constant 0 : i32
    %dma_start3A_66 = tpu.memref_slice %arg8[%dma_start3A_64, %dma_start3A_65] : memref<256x128xf32, #tpu.memory_space<vmem>> -> memref<128x128xf32, #tpu.memory_space<vmem>>
    %dma_start3A_67 = arith.constant 0 : i32
    %dma_start3A_68 = tpu.memref_slice %arg6[%dma_start3A_63, %dma_start3A_67] : memref<40x128xi32, #tpu.memory_space<vmem>> -> memref<1x128xi32, #tpu.memory_space<vmem>>
    %dma_start3A_69 = tpu.memref_squeeze %dma_start3A_68 : memref<1x128xi32, #tpu.memory_space<vmem>> -> memref<128xi32, #tpu.memory_space<vmem>>
    %dma_start3A_70 = arith.constant 0 : i32
    %dma_start3A_71 = arith.constant 0 : i32
    %dma_start3A_72 = tpu.memref_slice %arg2[%dma_start3A_70, %dma_start3A_71] : memref<10240x128xf32, #tpu.memory_space<hbm>> -> memref<10240x128xf32, #tpu.memory_space<hbm>>
    tpu.enqueue_indirect_dma source(%dma_start3A_72 : memref<10240x128xf32, #tpu.memory_space<hbm>>) target(%dma_start3A_66 : memref<128x128xf32, #tpu.memory_space<vmem>>) offsets(%dma_start3A_69 : memref<128xi32, #tpu.memory_space<vmem>>) semaphore(%arg10 : memref<!tpu.dma_semaphore, #tpu.memory_space<semaphore_mem>>)
    %dma_start3A_73 = arith.constant 1 : i32
    %dma_start3A_74 = arith.constant 128 : i32
    %dma_start3A_75 = arith.constant 0 : i32
    %dma_start3A_76 = tpu.memref_slice %arg8[%dma_start3A_74, %dma_start3A_75] : memref<256x128xf32, #tpu.memory_space<vmem>> -> memref<128x128xf32, #tpu.memory_space<vmem>>
    %dma_start3A_77 = arith.constant 0 : i32
    %dma_start3A_78 = tpu.memref_slice %arg6[%dma_start3A_73, %dma_start3A_77] : memref<40x128xi32, #tpu.memory_space<vmem>> -> memref<1x128xi32, #tpu.memory_space<vmem>>
    %dma_start3A_79 = tpu.memref_squeeze %dma_start3A_78 : memref<1x128xi32, #tpu.memory_space<vmem>> -> memref<128xi32, #tpu.memory_space<vmem>>
    %dma_start3A_80 = arith.constant 0 : i32
    %dma_start3A_81 = arith.constant 0 : i32
    %dma_start3A_82 = tpu.memref_slice %arg2[%dma_start3A_80, %dma_start3A_81] : memref<10240x128xf32, #tpu.memory_space<hbm>> -> memref<10240x128xf32, #tpu.memory_space<hbm>>
    tpu.enqueue_indirect_dma source(%dma_start3A_82 : memref<10240x128xf32, #tpu.memory_space<hbm>>) target(%dma_start3A_76 : memref<128x128xf32, #tpu.memory_space<vmem>>) offsets(%dma_start3A_79 : memref<128xi32, #tpu.memory_space<vmem>>) semaphore(%arg11 : memref<!tpu.dma_semaphore, #tpu.memory_space<semaphore_mem>>)
    %scan3A_83 = arith.constant 0 : i32
    %scan3A_84 = arith.constant 19 : i32
    %scan3A_85 = arith.addi %scan3A_83, %scan3A_84 : i32
    %scan3A_86 = arith.constant 1 : i32
    scf.for %scan3A_116 = %scan3A_83 to %scan3A_85 step %scan3A_86  : i32 {
      %mul3A_117 = arith.constant 1 : i32
      %mul3A_118 = arith.muli %scan3A_116, %mul3A_117 : i32
      %add3A_119 = arith.constant 0 : i32
      %add3A_120 = arith.addi %add3A_119, %mul3A_118 : i32
      %mul3A_121 = arith.constant 2 : i32
      %mul3A_122 = arith.muli %add3A_120, %mul3A_121 : i32
      %add3A_123 = arith.constant 0 : i32
      %add3A_124 = arith.addi %mul3A_122, %add3A_123 : i32
      %dma_wait3A_125 = arith.constant 0 : i32
      %dma_wait3A_126 = arith.constant 0 : i32
      %dma_wait3A_127 = tpu.memref_slice %arg8[%dma_wait3A_125, %dma_wait3A_126] : memref<256x128xf32, #tpu.memory_space<vmem>> -> memref<128x128xf32, #tpu.memory_space<vmem>>
      %dma_wait3A_128 = arith.constant 0 : i32
      %dma_wait3A_129 = tpu.memref_slice %arg6[%add3A_124, %dma_wait3A_128] : memref<40x128xi32, #tpu.memory_space<vmem>> -> memref<1x128xi32, #tpu.memory_space<vmem>>
      %dma_wait3A_130 = tpu.memref_squeeze %dma_wait3A_129 : memref<1x128xi32, #tpu.memory_space<vmem>> -> memref<128xi32, #tpu.memory_space<vmem>>
      %dma_wait3A_131 = arith.constant 0 : i32
      %dma_wait3A_132 = arith.constant 0 : i32
      %dma_wait3A_133 = tpu.memref_slice %arg2[%dma_wait3A_131, %dma_wait3A_132] : memref<10240x128xf32, #tpu.memory_space<hbm>> -> memref<10240x128xf32, #tpu.memory_space<hbm>>
      tpu.wait_indirect_dma semaphore(%arg10 : memref<!tpu.dma_semaphore, #tpu.memory_space<semaphore_mem>>) src(%dma_wait3A_133 : memref<10240x128xf32, #tpu.memory_space<hbm>>) dst(%dma_wait3A_127 : memref<128x128xf32, #tpu.memory_space<vmem>>)
      "tpu.region"() ({
        %run_scoped3A_169 = tpu.sem_alloc : memref<!tpu.dma_semaphore, #tpu.memory_space<semaphore_mem>>
        %dma_start3A_170 = arith.constant 0 : i32
        %dma_start3A_171 = arith.constant 0 : i32
        %dma_start3A_172 = tpu.memref_slice %arg8[%dma_start3A_170, %dma_start3A_171] : memref<256x128xf32, #tpu.memory_space<vmem>> -> memref<128x128xf32, #tpu.memory_space<vmem>>
        %dma_start3A_173 = arith.constant 0 : i32
        %dma_start3A_174 = tpu.memref_slice %arg7[%add3A_124, %dma_start3A_173] : memref<40x128xi32, #tpu.memory_space<vmem>> -> memref<1x128xi32, #tpu.memory_space<vmem>>
        %dma_start3A_175 = tpu.memref_squeeze %dma_start3A_174 : memref<1x128xi32, #tpu.memory_space<vmem>> -> memref<128xi32, #tpu.memory_space<vmem>>
        %dma_start3A_176 = arith.constant 0 : i32
        %dma_start3A_177 = arith.constant 0 : i32
        %dma_start3A_178 = tpu.memref_slice %arg9[%dma_start3A_176, %dma_start3A_177] : memref<10240x128xf32, #tpu.memory_space<vmem_shared>> -> memref<10240x128xf32, #tpu.memory_space<vmem_shared>>
        tpu.enqueue_indirect_dma source(%dma_start3A_172 : memref<128x128xf32, #tpu.memory_space<vmem>>) target(%dma_start3A_178 : memref<10240x128xf32, #tpu.memory_space<vmem_shared>>) offsets(%dma_start3A_175 : memref<128xi32, #tpu.memory_space<vmem>>) semaphore(%run_scoped3A_169 : memref<!tpu.dma_semaphore, #tpu.memory_space<semaphore_mem>>) {add = true}
        %dma_wait3A_179 = arith.constant 0 : i32
        %dma_wait3A_180 = arith.constant 0 : i32
        %dma_wait3A_181 = tpu.memref_slice %arg8[%dma_wait3A_179, %dma_wait3A_180] : memref<256x128xf32, #tpu.memory_space<vmem>> -> memref<128x128xf32, #tpu.memory_space<vmem>>
        %dma_wait3A_182 = arith.constant 0 : i32
        %dma_wait3A_183 = tpu.memref_slice %arg7[%add3A_124, %dma_wait3A_182] : memref<40x128xi32, #tpu.memory_space<vmem>> -> memref<1x128xi32, #tpu.memory_space<vmem>>
        %dma_wait3A_184 = tpu.memref_squeeze %dma_wait3A_183 : memref<1x128xi32, #tpu.memory_space<vmem>> -> memref<128xi32, #tpu.memory_space<vmem>>
        %dma_wait3A_185 = arith.constant 0 : i32
        %dma_wait3A_186 = arith.constant 0 : i32
        %dma_wait3A_187 = tpu.memref_slice %arg9[%dma_wait3A_185, %dma_wait3A_186] : memref<10240x128xf32, #tpu.memory_space<vmem_shared>> -> memref<10240x128xf32, #tpu.memory_space<vmem_shared>>
        tpu.wait_indirect_dma semaphore(%run_scoped3A_169 : memref<!tpu.dma_semaphore, #tpu.memory_space<semaphore_mem>>) src(%dma_wait3A_181 : memref<128x128xf32, #tpu.memory_space<vmem>>) dst(%dma_wait3A_187 : memref<10240x128xf32, #tpu.memory_space<vmem_shared>>)
        tpu.yield
      }) : () -> ()
      %add3A_134 = arith.constant 2 : i32
      %add3A_135 = arith.addi %add3A_124, %add3A_134 : i32
      %dma_start3A_136 = arith.constant 0 : i32
      %dma_start3A_137 = arith.constant 0 : i32
      %dma_start3A_138 = tpu.memref_slice %arg8[%dma_start3A_136, %dma_start3A_137] : memref<256x128xf32, #tpu.memory_space<vmem>> -> memref<128x128xf32, #tpu.memory_space<vmem>>
      %dma_start3A_139 = arith.constant 0 : i32
      %dma_start3A_140 = tpu.memref_slice %arg6[%add3A_135, %dma_start3A_139] : memref<40x128xi32, #tpu.memory_space<vmem>> -> memref<1x128xi32, #tpu.memory_space<vmem>>
      %dma_start3A_141 = tpu.memref_squeeze %dma_start3A_140 : memref<1x128xi32, #tpu.memory_space<vmem>> -> memref<128xi32, #tpu.memory_space<vmem>>
      %dma_start3A_142 = arith.constant 0 : i32
      %dma_start3A_143 = arith.constant 0 : i32
      %dma_start3A_144 = tpu.memref_slice %arg2[%dma_start3A_142, %dma_start3A_143] : memref<10240x128xf32, #tpu.memory_space<hbm>> -> memref<10240x128xf32, #tpu.memory_space<hbm>>
      tpu.enqueue_indirect_dma source(%dma_start3A_144 : memref<10240x128xf32, #tpu.memory_space<hbm>>) target(%dma_start3A_138 : memref<128x128xf32, #tpu.memory_space<vmem>>) offsets(%dma_start3A_141 : memref<128xi32, #tpu.memory_space<vmem>>) semaphore(%arg10 : memref<!tpu.dma_semaphore, #tpu.memory_space<semaphore_mem>>)
      %mul3A_145 = arith.constant 2 : i32
      %mul3A_146 = arith.muli %add3A_120, %mul3A_145 : i32
      %add3A_147 = arith.constant 1 : i32
      %add3A_148 = arith.addi %mul3A_146, %add3A_147 : i32
      %dma_wait3A_149 = arith.constant 128 : i32
      %dma_wait3A_150 = arith.constant 0 : i32
      %dma_wait3A_151 = tpu.memref_slice %arg8[%dma_wait3A_149, %dma_wait3A_150] : memref<256x128xf32, #tpu.memory_space<vmem>> -> memref<128x128xf32, #tpu.memory_space<vmem>>
      %dma_wait3A_152 = arith.constant 0 : i32
      %dma_wait3A_153 = tpu.memref_slice %arg6[%add3A_148, %dma_wait3A_152] : memref<40x128xi32, #tpu.memory_space<vmem>> -> memref<1x128xi32, #tpu.memory_space<vmem>>
      %dma_wait3A_154 = tpu.memref_squeeze %dma_wait3A_153 : memref<1x128xi32, #tpu.memory_space<vmem>> -> memref<128xi32, #tpu.memory_space<vmem>>
      %dma_wait3A_155 = arith.constant 0 : i32
      %dma_wait3A_156 = arith.constant 0 : i32
      %dma_wait3A_157 = tpu.memref_slice %arg2[%dma_wait3A_155, %dma_wait3A_156] : memref<10240x128xf32, #tpu.memory_space<hbm>> -> memref<10240x128xf32, #tpu.memory_space<hbm>>
      tpu.wait_indirect_dma semaphore(%arg11 : memref<!tpu.dma_semaphore, #tpu.memory_space<semaphore_mem>>) src(%dma_wait3A_157 : memref<10240x128xf32, #tpu.memory_space<hbm>>) dst(%dma_wait3A_151 : memref<128x128xf32, #tpu.memory_space<vmem>>)
      "tpu.region"() ({
        %run_scoped3A_169 = tpu.sem_alloc : memref<!tpu.dma_semaphore, #tpu.memory_space<semaphore_mem>>
        %dma_start3A_170 = arith.constant 128 : i32
        %dma_start3A_171 = arith.constant 0 : i32
        %dma_start3A_172 = tpu.memref_slice %arg8[%dma_start3A_170, %dma_start3A_171] : memref<256x128xf32, #tpu.memory_space<vmem>> -> memref<128x128xf32, #tpu.memory_space<vmem>>
        %dma_start3A_173 = arith.constant 0 : i32
        %dma_start3A_174 = tpu.memref_slice %arg7[%add3A_148, %dma_start3A_173] : memref<40x128xi32, #tpu.memory_space<vmem>> -> memref<1x128xi32, #tpu.memory_space<vmem>>
        %dma_start3A_175 = tpu.memref_squeeze %dma_start3A_174 : memref<1x128xi32, #tpu.memory_space<vmem>> -> memref<128xi32, #tpu.memory_space<vmem>>
        %dma_start3A_176 = arith.constant 0 : i32
        %dma_start3A_177 = arith.constant 0 : i32
        %dma_start3A_178 = tpu.memref_slice %arg9[%dma_start3A_176, %dma_start3A_177] : memref<10240x128xf32, #tpu.memory_space<vmem_shared>> -> memref<10240x128xf32, #tpu.memory_space<vmem_shared>>
        tpu.enqueue_indirect_dma source(%dma_start3A_172 : memref<128x128xf32, #tpu.memory_space<vmem>>) target(%dma_start3A_178 : memref<10240x128xf32, #tpu.memory_space<vmem_shared>>) offsets(%dma_start3A_175 : memref<128xi32, #tpu.memory_space<vmem>>) semaphore(%run_scoped3A_169 : memref<!tpu.dma_semaphore, #tpu.memory_space<semaphore_mem>>) {add = true}
        %dma_wait3A_179 = arith.constant 128 : i32
        %dma_wait3A_180 = arith.constant 0 : i32
        %dma_wait3A_181 = tpu.memref_slice %arg8[%dma_wait3A_179, %dma_wait3A_180] : memref<256x128xf32, #tpu.memory_space<vmem>> -> memref<128x128xf32, #tpu.memory_space<vmem>>
        %dma_wait3A_182 = arith.constant 0 : i32
        %dma_wait3A_183 = tpu.memref_slice %arg7[%add3A_148, %dma_wait3A_182] : memref<40x128xi32, #tpu.memory_space<vmem>> -> memref<1x128xi32, #tpu.memory_space<vmem>>
        %dma_wait3A_184 = tpu.memref_squeeze %dma_wait3A_183 : memref<1x128xi32, #tpu.memory_space<vmem>> -> memref<128xi32, #tpu.memory_space<vmem>>
        %dma_wait3A_185 = arith.constant 0 : i32
        %dma_wait3A_186 = arith.constant 0 : i32
        %dma_wait3A_187 = tpu.memref_slice %arg9[%dma_wait3A_185, %dma_wait3A_186] : memref<10240x128xf32, #tpu.memory_space<vmem_shared>> -> memref<10240x128xf32, #tpu.memory_space<vmem_shared>>
        tpu.wait_indirect_dma semaphore(%run_scoped3A_169 : memref<!tpu.dma_semaphore, #tpu.memory_space<semaphore_mem>>) src(%dma_wait3A_181 : memref<128x128xf32, #tpu.memory_space<vmem>>) dst(%dma_wait3A_187 : memref<10240x128xf32, #tpu.memory_space<vmem_shared>>)
        tpu.yield
      }) : () -> ()
      %add3A_158 = arith.constant 2 : i32
      %add3A_159 = arith.addi %add3A_148, %add3A_158 : i32
      %dma_start3A_160 = arith.constant 128 : i32
      %dma_start3A_161 = arith.constant 0 : i32
      %dma_start3A_162 = tpu.memref_slice %arg8[%dma_start3A_160, %dma_start3A_161] : memref<256x128xf32, #tpu.memory_space<vmem>> -> memref<128x128xf32, #tpu.memory_space<vmem>>
      %dma_start3A_163 = arith.constant 0 : i32
      %dma_start3A_164 = tpu.memref_slice %arg6[%add3A_159, %dma_start3A_163] : memref<40x128xi32, #tpu.memory_space<vmem>> -> memref<1x128xi32, #tpu.memory_space<vmem>>
      %dma_start3A_165 = tpu.memref_squeeze %dma_start3A_164 : memref<1x128xi32, #tpu.memory_space<vmem>> -> memref<128xi32, #tpu.memory_space<vmem>>
      %dma_start3A_166 = arith.constant 0 : i32
      %dma_start3A_167 = arith.constant 0 : i32
      %dma_start3A_168 = tpu.memref_slice %arg2[%dma_start3A_166, %dma_start3A_167] : memref<10240x128xf32, #tpu.memory_space<hbm>> -> memref<10240x128xf32, #tpu.memory_space<hbm>>
      tpu.enqueue_indirect_dma source(%dma_start3A_168 : memref<10240x128xf32, #tpu.memory_space<hbm>>) target(%dma_start3A_162 : memref<128x128xf32, #tpu.memory_space<vmem>>) offsets(%dma_start3A_165 : memref<128xi32, #tpu.memory_space<vmem>>) semaphore(%arg11 : memref<!tpu.dma_semaphore, #tpu.memory_space<semaphore_mem>>)
    }
    %scan3A_87 = arith.constant 19 : i32
    %dma_wait3A_88 = arith.constant 38 : i32
    %dma_wait3A_89 = arith.constant 0 : i32
    %dma_wait3A_90 = arith.constant 0 : i32
    %dma_wait3A_91 = tpu.memref_slice %arg8[%dma_wait3A_89, %dma_wait3A_90] : memref<256x128xf32, #tpu.memory_space<vmem>> -> memref<128x128xf32, #tpu.memory_space<vmem>>
    %dma_wait3A_92 = arith.constant 0 : i32
    %dma_wait3A_93 = tpu.memref_slice %arg6[%dma_wait3A_88, %dma_wait3A_92] : memref<40x128xi32, #tpu.memory_space<vmem>> -> memref<1x128xi32, #tpu.memory_space<vmem>>
    %dma_wait3A_94 = tpu.memref_squeeze %dma_wait3A_93 : memref<1x128xi32, #tpu.memory_space<vmem>> -> memref<128xi32, #tpu.memory_space<vmem>>
    %dma_wait3A_95 = arith.constant 0 : i32
    %dma_wait3A_96 = arith.constant 0 : i32
    %dma_wait3A_97 = tpu.memref_slice %arg2[%dma_wait3A_95, %dma_wait3A_96] : memref<10240x128xf32, #tpu.memory_space<hbm>> -> memref<10240x128xf32, #tpu.memory_space<hbm>>
    tpu.wait_indirect_dma semaphore(%arg10 : memref<!tpu.dma_semaphore, #tpu.memory_space<semaphore_mem>>) src(%dma_wait3A_97 : memref<10240x128xf32, #tpu.memory_space<hbm>>) dst(%dma_wait3A_91 : memref<128x128xf32, #tpu.memory_space<vmem>>)
    %run_scoped3A_98 = arith.constant 38 : i32
    "tpu.region"() ({
      %run_scoped3A_116 = tpu.sem_alloc : memref<!tpu.dma_semaphore, #tpu.memory_space<semaphore_mem>>
      %dma_start3A_117 = arith.constant 0 : i32
      %dma_start3A_118 = arith.constant 0 : i32
      %dma_start3A_119 = tpu.memref_slice %arg8[%dma_start3A_117, %dma_start3A_118] : memref<256x128xf32, #tpu.memory_space<vmem>> -> memref<128x128xf32, #tpu.memory_space<vmem>>
      %dma_start3A_120 = arith.constant 0 : i32
      %dma_start3A_121 = tpu.memref_slice %arg7[%run_scoped3A_98, %dma_start3A_120] : memref<40x128xi32, #tpu.memory_space<vmem>> -> memref<1x128xi32, #tpu.memory_space<vmem>>
      %dma_start3A_122 = tpu.memref_squeeze %dma_start3A_121 : memref<1x128xi32, #tpu.memory_space<vmem>> -> memref<128xi32, #tpu.memory_space<vmem>>
      %dma_start3A_123 = arith.constant 0 : i32
      %dma_start3A_124 = arith.constant 0 : i32
      %dma_start3A_125 = tpu.memref_slice %arg9[%dma_start3A_123, %dma_start3A_124] : memref<10240x128xf32, #tpu.memory_space<vmem_shared>> -> memref<10240x128xf32, #tpu.memory_space<vmem_shared>>
      tpu.enqueue_indirect_dma source(%dma_start3A_119 : memref<128x128xf32, #tpu.memory_space<vmem>>) target(%dma_start3A_125 : memref<10240x128xf32, #tpu.memory_space<vmem_shared>>) offsets(%dma_start3A_122 : memref<128xi32, #tpu.memory_space<vmem>>) semaphore(%run_scoped3A_116 : memref<!tpu.dma_semaphore, #tpu.memory_space<semaphore_mem>>) {add = true}
      %dma_wait3A_126 = arith.constant 0 : i32
      %dma_wait3A_127 = arith.constant 0 : i32
      %dma_wait3A_128 = tpu.memref_slice %arg8[%dma_wait3A_126, %dma_wait3A_127] : memref<256x128xf32, #tpu.memory_space<vmem>> -> memref<128x128xf32, #tpu.memory_space<vmem>>
      %dma_wait3A_129 = arith.constant 0 : i32
      %dma_wait3A_130 = tpu.memref_slice %arg7[%run_scoped3A_98, %dma_wait3A_129] : memref<40x128xi32, #tpu.memory_space<vmem>> -> memref<1x128xi32, #tpu.memory_space<vmem>>
      %dma_wait3A_131 = tpu.memref_squeeze %dma_wait3A_130 : memref<1x128xi32, #tpu.memory_space<vmem>> -> memref<128xi32, #tpu.memory_space<vmem>>
      %dma_wait3A_132 = arith.constant 0 : i32
      %dma_wait3A_133 = arith.constant 0 : i32
      %dma_wait3A_134 = tpu.memref_slice %arg9[%dma_wait3A_132, %dma_wait3A_133] : memref<10240x128xf32, #tpu.memory_space<vmem_shared>> -> memref<10240x128xf32, #tpu.memory_space<vmem_shared>>
      tpu.wait_indirect_dma semaphore(%run_scoped3A_116 : memref<!tpu.dma_semaphore, #tpu.memory_space<semaphore_mem>>) src(%dma_wait3A_128 : memref<128x128xf32, #tpu.memory_space<vmem>>) dst(%dma_wait3A_134 : memref<10240x128xf32, #tpu.memory_space<vmem_shared>>)
      tpu.yield
    }) : () -> ()
    %dma_wait3A_99 = arith.constant 39 : i32
    %dma_wait3A_100 = arith.constant 128 : i32
    %dma_wait3A_101 = arith.constant 0 : i32
    %dma_wait3A_102 = tpu.memref_slice %arg8[%dma_wait3A_100, %dma_wait3A_101] : memref<256x128xf32, #tpu.memory_space<vmem>> -> memref<128x128xf32, #tpu.memory_space<vmem>>
    %dma_wait3A_103 = arith.constant 0 : i32
    %dma_wait3A_104 = tpu.memref_slice %arg6[%dma_wait3A_99, %dma_wait3A_103] : memref<40x128xi32, #tpu.memory_space<vmem>> -> memref<1x128xi32, #tpu.memory_space<vmem>>
    %dma_wait3A_105 = tpu.memref_squeeze %dma_wait3A_104 : memref<1x128xi32, #tpu.memory_space<vmem>> -> memref<128xi32, #tpu.memory_space<vmem>>
    %dma_wait3A_106 = arith.constant 0 : i32
    %dma_wait3A_107 = arith.constant 0 : i32
    %dma_wait3A_108 = tpu.memref_slice %arg2[%dma_wait3A_106, %dma_wait3A_107] : memref<10240x128xf32, #tpu.memory_space<hbm>> -> memref<10240x128xf32, #tpu.memory_space<hbm>>
    tpu.wait_indirect_dma semaphore(%arg11 : memref<!tpu.dma_semaphore, #tpu.memory_space<semaphore_mem>>) src(%dma_wait3A_108 : memref<10240x128xf32, #tpu.memory_space<hbm>>) dst(%dma_wait3A_102 : memref<128x128xf32, #tpu.memory_space<vmem>>)
    %run_scoped3A_109 = arith.constant 39 : i32
    "tpu.region"() ({
      %run_scoped3A_116 = tpu.sem_alloc : memref<!tpu.dma_semaphore, #tpu.memory_space<semaphore_mem>>
      %dma_start3A_117 = arith.constant 128 : i32
      %dma_start3A_118 = arith.constant 0 : i32
      %dma_start3A_119 = tpu.memref_slice %arg8[%dma_start3A_117, %dma_start3A_118] : memref<256x128xf32, #tpu.memory_space<vmem>> -> memref<128x128xf32, #tpu.memory_space<vmem>>
      %dma_start3A_120 = arith.constant 0 : i32
      %dma_start3A_121 = tpu.memref_slice %arg7[%run_scoped3A_109, %dma_start3A_120] : memref<40x128xi32, #tpu.memory_space<vmem>> -> memref<1x128xi32, #tpu.memory_space<vmem>>
      %dma_start3A_122 = tpu.memref_squeeze %dma_start3A_121 : memref<1x128xi32, #tpu.memory_space<vmem>> -> memref<128xi32, #tpu.memory_space<vmem>>
      %dma_start3A_123 = arith.constant 0 : i32
      %dma_start3A_124 = arith.constant 0 : i32
      %dma_start3A_125 = tpu.memref_slice %arg9[%dma_start3A_123, %dma_start3A_124] : memref<10240x128xf32, #tpu.memory_space<vmem_shared>> -> memref<10240x128xf32, #tpu.memory_space<vmem_shared>>
      tpu.enqueue_indirect_dma source(%dma_start3A_119 : memref<128x128xf32, #tpu.memory_space<vmem>>) target(%dma_start3A_125 : memref<10240x128xf32, #tpu.memory_space<vmem_shared>>) offsets(%dma_start3A_122 : memref<128xi32, #tpu.memory_space<vmem>>) semaphore(%run_scoped3A_116 : memref<!tpu.dma_semaphore, #tpu.memory_space<semaphore_mem>>) {add = true}
      %dma_wait3A_126 = arith.constant 128 : i32
      %dma_wait3A_127 = arith.constant 0 : i32
      %dma_wait3A_128 = tpu.memref_slice %arg8[%dma_wait3A_126, %dma_wait3A_127] : memref<256x128xf32, #tpu.memory_space<vmem>> -> memref<128x128xf32, #tpu.memory_space<vmem>>
      %dma_wait3A_129 = arith.constant 0 : i32
      %dma_wait3A_130 = tpu.memref_slice %arg7[%run_scoped3A_109, %dma_wait3A_129] : memref<40x128xi32, #tpu.memory_space<vmem>> -> memref<1x128xi32, #tpu.memory_space<vmem>>
      %dma_wait3A_131 = tpu.memref_squeeze %dma_wait3A_130 : memref<1x128xi32, #tpu.memory_space<vmem>> -> memref<128xi32, #tpu.memory_space<vmem>>
      %dma_wait3A_132 = arith.constant 0 : i32
      %dma_wait3A_133 = arith.constant 0 : i32
      %dma_wait3A_134 = tpu.memref_slice %arg9[%dma_wait3A_132, %dma_wait3A_133] : memref<10240x128xf32, #tpu.memory_space<vmem_shared>> -> memref<10240x128xf32, #tpu.memory_space<vmem_shared>>
      tpu.wait_indirect_dma semaphore(%run_scoped3A_116 : memref<!tpu.dma_semaphore, #tpu.memory_space<semaphore_mem>>) src(%dma_wait3A_128 : memref<128x128xf32, #tpu.memory_space<vmem>>) dst(%dma_wait3A_134 : memref<10240x128xf32, #tpu.memory_space<vmem_shared>>)
      tpu.yield
    }) : () -> ()
    %barrier3A_110 = arith.constant 0 : index
    tpu.barrier barrier_id(%barrier3A_110)
    %scan3A_111 = arith.constant 0 : i32
    %scan3A_112 = arith.constant 5 : i32
    %scan3A_113 = arith.addi %scan3A_111, %scan3A_112 : i32
    %scan3A_114 = arith.constant 1 : i32
    scf.for %scan3A_116 = %scan3A_111 to %scan3A_113 step %scan3A_114  : i32 {
      %mul3A_117 = arith.constant 1 : i32
      %mul3A_118 = arith.muli %scan3A_116, %mul3A_117 : i32
      %add3A_119 = arith.constant 0 : i32
      %add3A_120 = arith.addi %add3A_119, %mul3A_118 : i32
      %mul3A_121 = arith.constant 640 : i32
      %mul3A_122 = arith.muli %arg1, %mul3A_121 : i32
      %mul3A_123 = arith.constant 128 : i32
      %mul3A_124 = arith.muli %add3A_120, %mul3A_123 : i32
      %add3A_125 = arith.addi %mul3A_122, %mul3A_124 : i32
      "tpu.region"() ({
        %run_scoped3A_131 = tpu.sem_alloc : memref<!tpu.dma_semaphore, #tpu.memory_space<semaphore_mem>>
        %dma_start3A_132 = arith.constant 0 : i32
        %dma_start3A_133 = arith.constant 0 : i32
        %dma_start3A_134 = tpu.memref_slice %arg8[%dma_start3A_132, %dma_start3A_133] : memref<256x128xf32, #tpu.memory_space<vmem>> -> memref<128x128xf32, #tpu.memory_space<vmem>>
        %dma_start3A_135 = arith.constant 0 : i32
        %dma_start3A_136 = tpu.memref_slice %arg9[%add3A_125, %dma_start3A_135] : memref<10240x128xf32, #tpu.memory_space<vmem_shared>> -> memref<128x128xf32, #tpu.memory_space<vmem_shared>>
        %dma_start3A_137 = arith.constant 0 : i32
        %dma_start3A_138 = arith.constant 0 : i32
        %dma_start3A_139 = tpu.memref_slice %arg8[%dma_start3A_137, %dma_start3A_138] : memref<256x128xf32, #tpu.memory_space<vmem>> -> memref<128x128xf32, #tpu.memory_space<vmem>>
        %dma_start3A_140 = arith.constant 0 : i32
        %dma_start3A_141 = tpu.memref_slice %arg9[%add3A_125, %dma_start3A_140] : memref<10240x128xf32, #tpu.memory_space<vmem_shared>> -> memref<128x128xf32, #tpu.memory_space<vmem_shared>>
        tpu.enqueue_dma source(%dma_start3A_141 : memref<128x128xf32, #tpu.memory_space<vmem_shared>>) target(%dma_start3A_139 : memref<128x128xf32, #tpu.memory_space<vmem>>) target_semaphore(%run_scoped3A_131 : memref<!tpu.dma_semaphore, #tpu.memory_space<semaphore_mem>>)
        %dma_wait3A_142 = arith.constant 0 : i32
        %dma_wait3A_143 = arith.constant 0 : i32
        %dma_wait3A_144 = tpu.memref_slice %arg8[%dma_wait3A_142, %dma_wait3A_143] : memref<256x128xf32, #tpu.memory_space<vmem>> -> memref<128x128xf32, #tpu.memory_space<vmem>>
        %dma_wait3A_145 = arith.constant 0 : i32
        %dma_wait3A_146 = tpu.memref_slice %arg9[%add3A_125, %dma_wait3A_145] : memref<10240x128xf32, #tpu.memory_space<vmem_shared>> -> memref<128x128xf32, #tpu.memory_space<vmem_shared>>
        %dma_wait3A_147 = arith.constant 0 : i32
        %dma_wait3A_148 = arith.constant 0 : i32
        %dma_wait3A_149 = tpu.memref_slice %arg8[%dma_wait3A_147, %dma_wait3A_148] : memref<256x128xf32, #tpu.memory_space<vmem>> -> memref<128x128xf32, #tpu.memory_space<vmem>>
        %dma_wait3A_150 = arith.constant 0 : i32
        %dma_wait3A_151 = tpu.memref_slice %arg9[%add3A_125, %dma_wait3A_150] : memref<10240x128xf32, #tpu.memory_space<vmem_shared>> -> memref<128x128xf32, #tpu.memory_space<vmem_shared>>
        tpu.wait_dma2 semaphore(%run_scoped3A_131 : memref<!tpu.dma_semaphore, #tpu.memory_space<semaphore_mem>>) src(%dma_wait3A_151 : memref<128x128xf32, #tpu.memory_space<vmem_shared>>) dst(%dma_wait3A_149 : memref<128x128xf32, #tpu.memory_space<vmem>>)
        tpu.yield
      }) : () -> ()
      %mul3A_126 = arith.constant 640 : i32
      %mul3A_127 = arith.muli %arg1, %mul3A_126 : i32
      %mul3A_128 = arith.constant 128 : i32
      %mul3A_129 = arith.muli %add3A_120, %mul3A_128 : i32
      %add3A_130 = arith.addi %mul3A_127, %mul3A_129 : i32
      "tpu.region"() ({
        %run_scoped3A_131 = tpu.sem_alloc : memref<!tpu.dma_semaphore, #tpu.memory_space<semaphore_mem>>
        %dma_start3A_132 = arith.constant 0 : i32
        %dma_start3A_133 = arith.constant 0 : i32
        %dma_start3A_134 = tpu.memref_slice %arg8[%dma_start3A_132, %dma_start3A_133] : memref<256x128xf32, #tpu.memory_space<vmem>> -> memref<128x128xf32, #tpu.memory_space<vmem>>
        %dma_start3A_135 = arith.constant 0 : i32
        %dma_start3A_136 = tpu.memref_slice %arg5[%arg0, %add3A_130, %dma_start3A_135] : memref<2x10240x128xf32, #tpu.memory_space<hbm>> -> memref<1x128x128xf32, #tpu.memory_space<hbm>>
        %dma_start3A_137 = tpu.memref_squeeze %dma_start3A_136 : memref<1x128x128xf32, #tpu.memory_space<hbm>> -> memref<128x128xf32, #tpu.memory_space<hbm>>
        %dma_start3A_138 = arith.constant 0 : i32
        %dma_start3A_139 = tpu.memref_slice %arg5[%arg0, %add3A_130, %dma_start3A_138] : memref<2x10240x128xf32, #tpu.memory_space<hbm>> -> memref<1x128x128xf32, #tpu.memory_space<hbm>>
        %dma_start3A_140 = tpu.memref_squeeze %dma_start3A_139 : memref<1x128x128xf32, #tpu.memory_space<hbm>> -> memref<128x128xf32, #tpu.memory_space<hbm>>
        %dma_start3A_141 = arith.constant 0 : i32
        %dma_start3A_142 = arith.constant 0 : i32
        %dma_start3A_143 = tpu.memref_slice %arg8[%dma_start3A_141, %dma_start3A_142] : memref<256x128xf32, #tpu.memory_space<vmem>> -> memref<128x128xf32, #tpu.memory_space<vmem>>
        tpu.enqueue_dma source(%dma_start3A_143 : memref<128x128xf32, #tpu.memory_space<vmem>>) target(%dma_start3A_140 : memref<128x128xf32, #tpu.memory_space<hbm>>) target_semaphore(%run_scoped3A_131 : memref<!tpu.dma_semaphore, #tpu.memory_space<semaphore_mem>>)
        %dma_wait3A_144 = arith.constant 0 : i32
        %dma_wait3A_145 = arith.constant 0 : i32
        %dma_wait3A_146 = tpu.memref_slice %arg8[%dma_wait3A_144, %dma_wait3A_145] : memref<256x128xf32, #tpu.memory_space<vmem>> -> memref<128x128xf32, #tpu.memory_space<vmem>>
        %dma_wait3A_147 = arith.constant 0 : i32
        %dma_wait3A_148 = tpu.memref_slice %arg5[%arg0, %add3A_130, %dma_wait3A_147] : memref<2x10240x128xf32, #tpu.memory_space<hbm>> -> memref<1x128x128xf32, #tpu.memory_space<hbm>>
        %dma_wait3A_149 = tpu.memref_squeeze %dma_wait3A_148 : memref<1x128x128xf32, #tpu.memory_space<hbm>> -> memref<128x128xf32, #tpu.memory_space<hbm>>
        %dma_wait3A_150 = arith.constant 0 : i32
        %dma_wait3A_151 = tpu.memref_slice %arg5[%arg0, %add3A_130, %dma_wait3A_150] : memref<2x10240x128xf32, #tpu.memory_space<hbm>> -> memref<1x128x128xf32, #tpu.memory_space<hbm>>
        %dma_wait3A_152 = tpu.memref_squeeze %dma_wait3A_151 : memref<1x128x128xf32, #tpu.memory_space<hbm>> -> memref<128x128xf32, #tpu.memory_space<hbm>>
        %dma_wait3A_153 = arith.constant 0 : i32
        %dma_wait3A_154 = arith.constant 0 : i32
        %dma_wait3A_155 = tpu.memref_slice %arg8[%dma_wait3A_153, %dma_wait3A_154] : memref<256x128xf32, #tpu.memory_space<vmem>> -> memref<128x128xf32, #tpu.memory_space<vmem>>
        tpu.wait_dma2 semaphore(%run_scoped3A_131 : memref<!tpu.dma_semaphore, #tpu.memory_space<semaphore_mem>>) src(%dma_wait3A_155 : memref<128x128xf32, #tpu.memory_space<vmem>>) dst(%dma_wait3A_152 : memref<128x128xf32, #tpu.memory_space<hbm>>)
        tpu.yield
      }) : () -> ()
    }
    %scan3A_115 = arith.constant 5 : i32
    return
  }
}

#map = affine_map<(d0, d1) -> (0)>
#map1 = affine_map<(d0, d1) -> (0, 0)>
module attributes {stable_mosaic.version = 14 : i64} {
  func.func @_deg_kernel(%arg0: i32, %arg1: i32, %arg2: memref<327680xi32, #tpu.memory_space<hbm>>, %arg3: memref<32x10240xf32, #tpu.memory_space<hbm>>, %arg4: memref<10240xi32, #tpu.memory_space<vmem>>, %arg5: memref<10240xf32, #tpu.memory_space<vmem>>) attributes {dimension_semantics = [#tpu.dimension_semantics<core_parallel>, #tpu.dimension_semantics<subcore_parallel>], iteration_bounds = array<i64: 2, 16>, scalar_prefetch = 0 : i64, scratch_operands = 2 : i64, tpu.core_type = #tpu.core_type<sc_vector_subcore>, window_params = [{transform_indices = #map}, {transform_indices = #map1}]} {
    %mul3A = arith.constant 2 : i32
    %mul3A_0 = arith.muli %arg1, %mul3A : i32
    %add3A = arith.addi %mul3A_0, %arg0 : i32
    %mul3A_1 = arith.constant 10240 : i32
    %mul3A_2 = arith.muli %add3A, %mul3A_1 : i32
    "tpu.region"() ({
      %run_scoped3A = tpu.sem_alloc : memref<!tpu.dma_semaphore, #tpu.memory_space<semaphore_mem>>
      %dma_start3A = tpu.memref_slice %arg2[%mul3A_2] : memref<327680xi32, #tpu.memory_space<hbm>> -> memref<10240xi32, #tpu.memory_space<hbm>>
      %dma_start3A_15 = tpu.memref_slice %arg2[%mul3A_2] : memref<327680xi32, #tpu.memory_space<hbm>> -> memref<10240xi32, #tpu.memory_space<hbm>>
      tpu.enqueue_dma source(%dma_start3A_15 : memref<10240xi32, #tpu.memory_space<hbm>>) target(%arg4 : memref<10240xi32, #tpu.memory_space<vmem>>) target_semaphore(%run_scoped3A : memref<!tpu.dma_semaphore, #tpu.memory_space<semaphore_mem>>)
      %dma_wait3A = tpu.memref_slice %arg2[%mul3A_2] : memref<327680xi32, #tpu.memory_space<hbm>> -> memref<10240xi32, #tpu.memory_space<hbm>>
      %dma_wait3A_16 = tpu.memref_slice %arg2[%mul3A_2] : memref<327680xi32, #tpu.memory_space<hbm>> -> memref<10240xi32, #tpu.memory_space<hbm>>
      tpu.wait_dma2 semaphore(%run_scoped3A : memref<!tpu.dma_semaphore, #tpu.memory_space<semaphore_mem>>) src(%dma_wait3A_16 : memref<10240xi32, #tpu.memory_space<hbm>>) dst(%arg4 : memref<10240xi32, #tpu.memory_space<vmem>>)
      tpu.yield
    }) : () -> ()
    %broadcast_in_dim3A = arith.constant 0.000000e+00 : f32
    %broadcast_in_dim3A_3 = vector.broadcast %broadcast_in_dim3A : f32 to vector<16xf32>
    %broadcast_in_dim3A_4 = arith.constant 1.000000e+00 : f32
    %broadcast_in_dim3A_5 = vector.broadcast %broadcast_in_dim3A_4 : f32 to vector<16xf32>
    %scan3A = arith.constant 0 : i32
    %scan3A_6 = arith.constant 640 : i32
    %scan3A_7 = arith.addi %scan3A, %scan3A_6 : i32
    %scan3A_8 = arith.constant 1 : i32
    scf.for %scan3A_15 = %scan3A to %scan3A_7 step %scan3A_8  : i32 {
      %mul3A_16 = arith.constant 1 : i32
      %mul3A_17 = arith.muli %scan3A_15, %mul3A_16 : i32
      %add3A_18 = arith.constant 0 : i32
      %add3A_19 = arith.addi %add3A_18, %mul3A_17 : i32
      %mul3A_20 = arith.constant 16 : i32
      %mul3A_21 = arith.muli %add3A_19, %mul3A_20 : i32
      %swap3A = arith.index_cast %mul3A_21 : i32 to index
      %swap3A_22 = tpu.vector_load %arg5[%swap3A] {strides = array<i32>} : memref<10240xf32, #tpu.memory_space<vmem>>, vector<16xf32>,
      tpu.vector_store %arg5[%swap3A], %broadcast_in_dim3A_3 {strides = array<i32>} : memref<10240xf32, #tpu.memory_space<vmem>>, vector<16xf32>,
    }
    %scan3A_9 = arith.constant 640 : i32
    %scan3A_10 = arith.constant 0 : i32
    %scan3A_11 = arith.constant 640 : i32
    %scan3A_12 = arith.addi %scan3A_10, %scan3A_11 : i32
    %scan3A_13 = arith.constant 1 : i32
    scf.for %scan3A_15 = %scan3A_10 to %scan3A_12 step %scan3A_13  : i32 {
      %mul3A_16 = arith.constant 1 : i32
      %mul3A_17 = arith.muli %scan3A_15, %mul3A_16 : i32
      %add3A_18 = arith.constant 0 : i32
      %add3A_19 = arith.addi %add3A_18, %mul3A_17 : i32
      %mul3A_20 = arith.constant 16 : i32
      %mul3A_21 = arith.muli %add3A_19, %mul3A_20 : i32
      %get3A = arith.index_cast %mul3A_21 : i32 to index
      %get3A_22 = tpu.vector_load %arg4[%get3A] {strides = array<i32>} : memref<10240xi32, #tpu.memory_space<vmem>>, vector<16xi32>,
      tpu.vector_store_idx %arg5[%get3A_22], %broadcast_in_dim3A_5 {add = true} : memref<10240xf32, #tpu.memory_space<vmem>>[vector<16xi32>], vector<16xf32>,
    }
    %scan3A_14 = arith.constant 640 : i32
    "tpu.region"() ({
      %run_scoped3A = tpu.sem_alloc : memref<!tpu.dma_semaphore, #tpu.memory_space<semaphore_mem>>
      %dma_start3A = arith.constant 0 : i32
      %dma_start3A_15 = tpu.memref_slice %arg3[%add3A, %dma_start3A] : memref<32x10240xf32, #tpu.memory_space<hbm>> -> memref<1x10240xf32, #tpu.memory_space<hbm>>
      %dma_start3A_16 = tpu.memref_squeeze %dma_start3A_15 : memref<1x10240xf32, #tpu.memory_space<hbm>> -> memref<10240xf32, #tpu.memory_space<hbm>>
      %dma_start3A_17 = arith.constant 0 : i32
      %dma_start3A_18 = tpu.memref_slice %arg3[%add3A, %dma_start3A_17] : memref<32x10240xf32, #tpu.memory_space<hbm>> -> memref<1x10240xf32, #tpu.memory_space<hbm>>
      %dma_start3A_19 = tpu.memref_squeeze %dma_start3A_18 : memref<1x10240xf32, #tpu.memory_space<hbm>> -> memref<10240xf32, #tpu.memory_space<hbm>>
      tpu.enqueue_dma source(%arg5 : memref<10240xf32, #tpu.memory_space<vmem>>) target(%dma_start3A_19 : memref<10240xf32, #tpu.memory_space<hbm>>) target_semaphore(%run_scoped3A : memref<!tpu.dma_semaphore, #tpu.memory_space<semaphore_mem>>)
      %dma_wait3A = arith.constant 0 : i32
      %dma_wait3A_20 = tpu.memref_slice %arg3[%add3A, %dma_wait3A] : memref<32x10240xf32, #tpu.memory_space<hbm>> -> memref<1x10240xf32, #tpu.memory_space<hbm>>
      %dma_wait3A_21 = tpu.memref_squeeze %dma_wait3A_20 : memref<1x10240xf32, #tpu.memory_space<hbm>> -> memref<10240xf32, #tpu.memory_space<hbm>>
      %dma_wait3A_22 = arith.constant 0 : i32
      %dma_wait3A_23 = tpu.memref_slice %arg3[%add3A, %dma_wait3A_22] : memref<32x10240xf32, #tpu.memory_space<hbm>> -> memref<1x10240xf32, #tpu.memory_space<hbm>>
      %dma_wait3A_24 = tpu.memref_squeeze %dma_wait3A_23 : memref<1x10240xf32, #tpu.memory_space<hbm>> -> memref<10240xf32, #tpu.memory_space<hbm>>
      tpu.wait_dma2 semaphore(%run_scoped3A : memref<!tpu.dma_semaphore, #tpu.memory_space<semaphore_mem>>) src(%arg5 : memref<10240xf32, #tpu.memory_space<vmem>>) dst(%dma_wait3A_24 : memref<10240xf32, #tpu.memory_space<hbm>>)
      tpu.yield
    }) : () -> ()
    return
  }
}

module attributes {stable_mosaic.version = 14 : i64} {
  func.func @_pre_body(%arg0: i32, %arg1: memref<1024x128xf32, #tpu.memory_space<vmem>>, %arg2: memref<128x128xf32, #tpu.memory_space<vmem>>, %arg3: memref<32x1024xf32, #tpu.memory_space<vmem>>, %arg4: memref<1024x128xf32, #tpu.memory_space<vmem>>, %arg5: memref<1024xf32, #tpu.memory_space<vmem>>) attributes {dimension_semantics = [#tpu.dimension_semantics<arbitrary>], iteration_bounds = array<i64: 10>, scalar_prefetch = 0 : i64, scratch_operands = 0 : i64, tpu.core_type = #tpu.core_type<tc>, window_params = [{transform_indices = @transform_0, window_bounds = array<i64: 1024, 128>}, {pipeline_mode = #tpu.pipeline_mode<synchronous>, transform_indices = @transform_1, window_bounds = array<i64: 128, 128>}, {transform_indices = @transform_2, window_bounds = array<i64: 32, 1024>}, {transform_indices = @transform_3, window_bounds = array<i64: 1024, 128>}, {transform_indices = @transform_4, window_bounds = array<i64: 1024>}]} {
    %get3A = arith.constant 0 : index
    %get3A_0 = arith.constant 0 : index
    %get3A_1 = vector.load %arg3[%get3A, %get3A_0] : memref<32x1024xf32, #tpu.memory_space<vmem>>, vector<32x1024xf32>
    %reduce_sum3A = arith.constant dense<0.000000e+00> : vector<1024xf32>
    %reduce_sum3A_2 = vector.multi_reduction <add>, %get3A_1, %reduce_sum3A [0] : vector<32x1024xf32> to vector<1024xf32>
    %add3A = arith.constant 2.000000e+00 : f32
    %add3A_3 = vector.broadcast %add3A : f32 to vector<1024xf32>
    %add3A_4 = arith.addf %reduce_sum3A_2, %add3A_3 : vector<1024xf32>
    %rsqrt3A = math.rsqrt %add3A_4 : vector<1024xf32>
    %get3A_5 = arith.constant 0 : index
    %get3A_6 = arith.constant 0 : index
    %get3A_7 = vector.load %arg1[%get3A_5, %get3A_6] : memref<1024x128xf32, #tpu.memory_space<vmem>>, vector<1024x128xf32>
    %get3A_8 = arith.constant 0 : index
    %get3A_9 = arith.constant 0 : index
    %get3A_10 = vector.load %arg2[%get3A_8, %get3A_9] : memref<128x128xf32, #tpu.memory_space<vmem>>, vector<128x128xf32>
    %dot_general3A = arith.constant dense<0.000000e+00> : vector<1024x128xf32>
    %dot_general3A_11 = tpu.matmul %get3A_7, %get3A_10, %dot_general3A {dimension_numbers = #tpu.dot_dimension_numbers<[1], [0], [0], [1], [0, 0, 1, 1], [], []>, transpose_lhs_hint = false} : vector<1024x128xf32>, vector<128x128xf32>, vector<1024x128xf32> -> vector<1024x128xf32>
    %broadcast_in_dim3A = vector.shape_cast %rsqrt3A : vector<1024xf32> to vector<1024x1xf32>
    %mul3A = vector.broadcast %broadcast_in_dim3A : vector<1024x1xf32> to vector<1024x128xf32>
    %mul3A_12 = arith.mulf %dot_general3A_11, %mul3A : vector<1024x128xf32>
    %swap3A = arith.constant 0 : index
    %swap3A_13 = arith.constant 0 : index
    %swap3A_14 = vector.load %arg4[%swap3A, %swap3A_13] : memref<1024x128xf32, #tpu.memory_space<vmem>>, vector<1024x128xf32>
    tpu.vector_store %arg4[%swap3A, %swap3A_13], %mul3A_12 {strides = array<i32>} : memref<1024x128xf32, #tpu.memory_space<vmem>>, vector<1024x128xf32>,
    %swap3A_15 = arith.constant 0 : index
    %swap3A_16 = vector.load %arg5[%swap3A_15] : memref<1024xf32, #tpu.memory_space<vmem>>, vector<1024xf32>
    tpu.vector_store %arg5[%swap3A_15], %rsqrt3A {strides = array<i32>} : memref<1024xf32, #tpu.memory_space<vmem>>, vector<1024xf32>,
    return
  }
  func.func @transform_0(%arg0: i32) -> (i32, i32) {
    %c0_i32 = arith.constant 0 : i32
    %c0_i32_0 = arith.constant 0 : i32
    return %arg0, %c0_i32 : i32, i32
  }
  func.func @transform_1(%arg0: i32) -> (i32, i32) {
    %c0_i32 = arith.constant 0 : i32
    %c0_i32_0 = arith.constant 0 : i32
    %c0_i32_1 = arith.constant 0 : i32
    return %c0_i32, %c0_i32_0 : i32, i32
  }
  func.func @transform_2(%arg0: i32) -> (i32, i32) {
    %c0_i32 = arith.constant 0 : i32
    %c0_i32_0 = arith.constant 0 : i32
    return %c0_i32, %arg0 : i32, i32
  }
  func.func @transform_3(%arg0: i32) -> (i32, i32) {
    %c0_i32 = arith.constant 0 : i32
    %c0_i32_0 = arith.constant 0 : i32
    return %arg0, %c0_i32 : i32, i32
  }
  func.func @transform_4(%arg0: i32) -> i32 {
    %c0_i32 = arith.constant 0 : i32
    return %arg0 : i32
  }
}

module attributes {stable_mosaic.version = 14 : i64} {
  func.func @_mid_body(%arg0: i32, %arg1: memref<2x1024x128xf32, #tpu.memory_space<vmem>>, %arg2: memref<1024x128xf32, #tpu.memory_space<vmem>>, %arg3: memref<1024xf32, #tpu.memory_space<vmem>>, %arg4: memref<1x128xf32, #tpu.memory_space<vmem>>, %arg5: memref<128x128xf32, #tpu.memory_space<vmem>>, %arg6: memref<1024x128xf32, #tpu.memory_space<vmem>>) attributes {dimension_semantics = [#tpu.dimension_semantics<arbitrary>], iteration_bounds = array<i64: 10>, scalar_prefetch = 0 : i64, scratch_operands = 0 : i64, tpu.core_type = #tpu.core_type<tc>, window_params = [{transform_indices = @transform_0, window_bounds = array<i64: 2, 1024, 128>}, {transform_indices = @transform_1, window_bounds = array<i64: 1024, 128>}, {transform_indices = @transform_2, window_bounds = array<i64: 1024>}, {pipeline_mode = #tpu.pipeline_mode<synchronous>, transform_indices = @transform_3, window_bounds = array<i64: 1, 128>}, {pipeline_mode = #tpu.pipeline_mode<synchronous>, transform_indices = @transform_4, window_bounds = array<i64: 128, 128>}, {transform_indices = @transform_5, window_bounds = array<i64: 1024, 128>}]} {
    %get3A = arith.constant 0 : index
    %get3A_0 = arith.constant 0 : index
    %get3A_1 = arith.constant 0 : index
    %get3A_2 = vector.load %arg1[%get3A, %get3A_0, %get3A_1] : memref<2x1024x128xf32, #tpu.memory_space<vmem>>, vector<1x1024x128xf32>
    %get3A_3 = vector.shape_cast %get3A_2 : vector<1x1024x128xf32> to vector<1024x128xf32>
    %get3A_4 = arith.constant 1 : index
    %get3A_5 = arith.constant 0 : index
    %get3A_6 = arith.constant 0 : index
    %get3A_7 = vector.load %arg1[%get3A_4, %get3A_5, %get3A_6] : memref<2x1024x128xf32, #tpu.memory_space<vmem>>, vector<1x1024x128xf32>
    %get3A_8 = vector.shape_cast %get3A_7 : vector<1x1024x128xf32> to vector<1024x128xf32>
    %add3A = arith.addf %get3A_3, %get3A_8 : vector<1024x128xf32>
    %get3A_9 = arith.constant 0 : index
    %get3A_10 = vector.load %arg3[%get3A_9] : memref<1024xf32, #tpu.memory_space<vmem>>, vector<1024xf32>
    %get3A_11 = arith.constant 0 : index
    %get3A_12 = arith.constant 0 : index
    %get3A_13 = vector.load %arg2[%get3A_11, %get3A_12] : memref<1024x128xf32, #tpu.memory_space<vmem>>, vector<1024x128xf32>
    %mul3A = arith.constant 2.000000e+00 : f32
    %mul3A_14 = vector.broadcast %mul3A : f32 to vector<1024x128xf32>
    %mul3A_15 = arith.mulf %mul3A_14, %get3A_13 : vector<1024x128xf32>
    %add3A_16 = arith.addf %add3A, %mul3A_15 : vector<1024x128xf32>
    %broadcast_in_dim3A = vector.shape_cast %get3A_10 : vector<1024xf32> to vector<1024x1xf32>
    %mul3A_17 = vector.broadcast %broadcast_in_dim3A : vector<1024x1xf32> to vector<1024x128xf32>
    %mul3A_18 = arith.mulf %add3A_16, %mul3A_17 : vector<1024x128xf32>
    %get3A_19 = arith.constant 0 : index
    %get3A_20 = arith.constant 0 : index
    %get3A_21 = vector.load %arg4[%get3A_19, %get3A_20] : memref<1x128xf32, #tpu.memory_space<vmem>>, vector<1x128xf32>
    %add3A_22 = vector.broadcast %get3A_21 : vector<1x128xf32> to vector<1024x128xf32>
    %add3A_23 = arith.addf %mul3A_18, %add3A_22 : vector<1024x128xf32>
    %max3A = arith.constant 0.000000e+00 : f32
    %max3A_24 = vector.broadcast %max3A : f32 to vector<1024x128xf32>
    %max3A_25 = arith.maximumf %add3A_23, %max3A_24 : vector<1024x128xf32>
    %get3A_26 = arith.constant 0 : index
    %get3A_27 = arith.constant 0 : index
    %get3A_28 = vector.load %arg5[%get3A_26, %get3A_27] : memref<128x128xf32, #tpu.memory_space<vmem>>, vector<128x128xf32>
    %dot_general3A = arith.constant dense<0.000000e+00> : vector<1024x128xf32>
    %dot_general3A_29 = tpu.matmul %max3A_25, %get3A_28, %dot_general3A {dimension_numbers = #tpu.dot_dimension_numbers<[1], [0], [0], [1], [0, 0, 1, 1], [], []>, transpose_lhs_hint = false} : vector<1024x128xf32>, vector<128x128xf32>, vector<1024x128xf32> -> vector<1024x128xf32>
    %broadcast_in_dim3A_30 = vector.shape_cast %get3A_10 : vector<1024xf32> to vector<1024x1xf32>
    %mul3A_31 = vector.broadcast %broadcast_in_dim3A_30 : vector<1024x1xf32> to vector<1024x128xf32>
    %mul3A_32 = arith.mulf %dot_general3A_29, %mul3A_31 : vector<1024x128xf32>
    %swap3A = arith.constant 0 : index
    %swap3A_33 = arith.constant 0 : index
    %swap3A_34 = vector.load %arg6[%swap3A, %swap3A_33] : memref<1024x128xf32, #tpu.memory_space<vmem>>, vector<1024x128xf32>
    tpu.vector_store %arg6[%swap3A, %swap3A_33], %mul3A_32 {strides = array<i32>} : memref<1024x128xf32, #tpu.memory_space<vmem>>, vector<1024x128xf32>,
    return
  }
  func.func @transform_0(%arg0: i32) -> (i32, i32, i32) {
    %c0_i32 = arith.constant 0 : i32
    %c0_i32_0 = arith.constant 0 : i32
    %c0_i32_1 = arith.constant 0 : i32
    return %c0_i32, %arg0, %c0_i32_0 : i32, i32, i32
  }
  func.func @transform_1(%arg0: i32) -> (i32, i32) {
    %c0_i32 = arith.constant 0 : i32
    %c0_i32_0 = arith.constant 0 : i32
    return %arg0, %c0_i32 : i32, i32
  }
  func.func @transform_2(%arg0: i32) -> i32 {
    %c0_i32 = arith.constant 0 : i32
    return %arg0 : i32
  }
  func.func @transform_3(%arg0: i32) -> (i32, i32) {
    %c0_i32 = arith.constant 0 : i32
    %c0_i32_0 = arith.constant 0 : i32
    %c0_i32_1 = arith.constant 0 : i32
    return %c0_i32, %c0_i32_0 : i32, i32
  }
  func.func @transform_4(%arg0: i32) -> (i32, i32) {
    %c0_i32 = arith.constant 0 : i32
    %c0_i32_0 = arith.constant 0 : i32
    %c0_i32_1 = arith.constant 0 : i32
    return %c0_i32, %c0_i32_0 : i32, i32
  }
  func.func @transform_5(%arg0: i32) -> (i32, i32) {
    %c0_i32 = arith.constant 0 : i32
    %c0_i32_0 = arith.constant 0 : i32
    return %arg0, %c0_i32 : i32, i32
  }
}

module attributes {stable_mosaic.version = 14 : i64} {
  func.func @_fin_body(%arg0: i32, %arg1: memref<2x1024x128xf32, #tpu.memory_space<vmem>>, %arg2: memref<1024x128xf32, #tpu.memory_space<vmem>>, %arg3: memref<1024xf32, #tpu.memory_space<vmem>>, %arg4: memref<1x128xf32, #tpu.memory_space<vmem>>, %arg5: memref<1024x128xf32, #tpu.memory_space<vmem>>) attributes {dimension_semantics = [#tpu.dimension_semantics<arbitrary>], iteration_bounds = array<i64: 10>, scalar_prefetch = 0 : i64, scratch_operands = 0 : i64, tpu.core_type = #tpu.core_type<tc>, window_params = [{transform_indices = @transform_0, window_bounds = array<i64: 2, 1024, 128>}, {transform_indices = @transform_1, window_bounds = array<i64: 1024, 128>}, {transform_indices = @transform_2, window_bounds = array<i64: 1024>}, {pipeline_mode = #tpu.pipeline_mode<synchronous>, transform_indices = @transform_3, window_bounds = array<i64: 1, 128>}, {transform_indices = @transform_4, window_bounds = array<i64: 1024, 128>}]} {
    %get3A = arith.constant 0 : index
    %get3A_0 = arith.constant 0 : index
    %get3A_1 = arith.constant 0 : index
    %get3A_2 = vector.load %arg1[%get3A, %get3A_0, %get3A_1] : memref<2x1024x128xf32, #tpu.memory_space<vmem>>, vector<1x1024x128xf32>
    %get3A_3 = vector.shape_cast %get3A_2 : vector<1x1024x128xf32> to vector<1024x128xf32>
    %get3A_4 = arith.constant 1 : index
    %get3A_5 = arith.constant 0 : index
    %get3A_6 = arith.constant 0 : index
    %get3A_7 = vector.load %arg1[%get3A_4, %get3A_5, %get3A_6] : memref<2x1024x128xf32, #tpu.memory_space<vmem>>, vector<1x1024x128xf32>
    %get3A_8 = vector.shape_cast %get3A_7 : vector<1x1024x128xf32> to vector<1024x128xf32>
    %add3A = arith.addf %get3A_3, %get3A_8 : vector<1024x128xf32>
    %get3A_9 = arith.constant 0 : index
    %get3A_10 = vector.load %arg3[%get3A_9] : memref<1024xf32, #tpu.memory_space<vmem>>, vector<1024xf32>
    %get3A_11 = arith.constant 0 : index
    %get3A_12 = arith.constant 0 : index
    %get3A_13 = vector.load %arg2[%get3A_11, %get3A_12] : memref<1024x128xf32, #tpu.memory_space<vmem>>, vector<1024x128xf32>
    %mul3A = arith.constant 2.000000e+00 : f32
    %mul3A_14 = vector.broadcast %mul3A : f32 to vector<1024x128xf32>
    %mul3A_15 = arith.mulf %mul3A_14, %get3A_13 : vector<1024x128xf32>
    %add3A_16 = arith.addf %add3A, %mul3A_15 : vector<1024x128xf32>
    %broadcast_in_dim3A = vector.shape_cast %get3A_10 : vector<1024xf32> to vector<1024x1xf32>
    %mul3A_17 = vector.broadcast %broadcast_in_dim3A : vector<1024x1xf32> to vector<1024x128xf32>
    %mul3A_18 = arith.mulf %add3A_16, %mul3A_17 : vector<1024x128xf32>
    %get3A_19 = arith.constant 0 : index
    %get3A_20 = arith.constant 0 : index
    %get3A_21 = vector.load %arg4[%get3A_19, %get3A_20] : memref<1x128xf32, #tpu.memory_space<vmem>>, vector<1x128xf32>
    %add3A_22 = vector.broadcast %get3A_21 : vector<1x128xf32> to vector<1024x128xf32>
    %add3A_23 = arith.addf %mul3A_18, %add3A_22 : vector<1024x128xf32>
    %max3A = arith.constant 0.000000e+00 : f32
    %max3A_24 = vector.broadcast %max3A : f32 to vector<1024x128xf32>
    %max3A_25 = arith.maximumf %add3A_23, %max3A_24 : vector<1024x128xf32>
    %abs3A = math.absf %add3A_23 : vector<1024x128xf32>
    %neg3A = arith.constant 0.000000e+00 : f32
    %neg3A_26 = vector.broadcast %neg3A : f32 to vector<1024x128xf32>
    %neg3A_27 = arith.subf %neg3A_26, %abs3A : vector<1024x128xf32>
    %exp3A = math.exp %neg3A_27 : vector<1024x128xf32>
    %log1p3A = math.log1p %exp3A : vector<1024x128xf32>
    %add3A_28 = arith.addf %max3A_25, %log1p3A : vector<1024x128xf32>
    %swap3A = arith.constant 0 : index
    %swap3A_29 = arith.constant 0 : index
    %swap3A_30 = vector.load %arg5[%swap3A, %swap3A_29] : memref<1024x128xf32, #tpu.memory_space<vmem>>, vector<1024x128xf32>
    tpu.vector_store %arg5[%swap3A, %swap3A_29], %add3A_28 {strides = array<i32>} : memref<1024x128xf32, #tpu.memory_space<vmem>>, vector<1024x128xf32>,
    return
  }
  func.func @transform_0(%arg0: i32) -> (i32, i32, i32) {
    %c0_i32 = arith.constant 0 : i32
    %c0_i32_0 = arith.constant 0 : i32
    %c0_i32_1 = arith.constant 0 : i32
    return %c0_i32, %arg0, %c0_i32_0 : i32, i32, i32
  }
  func.func @transform_1(%arg0: i32) -> (i32, i32) {
    %c0_i32 = arith.constant 0 : i32
    %c0_i32_0 = arith.constant 0 : i32
    return %arg0, %c0_i32 : i32, i32
  }
  func.func @transform_2(%arg0: i32) -> i32 {
    %c0_i32 = arith.constant 0 : i32
    return %arg0 : i32
  }
  func.func @transform_3(%arg0: i32) -> (i32, i32) {
    %c0_i32 = arith.constant 0 : i32
    %c0_i32_0 = arith.constant 0 : i32
    %c0_i32_1 = arith.constant 0 : i32
    return %c0_i32, %c0_i32_0 : i32, i32
  }
  func.func @transform_4(%arg0: i32) -> (i32, i32) {
    %c0_i32 = arith.constant 0 : i32
    %c0_i32_0 = arith.constant 0 : i32
    return %arg0, %c0_i32 : i32, i32
  }
}

</mosaic_0001>

<sc_bundles>
// kernel: kernel.11.cloned.1.call-start
scs
__scs_entry_jumppad:
0x0: {  	(pc) =	sbr.rel $0x88, $3  }
0x1: {  	(tag) =	ssettag $0x0;
	lr =	simm.s32 $0x1  }
0x2: {  	[smem:$0x3F9B] =	sst lr;
	_ =	strace $0xD0000000  }
0x3: {  	_ = 	snop  }
0x4: {  	_ = 	snop  }
0x5: {  	_ = 	snop  }
0x6: {  	_ = 	snop  }
0x7: {  	_ = 	snop  }
__scs_overlays_trampoline_lowered:
0x8: {  	[smem:$0x3FAA] =	sst s0  }
0x9: {  	[smem:$0x3FAB] =	sst s1  }
0xa: {  	[smem:$0x3FAC] =	sst s2  }
0xb: {  	[smem:$0x3FAD] =	sst s3  }
0xc: {  	[smem:$0x3FAE] =	sst s4  }
0xd: {  	[smem:$0x3FAF] =	sst s5  }
0xe: {  	[smem:$0x3FB0] =	sst s6  }
0xf: {  	[smem:$0x3FB1] =	sst s7  }
0x10: {  	[smem:$0x3FB2] =	sst s8  }
0x11: {  	[smem:$0x3FB3] =	sst s9;
	s0 =	simm.s32 @!p0 $0x0  }
0x12: {  	s1 =	sld [smem:$0x3F99];
	s0 =	simm.s32 @p0 $0x1  }
0x13: {  	[smem:$0x3FB4] =	sst s0;
	s0 =	simm.s32 @!p1 $0x0  }
0x14: {  	s2 =	sld [smem:$0x3F98];
	s0 =	simm.s32 @p1 $0x1  }
0x15: {  	[smem:$0x3FB5] =	sst s0;
	s0 =	simm.s32 @!p2 $0x0  }
0x16: {  	s3 =	sld [smem:$0x3FDB];
	s0 =	simm.s32 @p2 $0x1  }
0x17: {  	s4 =	simm.s32 $0x1BF5;
	[smem:$0x3FB7] =	sst s0  }
0x18: {  	s0 =	sld [smem:$0x3F9A];
	_ =	swait.ge [sflag:s4], $0x0  }
0x19: {  	s7 =	sld [smem:$0x3F9B]  }
0x1a: {  	s8 =	sadd.s32 $0xFFFFE003, lr  }
0x1b: {  	s9 =	sadd.s32 $0xFFFFFEF7, lr;
	s5 =	simm.s32 $0xFFFFFFFF;
	p2 =	slt.u32 s8, $0xFFFFF086  }
0x1c: {  	p1 =	slt.u32 s9, $0xF7A;
	s5 =	simm.s32 @!p2 $0x0  }
0x1d: {  	s5 =	simm.s32 @p1 $0x1;
	p0 =	seq.s32 s7, s2  }
0x1e: {  	s7 =	smul.u32 @!p0 $0xF7A, s2;
	p2 =	seq.s32 @!p0 s5, $0x0  }
0x1f: {  	s9 =	smul.u32 $0xF7A, s1;
	s8 =	simm.s32 @!p0 $0x1BF5;
	p2 =	por !p2, p0  }
0x20: {  	[sflag:s8] =	ssyncset.s32 @!p0 $0xFFFFF086;
	s6 =	sadd.s32 @!p0 s3, s7;
	s7 =	simm.s32 @!p0 $0x108  }
0x21: {  	s3 =	sadd.s32 s3, s9;
	s6 =	sadd.s32 @!p0 $0x88, s6;
	s7 =	simm.s32 @p2 $0x1082  }
0x22: {  	[simem:s7], [sflag:s8] =	dma.local @!p0 [hbm:s6], $0xF7A  }
0x23: {  	s9 =	sor.u32 $0xD0000000, s2;
	s6 =	simm.s32 $0x108;
	_ =	swait.ge @!p0 [sflag:s8], $0x0  }
0x24: {  	s3 =	sadd.s32 $0x88, s3;
	s6 =	simm.s32 @!p1 $0x1082;
	[sflag:s4] =	ssyncset.s32 $0xFFFFF086  }
0x25: {  	[simem:s6], [sflag:s4] =	dma.local [hbm:s3], $0xF7A  }
0x26: {  	[smem:$0x3F9B] =	sst s1;
	(tag) =	ssettag s2;
	_ =	strace s9  }
0x27: {  	s1 =	sld [smem:$0x3FAB]  }
0x28: {  	s2 =	sld [smem:$0x3FAC]  }
0x29: {  	s4 =	sld [smem:$0x3FAE]  }
0x2a: {  	p0 =	seq.s32 s5, $0x0;
	s5 =	sld [smem:$0x3FAF]  }
0x2b: {  	s6 =	sld [smem:$0x3FB0]  }
0x2c: {  	s7 =	sld [smem:$0x3FB1]  }
0x2d: {  	s3 =	simm.s32 $0x108;
	s8 =	sld [smem:$0x3FB2]  }
0x2e: {  	s3 =	simm.s32 @!p0 $0x1082;
	s9 =	sld [smem:$0x3FB3]  }
0x2f: {  	lr =	sadd.s32 s0, s3;
	s0 =	sld [smem:$0x3FAA]  }
0x30: {  	s3 =	sld [smem:$0x3FAD]  }
0x31: {  	[smem:$0x3FB6] =	sst s10  }
0x32: {  	s10 =	sld [smem:$0x3FB4];
	_ =	sdelay $0x3  }
0x33: {  	p0 =	seq.s32 s10, $0x1;
	s10 =	sld [smem:$0x3FB6];
	_ =	sdelay $0x3  }
0x34: {  	[smem:$0x3FB6] =	sst s10  }
0x35: {  	s10 =	sld [smem:$0x3FB5];
	_ =	sdelay $0x3  }
0x36: {  	p1 =	seq.s32 s10, $0x1;
	s10 =	sld [smem:$0x3FB6];
	_ =	sdelay $0x3  }
0x37: {  	[smem:$0x3FB6] =	sst s10  }
0x38: {  	s10 =	sld [smem:$0x3FB7]  }
0x39: {  	_ = 	snop;
	(pc) =	sbr.ind lr, $3  }
0x3a: {  	_ = 	snop  }
0x3b: {  	_ = 	snop  }
0x3c: {  	p2 =	seq.s32 s10, $0x1;
	s10 =	sld [smem:$0x3FB6]  }
0x3d: {  	_ =	shalt  }
0x3e: {  	_ =	shalt  }
0x3f: {  	_ =	shalt  }
0x40: {  	_ =	shalt  }
0x41: {  	_ =	shalt  }
0x42: {  	_ =	shalt  }
0x43: {  	_ =	shalt  }
0x44: {  	_ =	shalt  }
0x45: {  	_ =	shalt  }
0x46: {  	_ =	shalt  }
0x47: {  	_ =	shalt  }
0x48: {  	_ =	shalt  }
0x49: {  	_ =	shalt  }
0x4a: {  	_ =	shalt  }
0x4b: {  	_ =	shalt  }
0x4c: {  	_ =	shalt  }
0x4d: {  	_ =	shalt  }
0x4e: {  	_ =	shalt  }
0x4f: {  	_ =	shalt  }
0x50: {  	_ =	shalt  }
0x51: {  	_ =	shalt  }
0x52: {  	_ =	shalt  }
0x53: {  	_ =	shalt  }
0x54: {  	_ =	shalt  }
0x55: {  	_ =	shalt  }
0x56: {  	_ =	shalt  }
0x57: {  	_ =	shalt  }
0x58: {  	_ =	shalt  }
0x59: {  	_ =	shalt  }
0x5a: {  	_ =	shalt  }
0x5b: {  	_ =	shalt  }
0x5c: {  	_ =	shalt  }
0x5d: {  	_ =	shalt  }
0x5e: {  	_ =	shalt  }
0x5f: {  	_ =	shalt  }
0x60: {  	_ =	shalt  }
0x61: {  	_ =	shalt  }
0x62: {  	_ =	shalt  }
0x63: {  	_ =	shalt  }
0x64: {  	_ =	shalt  }
0x65: {  	_ =	shalt  }
0x66: {  	_ =	shalt  }
0x67: {  	_ =	shalt  }
0x68: {  	_ =	shalt  }
0x69: {  	_ =	shalt  }
0x6a: {  	_ =	shalt  }
0x6b: {  	_ =	shalt  }
0x6c: {  	_ =	shalt  }
0x6d: {  	_ =	shalt  }
0x6e: {  	_ =	shalt  }
0x6f: {  	_ =	shalt  }
0x70: {  	_ =	shalt  }
0x71: {  	_ =	shalt  }
0x72: {  	_ =	shalt  }
0x73: {  	_ =	shalt  }
0x74: {  	_ =	shalt  }
0x75: {  	_ =	shalt  }
0x76: {  	_ =	shalt  }
0x77: {  	_ =	shalt  }
0x78: {  	_ =	shalt  }
0x79: {  	_ =	shalt  }
0x7a: {  	_ =	shalt  }
0x7b: {  	_ =	shalt  }
0x7c: {  	_ =	shalt  }
0x7d: {  	_ =	shalt  }
0x7e: {  	_ =	shalt  }
0x7f: {  	_ =	shalt  }
0x80: {  	_ =	shalt  }
0x81: {  	_ =	shalt  }
0x82: {  	_ =	shalt  }
0x83: {  	_ =	shalt  }
0x84: {  	_ =	shalt  }
0x85: {  	_ =	shalt  }
0x86: {  	_ =	shalt  }
0x87: {  	_ =	shalt  }
.Lfunc_end0:
.L_simem_size_0:
called_computation.1_lowered:
.L_overlay_start_0:
0x88: {  	s2 =	sld [smem:$0x3FD9]  }
0x89: {  	s3 =	sld [smem:$0x3FFE];
	_ =	sdelay $0x1  }
0x8a: {  	s1 =	srdreg.scid  }
0x8b: {  	s0 =	sand.u32 $0x1, s1  }
0x8c: {  	s17 =	sshll.u32 s0, $0xA;
	s2 =	sadd.s32 s3, s2  }
0x8d: {  	s2 =	sadd.s32 s2, s17  }
0x8e: {  	[smem:$0x3FC2] =	sst s2  }
0x8f: {  	_ = 	snop  }
0x90: {  	s2 =	sld [smem:$0x3FD0];
	(tm) =	ssettm $0x1  }
0x91: {  	s18 =	sld [smem:$0x3FFB];
	_ =	sdelay $0x3  }
0x92: {  	_ =	strace s18  }
0x93: {  	s3 =	sld [smem:$0x3FFC];
	_ =	sdelay $0x3  }
0x94: {  	_ =	strace s3  }
0x95: {  	s3 =	sld [smem:$0x3FFD];
	_ =	sdelay $0x3  }
0x96: {  	_ =	strace s3  }
0x97: {  	_ =	strace $0x8FFFFFFF  }
0x98: {  	s19 =	sld [smem:$0x3FDB];
	_ =	sdelay $0x1  }
0x99: {  	s4 =	simm.s32 $_scs_section_size  }
0x9a: {  	s5 =	simm.s32 $_size__tile_overlayer_lowered;
	s6 =	simm.s32 $_tile_overlayer_lowered  }
0x9b: {  	s22 =	simm.s32 $0x1BFF;
	s21 =	sshll.u32 s6, $0x1;
	s3 =	sadd.s32 s4, s19  }
0x9c: {  	s7 =	simm.s32 $0x0;
	s20 =	sshll.u32 s5, $0x1;
	s5 =	sadd.s32 s21, s3  }
0x9d: {  	[timem:s7], [sflag:s22] =	dma.local [hbm:s5], s20  }
0x9e: {  	_ =	swait.ge [sflag:s22], s20  }
0x9f: {  	s4 =	ssub.s32 $0x0, s20;
	[sflag:s22] =	ssyncset.done $0x0  }
0xa0: {  	[sflag:s22] =	ssyncadd.s32 s4;
	_ =	sdelay $0x1  }
0xa1: {  	s23 =	simm.s32 $0x1B8B  }
0xa2: {  	_ =	swait.ge [sflag:s23], $0x1  }
0xa3: {  	[sflag:s23] =	ssyncset.done $0x0  }
0xa4: {  	s25 =	simm.s32 $0x1B8E;
	s24 =	sld [smem:$0x3FFE];
	[sflag:s23] =	ssyncadd.s32 $0xFFFFFFFF  }
0xa5: {  	s26 =	simm.s32 $execute0_lowered;
	[smem:$0x3FD2] =	sst s25  }
0xa6: {  	s5 =	sshll.u32 s26, $0x1;
	_ =	strace $0x80000049;
	[dreg:$0x1] =	wrdreg $0xFFFFFFFF  }
0xa7: {  	s28 =	simm.s32 $_size_execute0_lowered;
	s3 =	sadd.s32 s3, s5;
	[dreg:$0x0] =	wrdreg $0x0  }
0xa8: {  	s5 =	sshll.u32 s28, $0x1;
	[dreg:$0x2] =	wrdreg s3  }
0xa9: {  	[dreg:$0x3] =	wrdreg s5  }
0xaa: {  	[dreg:$0x4] =	wrdreg $0xC0  }
0xab: {  	_ =	task [dreg:s7], $0x5FFFF  }
0xac: {  	[dreg:$0x1] =	wrdreg $0xFFFFFFFF  }
0xad: {  	[dreg:$0x0] =	wrdreg $0x60  }
0xae: {  	[dreg:$0x2] =	wrdreg s24  }
0xaf: {  	[dreg:$0x3] =	wrdreg s2  }
0xb0: {  	[dreg:$0x4] =	wrdreg $0xA8000  }
0xb1: {  	[dreg:$0x5] =	wrdreg $0x9  }
0xb2: {  	_ =	task.clear_ibuf [dreg:s7], $0x6FFFF;
	_ =	strace $0x90000049  }
0xb3: {  	s29 =	simm.s32 $0x9;
	_ =	strace $0x8000004B  }
0xb4: {  	_ =	swait.ge [sflag:s29], $0x1  }
0xb5: {  	[sflag:s29] =	ssyncadd.s32 $0xFFFFFFFF  }
0xb6: {  	_ =	strace $0x9000004B  }
0xb7: {  	_ =	sfence  }
0xb8: {  	s30 =	sld [smem:$0x0];
	_ =	sdelay $0x2  }
0xb9: {  	s31 =	sshll.u32 s1, $0xD;
	s1 =	sshrl.u32 s1, $0x2  }
0xba: {  	s3 =	sand.u32 $0x4000, s31;
	s1 =	sadd.s32 s1, s30  }
0xbb: {  	s0 =	sor.u32 s3, s0;
	s1 =	sshll.u32 s1, $0x11  }
0xbc: {  	s0 =	sor.u32 s1, s0  }
0xbd: {  	s0 =	sadd.s32 $0x8F2B, s0  }
0xbe: {  	[sflag:s0] =	ssyncadd.remote.s32 $0x1  }
0xbf: {  	_ =	sfence.sel $0xFFFF  }
0xc0: {  	[dreg:$0x0] =	wrdreg $0xFFFFFFFF;
	(pc) =	sbr.abs _section_cstart, $3  }
0xc1: {  	[dreg:$0x1] =	wrdreg $0xFFFFFFFF  }
0xc2: {  	_ =	task.clear_ibuf [dreg:s7], $0x2FFFF;
	_ =	strace $0x9FFFFFFF  }
0xc3: {  	(tm) =	ssettm $0x7FFFFFFF  }
tec
execute0_lowered:
.L_overlay_start_1:
0x0: {  	(tag) =	ssettag $0x1  }
0x1: {  	s0 =	rddreg [dreg:$0x0]  }
0x2: {  	s2 =	rddreg [dreg:$0x1]  }
0x3: {  	s1 =	rddreg [dreg:$0x2]  }
0x4: {  	s3 =	simm.s32 $0x0;
	s5 =	srdreg.scid;
	s13 =	stileid.u32  }
0x5: {  	s28 =	simm.s32 $0x80;
	s29 =	simm.s32 $0x6800;
	s30 =	simm.s32 $0x1  }
0x6: {  	s31 =	simm.s32 $0x2;
	[smem:$0x7FF] =	sst s3;
	s4 =	sadd.s32 $0x20C00, s0  }
0x7: {  	s6 =	sand.u32 $0x1, s5;
	s15 =	sshll.u32 s13, $0x1;
	s8 =	smul.u32 $0x50000, s13  }
0x8: {  	s7 =	sadd.s32 $0x16C00, s0;
	s0 =	sadd.s32 $0x48C00, s0;
	s19 =	smul.u32 $0x14000, s13  }
0x9: {  	s5 =	sor.u32 s6, s15;
	s9 =	ssub.s32 $0x2, s6;
	s6 =	smul.u32 $0x140000, s6  }
0xa: {  	_ =	strace $0x8000004A;
	s10 =	smul.u32 $0x2800, s5;
	s11 =	sshrl.u32 s9, $0x1  }
0xb: {  	s8 =	sshrl.u32 s8, $0x2;
	s12 =	smul.u32 $0x500, s5;
	s21 =	sadd.s32 $0x4000, s19  }
0xc: {  	s23 =	sadd.s32 $0x8000, s19;
	s24 =	sadd.s32 $0xC000, s19;
	s11 =	ssub.s32 s9, s11  }
0xd: {  	s5 =	sadd.s32 s8, s1;
	s20 =	sadd.s32 s6, s19;
	s16 =	sshrl.u32 s10, $0x3  }
0xe: {  	s17 =	sadd.s32 s7, s12;
	s18 =	sadd.s32 s2, s12;
	s10 =	smax.u32 s11, $0x1  }
0xf: {  	s11 =	sadd.s32 $0x4000, s5;
	s12 =	sadd.s32 $0x8000, s5;
	s13 =	sadd.s32 $0xC000, s5  }
0x10: {  	s14 =	sadd.s32 $0x10000, s5;
	[dreg:$0x4] =	wrdreg s17;
	s8 =	sadd.s32 $0x280, s16  }
0x11: {  	[dreg:$0x5] =	wrdreg s18;
	s16 =	sadd.s32 s6, s21;
	s7 =	sadd.s32 s7, s8  }
0x12: {  	s18 =	sadd.s32 s23, s1;
	s2 =	sadd.s32 s2, s8;
	[dreg:$0x6] =	wrdreg s7  }
0x13: {  	s22 =	sshrl.u32 s16, $0x3;
	s16 =	sadd.s32 s21, s1;
	[dreg:$0x7] =	wrdreg s2  }
0x14: {  	s2 =	sshrl.u32 s20, $0x3;
	s17 =	sadd.s32 s0, s22;
	s20 =	sadd.s32 s6, s24  }
0x15: {  	s7 =	sadd.s32 $0x10000, s19;
	s15 =	sadd.s32 s0, s2;
	s2 =	sadd.s32 s6, s23  }
0x16: {  	s25 =	sshrl.u32 s20, $0x3;
	s6 =	sadd.s32 s6, s7;
	s20 =	sadd.s32 s24, s1  }
0x17: {  	s22 =	sadd.s32 s7, s1;
	s24 =	simm.s32 $0x2800;
	s2 =	sshrl.u32 s2, $0x3  }
0x18: {  	s21 =	sadd.s32 s0, s25;
	s26 =	sshrl.u32 s6, $0x3;
	s25 =	simm.s32 $0x3  }
0x19: {  	s6 =	simm.s32 $0x0;
	s19 =	sadd.s32 s0, s2;
	s23 =	sadd.s32 s0, s26  }
0x1a: {  	v0 =	vimm.f32 $0.0e+00;
	s26 =	simm.s32 $0x1400;
	s0 =	simm.s32 $0x2700;
	s2 =	simm.s32 $0x2780  }
.LBB2_1:
0x1b: {  	s7 =	simm.s32 $0x0;
	s8 =	simm.s32 $0x200  }
.LBB2_2:
0x1c: {  	p0 =	sne.s32 s8, $0xFE00;
	[tilespmem:s7+$0x2870] =	vst v0  }
0x1d: {  	[tilespmem:s7+$0x2800] =	vst v0  }
0x1e: {  	[tilespmem:s7+$0x2810] =	vst v0  }
.Ltmp0:
0x1f: {  	[tilespmem:s7+$0x2820] =	vst v0;
	(pc) =	sbr.rel @p0 .LBB2_2-.Ltmp0, $4  }
0x20: {  	[tilespmem:s7+$0x2830] =	vst v0  }
0x21: {  	[tilespmem:s7+$0x2840] =	vst v0  }
0x22: {  	[tilespmem:s7+$0x2850] =	vst v0  }
0x23: {  	[tilespmem:s7+$0x2860] =	vst v0;
	s7 =	sshra.s32 s8, $0x2;
	s8 =	sadd.s32 $0x200, s8  }
0x24: {  	[tilespmem:s7+$0x2870] =	vst v0  }
0x25: {  	[tilespmem:s7+$0x2800] =	vst v0  }
0x26: {  	[tilespmem:s7+$0x2810] =	vst v0  }
0x27: {  	[tilespmem:s7+$0x2820] =	vst v0  }
0x28: {  	[tilespmem:s7+$0x2830] =	vst v0  }
0x29: {  	[tilespmem:s7+$0x2840] =	vst v0  }
0x2a: {  	[tilespmem:s7+$0x2850] =	vst v0  }
0x2b: {  	[tilespmem:s7+$0x2860] =	vst v0  }
0x2c: {  	[spmem:s5] =	stream.linear.scatter [tilespmem:s24], [sflag:$0x3], $0x4000, $0x38;
	[tilespmem:$0x1E800] =	vst v63  }
0x2d: {  	_ =	swait.ge [sflag:s25], $0x4000  }
0x2e: {  	[sflag:s25] =	ssyncset.done $0x0  }
0x2f: {  	[sflag:s25] =	ssyncadd.s32 $0xFFFFC000  }
0x30: {  	[spmem:s11] =	stream.linear.scatter [tilespmem:s24], [sflag:$0x3], $0x4000, $0x38;
	[tilespmem:$0x1E800] =	vst v63  }
0x31: {  	_ =	swait.ge [sflag:s25], $0x4000  }
0x32: {  	[sflag:s25] =	ssyncset.done $0x0  }
0x33: {  	[sflag:s25] =	ssyncadd.s32 $0xFFFFC000  }
0x34: {  	[spmem:s12] =	stream.linear.scatter [tilespmem:s24], [sflag:$0x3], $0x4000, $0x38;
	[tilespmem:$0x1E800] =	vst v63  }
0x35: {  	_ =	swait.ge [sflag:s25], $0x4000  }
0x36: {  	[sflag:s25] =	ssyncset.done $0x0  }
0x37: {  	[sflag:s25] =	ssyncadd.s32 $0xFFFFC000  }
0x38: {  	[spmem:s13] =	stream.linear.scatter [tilespmem:s24], [sflag:$0x3], $0x4000, $0x38;
	[tilespmem:$0x1E800] =	vst v63  }
0x39: {  	_ =	swait.ge [sflag:s25], $0x4000  }
0x3a: {  	[sflag:s25] =	ssyncset.done $0x0  }
0x3b: {  	[sflag:s25] =	ssyncadd.s32 $0xFFFFC000  }
0x3c: {  	[spmem:s14] =	stream.linear.scatter [tilespmem:s24], [sflag:$0x3], $0x4000, $0x38;
	[tilespmem:$0x1E800] =	vst v63  }
0x3d: {  	_ =	swait.ge [sflag:s25], $0x4000  }
0x3e: {  	[sflag:s25] =	ssyncset.done $0x0  }
0x3f: {  	[sflag:s25] =	ssyncadd.s32 $0xFFFFC000  }
0x40: {  	[bflag:$0x0] =	sbarrier.arrive $0xFFFF  }
0x41: {  	s7 =	simm.s32 $0x0;
	s8 =	rddreg [dreg:$0x4]  }
0x42: {  	[tilespmem:s7], [sflag:$0x3] =	stream.linear.gather [hbm4b:s8+s7], $0x1400, $0x38;
	[tilespmem:$0x1E800] =	vst v63  }
0x43: {  	_ =	swait.ge [sflag:s25], $0x1400  }
0x44: {  	[sflag:s25] =	ssyncset.done $0x0  }
0x45: {  	s9 =	rddreg [dreg:$0x5];
	[sflag:s25] =	ssyncadd.s32 $0xFFFFEC00  }
0x46: {  	[tilespmem:s26], [sflag:$0x3] =	stream.linear.gather [hbm4b:s9+s7], $0x1400, $0x38;
	[tilespmem:$0x1E800] =	vst v63  }
0x47: {  	_ =	swait.ge [sflag:s25], $0x1400  }
0x48: {  	[sflag:s25] =	ssyncset.done $0x0  }
0x49: {  	[sflag:s25] =	ssyncadd.s32 $0xFFFFEC00  }
0x4a: {  	[tilespmem:s24], [sflag:$0x1] =	stream.indirect.gather [hbm4b:s4+s28], $0x80, s7, s28, $0xb8;
	[tilespmem:$0x1E800] =	vst v63  }
0x4b: {  	_ = 	snop  }
0x4c: {  	[tilespmem:s29], [sflag:$0x2] =	stream.indirect.gather [hbm4b:s4+s28], $0x80, s28, s28, $0xb8;
	[tilespmem:$0x1E800] =	vst v63  }
0x4d: {  	_ =	swait.ge [sflag:s30], $0x4000  }
0x4e: {  	[sflag:s30] =	ssyncset.done $0x0  }
0x4f: {  	s9 =	simm.s32 $0x1400;
	[sflag:s30] =	ssyncadd.s32 $0xFFFFC000  }
0x50: {  	[spmem:s1] =	stream.indirect.scatter.add.f32 [tilespmem:s24], [sflag:$0x3], $0x80, s9, s28, $0xb8;
	[tilespmem:$0x1E800] =	vst v63  }
0x51: {  	_ =	swait.ge [sflag:s25], $0x4000  }
0x52: {  	[sflag:s25] =	ssyncset.done $0x0  }
0x53: {  	s8 =	simm.s32 $0x100;
	[sflag:s25] =	ssyncadd.s32 $0xFFFFC000  }
0x54: {  	[tilespmem:s24], [sflag:$0x1] =	stream.indirect.gather [hbm4b:s4+s28], $0x80, s8, s28, $0xb8;
	[tilespmem:$0x1E800] =	vst v63  }
0x55: {  	_ =	swait.ge [sflag:s31], $0x4000  }
0x56: {  	[sflag:s31] =	ssyncset.done $0x0  }
0x57: {  	s9 =	simm.s32 $0x1480;
	[sflag:s31] =	ssyncadd.s32 $0xFFFFC000  }
0x58: {  	[spmem:s1] =	stream.indirect.scatter.add.f32 [tilespmem:s29], [sflag:$0x3], $0x80, s9, s28, $0xb8;
	[tilespmem:$0x1E800] =	vst v63  }
0x59: {  	_ =	swait.ge [sflag:s25], $0x4000  }
0x5a: {  	[sflag:s25] =	ssyncset.done $0x0  }
0x5b: {  	s7 =	simm.s32 $0x400;
	s8 =	simm.s32 $0x180;
	[sflag:s25] =	ssyncadd.s32 $0xFFFFC000  }
.LBB2_4:
0x5c: {  	[tilespmem:s29], [sflag:$0x2] =	stream.indirect.gather [hbm4b:s4+s28], $0x80, s8, s28, $0xb8;
	[tilespmem:$0x1E800] =	vst v63  }
0x5d: {  	s8 =	smov.u32 s7  }
0x5e: {  	p0 =	sne.s32 s7, $0x4800;
	s7 =	sadd.s32 $0x400, s7;
	_ =	swait.ge [sflag:s30], $0x4000  }
0x5f: {  	s8 =	sshra.s32 s8, $0x2;
	[sflag:s30] =	ssyncset.done $0x0  }
0x60: {  	s9 =	sadd.s32 $0x1400, s8;
	[sflag:s30] =	ssyncadd.s32 $0xFFFFC000  }
0x61: {  	[spmem:s1] =	stream.indirect.scatter.add.f32 [tilespmem:s24], [sflag:$0x3], $0x80, s9, s28, $0xb8;
	[tilespmem:$0x1E800] =	vst v63  }
0x62: {  	_ =	swait.ge [sflag:s25], $0x4000  }
0x63: {  	[sflag:s25] =	ssyncset.done $0x0  }
0x64: {  	s9 =	sadd.s32 $0x100, s8;
	[sflag:s25] =	ssyncadd.s32 $0xFFFFC000  }
0x65: {  	[tilespmem:s24], [sflag:$0x1] =	stream.indirect.gather [hbm4b:s4+s28], $0x80, s9, s28, $0xb8;
	[tilespmem:$0x1E800] =	vst v63  }
0x66: {  	_ =	swait.ge [sflag:s31], $0x4000  }
0x67: {  	[sflag:s31] =	ssyncset.done $0x0  }
.Ltmp1:
0x68: {  	s9 =	sadd.s32 $0x1480, s8;
	[sflag:s31] =	ssyncadd.s32 $0xFFFFC000;
	(pc) =	sbr.rel @p0 .LBB2_4-.Ltmp1, $4  }
0x69: {  	[spmem:s1] =	stream.indirect.scatter.add.f32 [tilespmem:s29], [sflag:$0x3], $0x80, s9, s28, $0xb8;
	[tilespmem:$0x1E800] =	vst v63  }
0x6a: {  	_ =	swait.ge [sflag:s25], $0x4000  }
0x6b: {  	[sflag:s25] =	ssyncset.done $0x0  }
0x6c: {  	s8 =	sadd.s32 $0x180, s8;
	[sflag:s25] =	ssyncadd.s32 $0xFFFFC000  }
0x6d: {  	[tilespmem:s29], [sflag:$0x2] =	stream.indirect.gather [hbm4b:s4+s28], $0x80, s8, s28, $0xb8;
	[tilespmem:$0x1E800] =	vst v63  }
0x6e: {  	_ =	swait.ge [sflag:s30], $0x4000  }
0x6f: {  	[sflag:s30] =	ssyncset.done $0x0  }
0x70: {  	[sflag:s30] =	ssyncadd.s32 $0xFFFFC000  }
0x71: {  	[spmem:s1] =	stream.indirect.scatter.add.f32 [tilespmem:s24], [sflag:$0x3], $0x80, s0, s28, $0xb8;
	[tilespmem:$0x1E800] =	vst v63  }
0x72: {  	_ =	swait.ge [sflag:s25], $0x4000  }
0x73: {  	[sflag:s25] =	ssyncset.done $0x0  }
0x74: {  	[sflag:s25] =	ssyncadd.s32 $0xFFFFC000  }
0x75: {  	_ =	swait.ge [sflag:s31], $0x4000  }
0x76: {  	[sflag:s31] =	ssyncset.done $0x0  }
0x77: {  	[sflag:s31] =	ssyncadd.s32 $0xFFFFC000  }
0x78: {  	[spmem:s1] =	stream.indirect.scatter.add.f32 [tilespmem:s29], [sflag:$0x3], $0x80, s2, s28, $0xb8;
	[tilespmem:$0x1E800] =	vst v63  }
0x79: {  	_ =	swait.ge [sflag:s25], $0x4000  }
0x7a: {  	[sflag:s25] =	ssyncset.done $0x0  }
0x7b: {  	s7 =	simm.s32 $0x0;
	s9 =	rddreg [dreg:$0x6];
	[sflag:s25] =	ssyncadd.s32 $0xFFFFC000  }
0x7c: {  	[tilespmem:s7], [sflag:$0x3] =	stream.linear.gather [hbm4b:s9+s7], $0x1400, $0x38;
	[tilespmem:$0x1E800] =	vst v63  }
0x7d: {  	_ =	swait.ge [sflag:s25], $0x1400  }
0x7e: {  	[sflag:s25] =	ssyncset.done $0x0  }
0x7f: {  	s9 =	rddreg [dreg:$0x7];
	[sflag:s25] =	ssyncadd.s32 $0xFFFFEC00  }
0x80: {  	[tilespmem:s26], [sflag:$0x3] =	stream.linear.gather [hbm4b:s9+s7], $0x1400, $0x38;
	[tilespmem:$0x1E800] =	vst v63  }
0x81: {  	_ =	swait.ge [sflag:s25], $0x1400  }
0x82: {  	[sflag:s25] =	ssyncset.done $0x0  }
0x83: {  	[sflag:s25] =	ssyncadd.s32 $0xFFFFEC00  }
0x84: {  	[tilespmem:s24], [sflag:$0x1] =	stream.indirect.gather [hbm4b:s4+s28], $0x80, s7, s28, $0xb8;
	[tilespmem:$0x1E800] =	vst v63  }
0x85: {  	_ = 	snop  }
0x86: {  	[tilespmem:s29], [sflag:$0x2] =	stream.indirect.gather [hbm4b:s4+s28], $0x80, s28, s28, $0xb8;
	[tilespmem:$0x1E800] =	vst v63  }
0x87: {  	_ =	swait.ge [sflag:s30], $0x4000  }
0x88: {  	[sflag:s30] =	ssyncset.done $0x0  }
0x89: {  	s9 =	simm.s32 $0x1400;
	[sflag:s30] =	ssyncadd.s32 $0xFFFFC000  }
0x8a: {  	[spmem:s1] =	stream.indirect.scatter.add.f32 [tilespmem:s24], [sflag:$0x3], $0x80, s9, s28, $0xb8;
	[tilespmem:$0x1E800] =	vst v63  }
0x8b: {  	_ =	swait.ge [sflag:s25], $0x4000  }
0x8c: {  	[sflag:s25] =	ssyncset.done $0x0  }
0x8d: {  	s8 =	simm.s32 $0x100;
	[sflag:s25] =	ssyncadd.s32 $0xFFFFC000  }
0x8e: {  	[tilespmem:s24], [sflag:$0x1] =	stream.indirect.gather [hbm4b:s4+s28], $0x80, s8, s28, $0xb8;
	[tilespmem:$0x1E800] =	vst v63  }
0x8f: {  	_ =	swait.ge [sflag:s31], $0x4000  }
0x90: {  	[sflag:s31] =	ssyncset.done $0x0  }
0x91: {  	s9 =	simm.s32 $0x1480;
	[sflag:s31] =	ssyncadd.s32 $0xFFFFC000  }
0x92: {  	[spmem:s1] =	stream.indirect.scatter.add.f32 [tilespmem:s29], [sflag:$0x3], $0x80, s9, s28, $0xb8;
	[tilespmem:$0x1E800] =	vst v63  }
0x93: {  	_ =	swait.ge [sflag:s25], $0x4000  }
0x94: {  	[sflag:s25] =	ssyncset.done $0x0  }
0x95: {  	s7 =	simm.s32 $0x400;
	s8 =	simm.s32 $0x180;
	[sflag:s25] =	ssyncadd.s32 $0xFFFFC000  }
.LBB2_6:
0x96: {  	[tilespmem:s29], [sflag:$0x2] =	stream.indirect.gather [hbm4b:s4+s28], $0x80, s8, s28, $0xb8;
	[tilespmem:$0x1E800] =	vst v63  }
0x97: {  	s8 =	smov.u32 s7  }
0x98: {  	p0 =	sne.s32 s7, $0x4800;
	s7 =	sadd.s32 $0x400, s7;
	_ =	swait.ge [sflag:s30], $0x4000  }
0x99: {  	s8 =	sshra.s32 s8, $0x2;
	[sflag:s30] =	ssyncset.done $0x0  }
0x9a: {  	s9 =	sadd.s32 $0x1400, s8;
	[sflag:s30] =	ssyncadd.s32 $0xFFFFC000  }
0x9b: {  	[spmem:s1] =	stream.indirect.scatter.add.f32 [tilespmem:s24], [sflag:$0x3], $0x80, s9, s28, $0xb8;
	[tilespmem:$0x1E800] =	vst v63  }
0x9c: {  	_ =	swait.ge [sflag:s25], $0x4000  }
0x9d: {  	[sflag:s25] =	ssyncset.done $0x0  }
0x9e: {  	s9 =	sadd.s32 $0x100, s8;
	[sflag:s25] =	ssyncadd.s32 $0xFFFFC000  }
0x9f: {  	[tilespmem:s24], [sflag:$0x1] =	stream.indirect.gather [hbm4b:s4+s28], $0x80, s9, s28, $0xb8;
	[tilespmem:$0x1E800] =	vst v63  }
0xa0: {  	_ =	swait.ge [sflag:s31], $0x4000  }
0xa1: {  	[sflag:s31] =	ssyncset.done $0x0  }
.Ltmp2:
0xa2: {  	s9 =	sadd.s32 $0x1480, s8;
	[sflag:s31] =	ssyncadd.s32 $0xFFFFC000;
	(pc) =	sbr.rel @p0 .LBB2_6-.Ltmp2, $4  }
0xa3: {  	[spmem:s1] =	stream.indirect.scatter.add.f32 [tilespmem:s29], [sflag:$0x3], $0x80, s9, s28, $0xb8;
	[tilespmem:$0x1E800] =	vst v63  }
0xa4: {  	_ =	swait.ge [sflag:s25], $0x4000  }
0xa5: {  	[sflag:s25] =	ssyncset.done $0x0  }
0xa6: {  	s8 =	sadd.s32 $0x180, s8;
	[sflag:s25] =	ssyncadd.s32 $0xFFFFC000  }
0xa7: {  	[tilespmem:s29], [sflag:$0x2] =	stream.indirect.gather [hbm4b:s4+s28], $0x80, s8, s28, $0xb8;
	[tilespmem:$0x1E800] =	vst v63  }
0xa8: {  	_ =	swait.ge [sflag:s30], $0x4000  }
0xa9: {  	[sflag:s30] =	ssyncset.done $0x0  }
0xaa: {  	[sflag:s30] =	ssyncadd.s32 $0xFFFFC000  }
0xab: {  	[spmem:s1] =	stream.indirect.scatter.add.f32 [tilespmem:s24], [sflag:$0x3], $0x80, s0, s28, $0xb8;
	[tilespmem:$0x1E800] =	vst v63  }
0xac: {  	_ =	swait.ge [sflag:s25], $0x4000  }
0xad: {  	[sflag:s25] =	ssyncset.done $0x0  }
0xae: {  	[sflag:s25] =	ssyncadd.s32 $0xFFFFC000  }
0xaf: {  	_ =	swait.ge [sflag:s31], $0x4000  }
0xb0: {  	[sflag:s31] =	ssyncset.done $0x0  }
0xb1: {  	[sflag:s31] =	ssyncadd.s32 $0xFFFFC000  }
0xb2: {  	[spmem:s1] =	stream.indirect.scatter.add.f32 [tilespmem:s29], [sflag:$0x3], $0x80, s2, s28, $0xb8;
	[tilespmem:$0x1E800] =	vst v63  }
0xb3: {  	_ =	swait.ge [sflag:s25], $0x4000  }
0xb4: {  	[sflag:s25] =	ssyncset.done $0x0  }
0xb5: {  	[sflag:s25] =	ssyncadd.s32 $0xFFFFC000  }
0xb6: {  	[bflag:$0x0] =	sbarrier.arrive $0xFFFF  }
0xb7: {  	[tilespmem:s24], [sflag:$0x3] =	stream.linear.gather [spmem:s5], $0x4000, $0x38;
	[tilespmem:$0x1E800] =	vst v63  }
0xb8: {  	_ =	swait.ge [sflag:s25], $0x4000  }
0xb9: {  	[sflag:s25] =	ssyncset.done $0x0  }
0xba: {  	[sflag:s25] =	ssyncadd.s32 $0xFFFFC000  }
0xbb: {  	[hbm4b:s15+s3] =	stream.linear.scatter [tilespmem:s24], [sflag:$0x3], $0x4000, $0x38;
	[tilespmem:$0x1E800] =	vst v63  }
0xbc: {  	_ =	swait.ge [sflag:s25], $0x4000  }
0xbd: {  	[sflag:s25] =	ssyncset.done $0x0  }
0xbe: {  	[sflag:s25] =	ssyncadd.s32 $0xFFFFC000  }
0xbf: {  	[tilespmem:s24], [sflag:$0x3] =	stream.linear.gather [spmem:s16], $0x4000, $0x38;
	[tilespmem:$0x1E800] =	vst v63  }
0xc0: {  	_ =	swait.ge [sflag:s25], $0x4000  }
0xc1: {  	[sflag:s25] =	ssyncset.done $0x0  }
0xc2: {  	[sflag:s25] =	ssyncadd.s32 $0xFFFFC000  }
0xc3: {  	[hbm4b:s17+s3] =	stream.linear.scatter [tilespmem:s24], [sflag:$0x3], $0x4000, $0x38;
	[tilespmem:$0x1E800] =	vst v63  }
0xc4: {  	_ =	swait.ge [sflag:s25], $0x4000  }
0xc5: {  	[sflag:s25] =	ssyncset.done $0x0  }
0xc6: {  	[sflag:s25] =	ssyncadd.s32 $0xFFFFC000  }
0xc7: {  	[tilespmem:s24], [sflag:$0x3] =	stream.linear.gather [spmem:s18], $0x4000, $0x38;
	[tilespmem:$0x1E800] =	vst v63  }
0xc8: {  	_ =	swait.ge [sflag:s25], $0x4000  }
0xc9: {  	[sflag:s25] =	ssyncset.done $0x0  }
0xca: {  	[sflag:s25] =	ssyncadd.s32 $0xFFFFC000  }
0xcb: {  	[hbm4b:s19+s3] =	stream.linear.scatter [tilespmem:s24], [sflag:$0x3], $0x4000, $0x38;
	[tilespmem:$0x1E800] =	vst v63  }
0xcc: {  	_ =	swait.ge [sflag:s25], $0x4000  }
0xcd: {  	[sflag:s25] =	ssyncset.done $0x0  }
0xce: {  	[sflag:s25] =	ssyncadd.s32 $0xFFFFC000  }
0xcf: {  	[tilespmem:s24], [sflag:$0x3] =	stream.linear.gather [spmem:s20], $0x4000, $0x38;
	[tilespmem:$0x1E800] =	vst v63  }
0xd0: {  	_ =	swait.ge [sflag:s25], $0x4000  }
0xd1: {  	[sflag:s25] =	ssyncset.done $0x0  }
0xd2: {  	[sflag:s25] =	ssyncadd.s32 $0xFFFFC000  }
0xd3: {  	[hbm4b:s21+s3] =	stream.linear.scatter [tilespmem:s24], [sflag:$0x3], $0x4000, $0x38;
	[tilespmem:$0x1E800] =	vst v63  }
0xd4: {  	_ =	swait.ge [sflag:s25], $0x4000  }
0xd5: {  	[sflag:s25] =	ssyncset.done $0x0  }
0xd6: {  	[sflag:s25] =	ssyncadd.s32 $0xFFFFC000  }
0xd7: {  	[tilespmem:s24], [sflag:$0x3] =	stream.linear.gather [spmem:s22], $0x4000, $0x38;
	[tilespmem:$0x1E800] =	vst v63  }
0xd8: {  	s6 =	sadd.s32 $0x1, s6;
	_ =	swait.ge [sflag:s25], $0x4000  }
0xd9: {  	p0 =	sne.s32 s6, s10;
	[sflag:s25] =	ssyncset.done $0x0  }
.Ltmp3:
0xda: {  	[sflag:s25] =	ssyncadd.s32 $0xFFFFC000;
	(pc) =	sbr.rel @p0 .LBB2_1-.Ltmp3, $4  }
0xdb: {  	[hbm4b:s23+s3] =	stream.linear.scatter [tilespmem:s24], [sflag:$0x3], $0x4000, $0x38;
	[tilespmem:$0x1E800] =	vst v63  }
0xdc: {  	_ =	swait.ge [sflag:s25], $0x4000  }
0xdd: {  	[sflag:s25] =	ssyncset.done $0x0  }
0xde: {  	[sflag:s25] =	ssyncadd.s32 $0xFFFFC000  }
0xdf: {  	_ =	sfence.sel $0x180000  }
0xe0: {  	[bflag:$0x0] =	sbarrier.arrive $0xFFFF  }
0xe1: {  	_ =	strace $0x9000004A  }
0xe2: {  	s0 =	stileid.u32;
	[bflag:$0x2] =	sbarrier.arrive $0xFFFF  }
0xe3: {  	p0 =	sne.s32 s0, $0x0;
	s0 =	rddreg [dreg:$0x3]  }
0xe4: {  	s0 =	sadd.s32 @!p0 $0x100000, s0  }
0xe5: {  	[sflag:s0] =	ssyncadd.tile.s32 @!p0 $0x1;
	_ =	shalt  }
.Lfunc_end2:
_tile_overlayer_lowered:
.L_overlay_start_2:
0xe6: {  	(tag) =	ssettag $0x2  }
0xe7: {  	s0 =	rddreg [dreg:$0x0];
	s2 =	stileid.u32  }
0xe8: {  	s1 =	rddreg [dreg:$0x1];
	p0 =	sne.s32 s2, $0x0  }
0xe9: {  	s3 =	rddreg [dreg:$0x2];
	[bflag:$0x3] =	sbarrier.arrive $0xFFFF;
	s2 =	simm.s32 @!p0 $0x1C03  }
0xea: {  	[timem:s3], [sflag:s2] =	dma.local @!p0 [hbm:s0], s1  }
0xeb: {  	s0 =	simm.s32 @!p0 $0x3  }
0xec: {  	_ =	swait.ge @!p0 [sflag:s0], s1  }
0xed: {  	s1 =	ssub.s32 @!p0 $0x0, s1;
	[sflag:s0] =	ssyncset.done @!p0 $0x0  }
0xee: {  	[sflag:s0] =	ssyncadd.s32 @!p0 s1  }
0xef: {  	[bflag:$0x3] =	sbarrier.arrive $0xFFFF  }
0xf0: {  	_ =	shalt  }

// kernel: kernel.14.cloned.1.call-start
scs
__scs_entry_jumppad:
0x0: {  	(pc) =	sbr.rel $0x88, $3  }
0x1: {  	(tag) =	ssettag $0x0;
	lr =	simm.s32 $0x1  }
0x2: {  	[smem:$0x3F9B] =	sst lr;
	_ =	strace $0xD0000000  }
0x3: {  	_ = 	snop  }
0x4: {  	_ = 	snop  }
0x5: {  	_ = 	snop  }
0x6: {  	_ = 	snop  }
0x7: {  	_ = 	snop  }
__scs_overlays_trampoline_lowered:
0x8: {  	[smem:$0x3FAA] =	sst s0  }
0x9: {  	[smem:$0x3FAB] =	sst s1  }
0xa: {  	[smem:$0x3FAC] =	sst s2  }
0xb: {  	[smem:$0x3FAD] =	sst s3  }
0xc: {  	[smem:$0x3FAE] =	sst s4  }
0xd: {  	[smem:$0x3FAF] =	sst s5  }
0xe: {  	[smem:$0x3FB0] =	sst s6  }
0xf: {  	[smem:$0x3FB1] =	sst s7  }
0x10: {  	[smem:$0x3FB2] =	sst s8  }
0x11: {  	[smem:$0x3FB3] =	sst s9;
	s0 =	simm.s32 @!p0 $0x0  }
0x12: {  	s1 =	sld [smem:$0x3F99];
	s0 =	simm.s32 @p0 $0x1  }
0x13: {  	[smem:$0x3FB4] =	sst s0;
	s0 =	simm.s32 @!p1 $0x0  }
0x14: {  	s2 =	sld [smem:$0x3F98];
	s0 =	simm.s32 @p1 $0x1  }
0x15: {  	[smem:$0x3FB5] =	sst s0;
	s0 =	simm.s32 @!p2 $0x0  }
0x16: {  	s3 =	sld [smem:$0x3FDB];
	s0 =	simm.s32 @p2 $0x1  }
0x17: {  	s4 =	simm.s32 $0x1BF5;
	[smem:$0x3FB7] =	sst s0  }
0x18: {  	s0 =	sld [smem:$0x3F9A];
	_ =	swait.ge [sflag:s4], $0x0  }
0x19: {  	s7 =	sld [smem:$0x3F9B]  }
0x1a: {  	s8 =	sadd.s32 $0xFFFFE003, lr  }
0x1b: {  	s9 =	sadd.s32 $0xFFFFFEF7, lr;
	s5 =	simm.s32 $0xFFFFFFFF;
	p2 =	slt.u32 s8, $0xFFFFF086  }
0x1c: {  	p1 =	slt.u32 s9, $0xF7A;
	s5 =	simm.s32 @!p2 $0x0  }
0x1d: {  	s5 =	simm.s32 @p1 $0x1;
	p0 =	seq.s32 s7, s2  }
0x1e: {  	s7 =	smul.u32 @!p0 $0xF7A, s2;
	p2 =	seq.s32 @!p0 s5, $0x0  }
0x1f: {  	s9 =	smul.u32 $0xF7A, s1;
	s8 =	simm.s32 @!p0 $0x1BF5;
	p2 =	por !p2, p0  }
0x20: {  	[sflag:s8] =	ssyncset.s32 @!p0 $0xFFFFF086;
	s6 =	sadd.s32 @!p0 s3, s7;
	s7 =	simm.s32 @!p0 $0x108  }
0x21: {  	s3 =	sadd.s32 s3, s9;
	s6 =	sadd.s32 @!p0 $0x88, s6;
	s7 =	simm.s32 @p2 $0x1082  }
0x22: {  	[simem:s7], [sflag:s8] =	dma.local @!p0 [hbm:s6], $0xF7A  }
0x23: {  	s9 =	sor.u32 $0xD0000000, s2;
	s6 =	simm.s32 $0x108;
	_ =	swait.ge @!p0 [sflag:s8], $0x0  }
0x24: {  	s3 =	sadd.s32 $0x88, s3;
	s6 =	simm.s32 @!p1 $0x1082;
	[sflag:s4] =	ssyncset.s32 $0xFFFFF086  }
0x25: {  	[simem:s6], [sflag:s4] =	dma.local [hbm:s3], $0xF7A  }
0x26: {  	[smem:$0x3F9B] =	sst s1;
	(tag) =	ssettag s2;
	_ =	strace s9  }
0x27: {  	s1 =	sld [smem:$0x3FAB]  }
0x28: {  	s2 =	sld [smem:$0x3FAC]  }
0x29: {  	s4 =	sld [smem:$0x3FAE]  }
0x2a: {  	p0 =	seq.s32 s5, $0x0;
	s5 =	sld [smem:$0x3FAF]  }
0x2b: {  	s6 =	sld [smem:$0x3FB0]  }
0x2c: {  	s7 =	sld [smem:$0x3FB1]  }
0x2d: {  	s3 =	simm.s32 $0x108;
	s8 =	sld [smem:$0x3FB2]  }
0x2e: {  	s3 =	simm.s32 @!p0 $0x1082;
	s9 =	sld [smem:$0x3FB3]  }
0x2f: {  	lr =	sadd.s32 s0, s3;
	s0 =	sld [smem:$0x3FAA]  }
0x30: {  	s3 =	sld [smem:$0x3FAD]  }
0x31: {  	[smem:$0x3FB6] =	sst s10  }
0x32: {  	s10 =	sld [smem:$0x3FB4];
	_ =	sdelay $0x3  }
0x33: {  	p0 =	seq.s32 s10, $0x1;
	s10 =	sld [smem:$0x3FB6];
	_ =	sdelay $0x3  }
0x34: {  	[smem:$0x3FB6] =	sst s10  }
0x35: {  	s10 =	sld [smem:$0x3FB5];
	_ =	sdelay $0x3  }
0x36: {  	p1 =	seq.s32 s10, $0x1;
	s10 =	sld [smem:$0x3FB6];
	_ =	sdelay $0x3  }
0x37: {  	[smem:$0x3FB6] =	sst s10  }
0x38: {  	s10 =	sld [smem:$0x3FB7]  }
0x39: {  	_ = 	snop;
	(pc) =	sbr.ind lr, $3  }
0x3a: {  	_ = 	snop  }
0x3b: {  	_ = 	snop  }
0x3c: {  	p2 =	seq.s32 s10, $0x1;
	s10 =	sld [smem:$0x3FB6]  }
0x3d: {  	_ =	shalt  }
0x3e: {  	_ =	shalt  }
0x3f: {  	_ =	shalt  }
0x40: {  	_ =	shalt  }
0x41: {  	_ =	shalt  }
0x42: {  	_ =	shalt  }
0x43: {  	_ =	shalt  }
0x44: {  	_ =	shalt  }
0x45: {  	_ =	shalt  }
0x46: {  	_ =	shalt  }
0x47: {  	_ =	shalt  }
0x48: {  	_ =	shalt  }
0x49: {  	_ =	shalt  }
0x4a: {  	_ =	shalt  }
0x4b: {  	_ =	shalt  }
0x4c: {  	_ =	shalt  }
0x4d: {  	_ =	shalt  }
0x4e: {  	_ =	shalt  }
0x4f: {  	_ =	shalt  }
0x50: {  	_ =	shalt  }
0x51: {  	_ =	shalt  }
0x52: {  	_ =	shalt  }
0x53: {  	_ =	shalt  }
0x54: {  	_ =	shalt  }
0x55: {  	_ =	shalt  }
0x56: {  	_ =	shalt  }
0x57: {  	_ =	shalt  }
0x58: {  	_ =	shalt  }
0x59: {  	_ =	shalt  }
0x5a: {  	_ =	shalt  }
0x5b: {  	_ =	shalt  }
0x5c: {  	_ =	shalt  }
0x5d: {  	_ =	shalt  }
0x5e: {  	_ =	shalt  }
0x5f: {  	_ =	shalt  }
0x60: {  	_ =	shalt  }
0x61: {  	_ =	shalt  }
0x62: {  	_ =	shalt  }
0x63: {  	_ =	shalt  }
0x64: {  	_ =	shalt  }
0x65: {  	_ =	shalt  }
0x66: {  	_ =	shalt  }
0x67: {  	_ =	shalt  }
0x68: {  	_ =	shalt  }
0x69: {  	_ =	shalt  }
0x6a: {  	_ =	shalt  }
0x6b: {  	_ =	shalt  }
0x6c: {  	_ =	shalt  }
0x6d: {  	_ =	shalt  }
0x6e: {  	_ =	shalt  }
0x6f: {  	_ =	shalt  }
0x70: {  	_ =	shalt  }
0x71: {  	_ =	shalt  }
0x72: {  	_ =	shalt  }
0x73: {  	_ =	shalt  }
0x74: {  	_ =	shalt  }
0x75: {  	_ =	shalt  }
0x76: {  	_ =	shalt  }
0x77: {  	_ =	shalt  }
0x78: {  	_ =	shalt  }
0x79: {  	_ =	shalt  }
0x7a: {  	_ =	shalt  }
0x7b: {  	_ =	shalt  }
0x7c: {  	_ =	shalt  }
0x7d: {  	_ =	shalt  }
0x7e: {  	_ =	shalt  }
0x7f: {  	_ =	shalt  }
0x80: {  	_ =	shalt  }
0x81: {  	_ =	shalt  }
0x82: {  	_ =	shalt  }
0x83: {  	_ =	shalt  }
0x84: {  	_ =	shalt  }
0x85: {  	_ =	shalt  }
0x86: {  	_ =	shalt  }
0x87: {  	_ =	shalt  }
.Lfunc_end0:
.L_simem_size_0:
called_computation.2_lowered:
.L_overlay_start_0:
0x88: {  	s2 =	sld [smem:$0x3FD9]  }
0x89: {  	s3 =	sld [smem:$0x3FFE];
	_ =	sdelay $0x1  }
0x8a: {  	s1 =	srdreg.scid  }
0x8b: {  	s0 =	sand.u32 $0x1, s1  }
0x8c: {  	s17 =	sshll.u32 s0, $0xA;
	s2 =	sadd.s32 s3, s2  }
0x8d: {  	s2 =	sadd.s32 s2, s17  }
0x8e: {  	[smem:$0x3FC2] =	sst s2  }
0x8f: {  	_ = 	snop  }
0x90: {  	s2 =	sld [smem:$0x3FD0];
	(tm) =	ssettm $0x1  }
0x91: {  	s18 =	sld [smem:$0x3FFB];
	_ =	sdelay $0x3  }
0x92: {  	_ =	strace s18  }
0x93: {  	s3 =	sld [smem:$0x3FFC];
	_ =	sdelay $0x3  }
0x94: {  	_ =	strace s3  }
0x95: {  	s3 =	sld [smem:$0x3FFD];
	_ =	sdelay $0x3  }
0x96: {  	_ =	strace s3  }
0x97: {  	_ =	strace $0x8FFFFFFF  }
0x98: {  	s19 =	sld [smem:$0x3FDB];
	_ =	sdelay $0x1  }
0x99: {  	s4 =	simm.s32 $_scs_section_size  }
0x9a: {  	s5 =	simm.s32 $_size__tile_overlayer_lowered;
	s6 =	simm.s32 $_tile_overlayer_lowered  }
0x9b: {  	s22 =	simm.s32 $0x1BFF;
	s21 =	sshll.u32 s6, $0x1;
	s3 =	sadd.s32 s4, s19  }
0x9c: {  	s7 =	simm.s32 $0x0;
	s20 =	sshll.u32 s5, $0x1;
	s5 =	sadd.s32 s21, s3  }
0x9d: {  	[timem:s7], [sflag:s22] =	dma.local [hbm:s5], s20  }
0x9e: {  	_ =	swait.ge [sflag:s22], s20  }
0x9f: {  	s4 =	ssub.s32 $0x0, s20;
	[sflag:s22] =	ssyncset.done $0x0  }
0xa0: {  	[sflag:s22] =	ssyncadd.s32 s4;
	_ =	sdelay $0x1  }
0xa1: {  	s23 =	simm.s32 $0x1B8B  }
0xa2: {  	_ =	swait.ge [sflag:s23], $0x1  }
0xa3: {  	[sflag:s23] =	ssyncset.done $0x0  }
0xa4: {  	s25 =	simm.s32 $0x1B8E;
	s24 =	sld [smem:$0x3FFE];
	[sflag:s23] =	ssyncadd.s32 $0xFFFFFFFF  }
0xa5: {  	s26 =	simm.s32 $execute0_lowered;
	[smem:$0x3FD2] =	sst s25  }
0xa6: {  	s5 =	sshll.u32 s26, $0x1;
	_ =	strace $0x8000004C;
	[dreg:$0x1] =	wrdreg $0xFFFFFFFF  }
0xa7: {  	s28 =	simm.s32 $_size_execute0_lowered;
	s3 =	sadd.s32 s3, s5;
	[dreg:$0x0] =	wrdreg $0x0  }
0xa8: {  	s5 =	sshll.u32 s28, $0x1;
	[dreg:$0x2] =	wrdreg s3  }
0xa9: {  	[dreg:$0x3] =	wrdreg s5  }
0xaa: {  	[dreg:$0x4] =	wrdreg $0xC0  }
0xab: {  	_ =	task [dreg:s7], $0x5FFFF  }
0xac: {  	[dreg:$0x1] =	wrdreg $0xFFFFFFFF  }
0xad: {  	[dreg:$0x0] =	wrdreg $0x60  }
0xae: {  	[dreg:$0x2] =	wrdreg s24  }
0xaf: {  	[dreg:$0x3] =	wrdreg s2  }
0xb0: {  	[dreg:$0x4] =	wrdreg $0xA8000  }
0xb1: {  	[dreg:$0x5] =	wrdreg $0x9  }
0xb2: {  	_ =	task.clear_ibuf [dreg:s7], $0x6FFFF;
	_ =	strace $0x9000004C  }
0xb3: {  	s29 =	simm.s32 $0x9;
	_ =	strace $0x8000004E  }
0xb4: {  	_ =	swait.ge [sflag:s29], $0x1  }
0xb5: {  	[sflag:s29] =	ssyncadd.s32 $0xFFFFFFFF  }
0xb6: {  	_ =	strace $0x9000004E  }
0xb7: {  	_ =	sfence  }
0xb8: {  	s30 =	sld [smem:$0x0];
	_ =	sdelay $0x2  }
0xb9: {  	s31 =	sshll.u32 s1, $0xD;
	s1 =	sshrl.u32 s1, $0x2  }
0xba: {  	s3 =	sand.u32 $0x4000, s31;
	s1 =	sadd.s32 s1, s30  }
0xbb: {  	s0 =	sor.u32 s3, s0;
	s1 =	sshll.u32 s1, $0x11  }
0xbc: {  	s0 =	sor.u32 s1, s0  }
0xbd: {  	s0 =	sadd.s32 $0x8F2B, s0  }
0xbe: {  	[sflag:s0] =	ssyncadd.remote.s32 $0x1  }
0xbf: {  	_ =	sfence.sel $0xFFFF  }
0xc0: {  	[dreg:$0x0] =	wrdreg $0xFFFFFFFF;
	(pc) =	sbr.abs _section_cstart, $3  }
0xc1: {  	[dreg:$0x1] =	wrdreg $0xFFFFFFFF  }
0xc2: {  	_ =	task.clear_ibuf [dreg:s7], $0x2FFFF;
	_ =	strace $0x9FFFFFFF  }
0xc3: {  	(tm) =	ssettm $0x7FFFFFFF  }
tec
execute0_lowered:
.L_overlay_start_1:
0x0: {  	(tag) =	ssettag $0x1  }
0x1: {  	s0 =	rddreg [dreg:$0x0]  }
0x2: {  	s2 =	rddreg [dreg:$0x1]  }
0x3: {  	s1 =	rddreg [dreg:$0x2]  }
0x4: {  	s3 =	simm.s32 $0x0;
	s5 =	srdreg.scid;
	s13 =	stileid.u32  }
0x5: {  	s28 =	simm.s32 $0x80;
	s29 =	simm.s32 $0x6800;
	s30 =	simm.s32 $0x1  }
0x6: {  	s31 =	simm.s32 $0x2;
	[smem:$0x7FF] =	sst s3;
	s4 =	sadd.s32 $0x20C00, s0  }
0x7: {  	s6 =	sand.u32 $0x1, s5;
	s15 =	sshll.u32 s13, $0x1;
	s8 =	smul.u32 $0x50000, s13  }
0x8: {  	s7 =	sadd.s32 $0x16C00, s0;
	s0 =	sadd.s32 $0x48C00, s0;
	s19 =	smul.u32 $0x14000, s13  }
0x9: {  	s5 =	sor.u32 s6, s15;
	s9 =	ssub.s32 $0x2, s6;
	s6 =	smul.u32 $0x140000, s6  }
0xa: {  	_ =	strace $0x8000004D;
	s10 =	smul.u32 $0x2800, s5;
	s11 =	sshrl.u32 s9, $0x1  }
0xb: {  	s8 =	sshrl.u32 s8, $0x2;
	s12 =	smul.u32 $0x500, s5;
	s21 =	sadd.s32 $0x4000, s19  }
0xc: {  	s23 =	sadd.s32 $0x8000, s19;
	s24 =	sadd.s32 $0xC000, s19;
	s11 =	ssub.s32 s9, s11  }
0xd: {  	s5 =	sadd.s32 s8, s1;
	s20 =	sadd.s32 s6, s19;
	s16 =	sshrl.u32 s10, $0x3  }
0xe: {  	s17 =	sadd.s32 s7, s12;
	s18 =	sadd.s32 s2, s12;
	s10 =	smax.u32 s11, $0x1  }
0xf: {  	s11 =	sadd.s32 $0x4000, s5;
	s12 =	sadd.s32 $0x8000, s5;
	s13 =	sadd.s32 $0xC000, s5  }
0x10: {  	s14 =	sadd.s32 $0x10000, s5;
	[dreg:$0x4] =	wrdreg s17;
	s8 =	sadd.s32 $0x280, s16  }
0x11: {  	[dreg:$0x5] =	wrdreg s18;
	s16 =	sadd.s32 s6, s21;
	s7 =	sadd.s32 s7, s8  }
0x12: {  	s18 =	sadd.s32 s23, s1;
	s2 =	sadd.s32 s2, s8;
	[dreg:$0x6] =	wrdreg s7  }
0x13: {  	s22 =	sshrl.u32 s16, $0x3;
	s16 =	sadd.s32 s21, s1;
	[dreg:$0x7] =	wrdreg s2  }
0x14: {  	s2 =	sshrl.u32 s20, $0x3;
	s17 =	sadd.s32 s0, s22;
	s20 =	sadd.s32 s6, s24  }
0x15: {  	s7 =	sadd.s32 $0x10000, s19;
	s15 =	sadd.s32 s0, s2;
	s2 =	sadd.s32 s6, s23  }
0x16: {  	s25 =	sshrl.u32 s20, $0x3;
	s6 =	sadd.s32 s6, s7;
	s20 =	sadd.s32 s24, s1  }
0x17: {  	s22 =	sadd.s32 s7, s1;
	s24 =	simm.s32 $0x2800;
	s2 =	sshrl.u32 s2, $0x3  }
0x18: {  	s21 =	sadd.s32 s0, s25;
	s26 =	sshrl.u32 s6, $0x3;
	s25 =	simm.s32 $0x3  }
0x19: {  	s6 =	simm.s32 $0x0;
	s19 =	sadd.s32 s0, s2;
	s23 =	sadd.s32 s0, s26  }
0x1a: {  	v0 =	vimm.f32 $0.0e+00;
	s26 =	simm.s32 $0x1400;
	s0 =	simm.s32 $0x2700;
	s2 =	simm.s32 $0x2780  }
.LBB2_1:
0x1b: {  	s7 =	simm.s32 $0x0;
	s8 =	simm.s32 $0x200  }
.LBB2_2:
0x1c: {  	p0 =	sne.s32 s8, $0xFE00;
	[tilespmem:s7+$0x2870] =	vst v0  }
0x1d: {  	[tilespmem:s7+$0x2800] =	vst v0  }
0x1e: {  	[tilespmem:s7+$0x2810] =	vst v0  }
.Ltmp0:
0x1f: {  	[tilespmem:s7+$0x2820] =	vst v0;
	(pc) =	sbr.rel @p0 .LBB2_2-.Ltmp0, $4  }
0x20: {  	[tilespmem:s7+$0x2830] =	vst v0  }
0x21: {  	[tilespmem:s7+$0x2840] =	vst v0  }
0x22: {  	[tilespmem:s7+$0x2850] =	vst v0  }
0x23: {  	[tilespmem:s7+$0x2860] =	vst v0;
	s7 =	sshra.s32 s8, $0x2;
	s8 =	sadd.s32 $0x200, s8  }
0x24: {  	[tilespmem:s7+$0x2870] =	vst v0  }
0x25: {  	[tilespmem:s7+$0x2800] =	vst v0  }
0x26: {  	[tilespmem:s7+$0x2810] =	vst v0  }
0x27: {  	[tilespmem:s7+$0x2820] =	vst v0  }
0x28: {  	[tilespmem:s7+$0x2830] =	vst v0  }
0x29: {  	[tilespmem:s7+$0x2840] =	vst v0  }
0x2a: {  	[tilespmem:s7+$0x2850] =	vst v0  }
0x2b: {  	[tilespmem:s7+$0x2860] =	vst v0  }
0x2c: {  	[spmem:s5] =	stream.linear.scatter [tilespmem:s24], [sflag:$0x3], $0x4000, $0x38;
	[tilespmem:$0x1E800] =	vst v63  }
0x2d: {  	_ =	swait.ge [sflag:s25], $0x4000  }
0x2e: {  	[sflag:s25] =	ssyncset.done $0x0  }
0x2f: {  	[sflag:s25] =	ssyncadd.s32 $0xFFFFC000  }
0x30: {  	[spmem:s11] =	stream.linear.scatter [tilespmem:s24], [sflag:$0x3], $0x4000, $0x38;
	[tilespmem:$0x1E800] =	vst v63  }
0x31: {  	_ =	swait.ge [sflag:s25], $0x4000  }
0x32: {  	[sflag:s25] =	ssyncset.done $0x0  }
0x33: {  	[sflag:s25] =	ssyncadd.s32 $0xFFFFC000  }
0x34: {  	[spmem:s12] =	stream.linear.scatter [tilespmem:s24], [sflag:$0x3], $0x4000, $0x38;
	[tilespmem:$0x1E800] =	vst v63  }
0x35: {  	_ =	swait.ge [sflag:s25], $0x4000  }
0x36: {  	[sflag:s25] =	ssyncset.done $0x0  }
0x37: {  	[sflag:s25] =	ssyncadd.s32 $0xFFFFC000  }
0x38: {  	[spmem:s13] =	stream.linear.scatter [tilespmem:s24], [sflag:$0x3], $0x4000, $0x38;
	[tilespmem:$0x1E800] =	vst v63  }
0x39: {  	_ =	swait.ge [sflag:s25], $0x4000  }
0x3a: {  	[sflag:s25] =	ssyncset.done $0x0  }
0x3b: {  	[sflag:s25] =	ssyncadd.s32 $0xFFFFC000  }
0x3c: {  	[spmem:s14] =	stream.linear.scatter [tilespmem:s24], [sflag:$0x3], $0x4000, $0x38;
	[tilespmem:$0x1E800] =	vst v63  }
0x3d: {  	_ =	swait.ge [sflag:s25], $0x4000  }
0x3e: {  	[sflag:s25] =	ssyncset.done $0x0  }
0x3f: {  	[sflag:s25] =	ssyncadd.s32 $0xFFFFC000  }
0x40: {  	[bflag:$0x0] =	sbarrier.arrive $0xFFFF  }
0x41: {  	s7 =	simm.s32 $0x0;
	s8 =	rddreg [dreg:$0x4]  }
0x42: {  	[tilespmem:s7], [sflag:$0x3] =	stream.linear.gather [hbm4b:s8+s7], $0x1400, $0x38;
	[tilespmem:$0x1E800] =	vst v63  }
0x43: {  	_ =	swait.ge [sflag:s25], $0x1400  }
0x44: {  	[sflag:s25] =	ssyncset.done $0x0  }
0x45: {  	s9 =	rddreg [dreg:$0x5];
	[sflag:s25] =	ssyncadd.s32 $0xFFFFEC00  }
0x46: {  	[tilespmem:s26], [sflag:$0x3] =	stream.linear.gather [hbm4b:s9+s7], $0x1400, $0x38;
	[tilespmem:$0x1E800] =	vst v63  }
0x47: {  	_ =	swait.ge [sflag:s25], $0x1400  }
0x48: {  	[sflag:s25] =	ssyncset.done $0x0  }
0x49: {  	[sflag:s25] =	ssyncadd.s32 $0xFFFFEC00  }
0x4a: {  	[tilespmem:s24], [sflag:$0x1] =	stream.indirect.gather [hbm4b:s4+s28], $0x80, s7, s28, $0xb8;
	[tilespmem:$0x1E800] =	vst v63  }
0x4b: {  	_ = 	snop  }
0x4c: {  	[tilespmem:s29], [sflag:$0x2] =	stream.indirect.gather [hbm4b:s4+s28], $0x80, s28, s28, $0xb8;
	[tilespmem:$0x1E800] =	vst v63  }
0x4d: {  	_ =	swait.ge [sflag:s30], $0x4000  }
0x4e: {  	[sflag:s30] =	ssyncset.done $0x0  }
0x4f: {  	s9 =	simm.s32 $0x1400;
	[sflag:s30] =	ssyncadd.s32 $0xFFFFC000  }
0x50: {  	[spmem:s1] =	stream.indirect.scatter.add.f32 [tilespmem:s24], [sflag:$0x3], $0x80, s9, s28, $0xb8;
	[tilespmem:$0x1E800] =	vst v63  }
0x51: {  	_ =	swait.ge [sflag:s25], $0x4000  }
0x52: {  	[sflag:s25] =	ssyncset.done $0x0  }
0x53: {  	s8 =	simm.s32 $0x100;
	[sflag:s25] =	ssyncadd.s32 $0xFFFFC000  }
0x54: {  	[tilespmem:s24], [sflag:$0x1] =	stream.indirect.gather [hbm4b:s4+s28], $0x80, s8, s28, $0xb8;
	[tilespmem:$0x1E800] =	vst v63  }
0x55: {  	_ =	swait.ge [sflag:s31], $0x4000  }
0x56: {  	[sflag:s31] =	ssyncset.done $0x0  }
0x57: {  	s9 =	simm.s32 $0x1480;
	[sflag:s31] =	ssyncadd.s32 $0xFFFFC000  }
0x58: {  	[spmem:s1] =	stream.indirect.scatter.add.f32 [tilespmem:s29], [sflag:$0x3], $0x80, s9, s28, $0xb8;
	[tilespmem:$0x1E800] =	vst v63  }
0x59: {  	_ =	swait.ge [sflag:s25], $0x4000  }
0x5a: {  	[sflag:s25] =	ssyncset.done $0x0  }
0x5b: {  	s7 =	simm.s32 $0x400;
	s8 =	simm.s32 $0x180;
	[sflag:s25] =	ssyncadd.s32 $0xFFFFC000  }
.LBB2_4:
0x5c: {  	[tilespmem:s29], [sflag:$0x2] =	stream.indirect.gather [hbm4b:s4+s28], $0x80, s8, s28, $0xb8;
	[tilespmem:$0x1E800] =	vst v63  }
0x5d: {  	s8 =	smov.u32 s7  }
0x5e: {  	p0 =	sne.s32 s7, $0x4800;
	s7 =	sadd.s32 $0x400, s7;
	_ =	swait.ge [sflag:s30], $0x4000  }
0x5f: {  	s8 =	sshra.s32 s8, $0x2;
	[sflag:s30] =	ssyncset.done $0x0  }
0x60: {  	s9 =	sadd.s32 $0x1400, s8;
	[sflag:s30] =	ssyncadd.s32 $0xFFFFC000  }
0x61: {  	[spmem:s1] =	stream.indirect.scatter.add.f32 [tilespmem:s24], [sflag:$0x3], $0x80, s9, s28, $0xb8;
	[tilespmem:$0x1E800] =	vst v63  }
0x62: {  	_ =	swait.ge [sflag:s25], $0x4000  }
0x63: {  	[sflag:s25] =	ssyncset.done $0x0  }
0x64: {  	s9 =	sadd.s32 $0x100, s8;
	[sflag:s25] =	ssyncadd.s32 $0xFFFFC000  }
0x65: {  	[tilespmem:s24], [sflag:$0x1] =	stream.indirect.gather [hbm4b:s4+s28], $0x80, s9, s28, $0xb8;
	[tilespmem:$0x1E800] =	vst v63  }
0x66: {  	_ =	swait.ge [sflag:s31], $0x4000  }
0x67: {  	[sflag:s31] =	ssyncset.done $0x0  }
.Ltmp1:
0x68: {  	s9 =	sadd.s32 $0x1480, s8;
	[sflag:s31] =	ssyncadd.s32 $0xFFFFC000;
	(pc) =	sbr.rel @p0 .LBB2_4-.Ltmp1, $4  }
0x69: {  	[spmem:s1] =	stream.indirect.scatter.add.f32 [tilespmem:s29], [sflag:$0x3], $0x80, s9, s28, $0xb8;
	[tilespmem:$0x1E800] =	vst v63  }
0x6a: {  	_ =	swait.ge [sflag:s25], $0x4000  }
0x6b: {  	[sflag:s25] =	ssyncset.done $0x0  }
0x6c: {  	s8 =	sadd.s32 $0x180, s8;
	[sflag:s25] =	ssyncadd.s32 $0xFFFFC000  }
0x6d: {  	[tilespmem:s29], [sflag:$0x2] =	stream.indirect.gather [hbm4b:s4+s28], $0x80, s8, s28, $0xb8;
	[tilespmem:$0x1E800] =	vst v63  }
0x6e: {  	_ =	swait.ge [sflag:s30], $0x4000  }
0x6f: {  	[sflag:s30] =	ssyncset.done $0x0  }
0x70: {  	[sflag:s30] =	ssyncadd.s32 $0xFFFFC000  }
0x71: {  	[spmem:s1] =	stream.indirect.scatter.add.f32 [tilespmem:s24], [sflag:$0x3], $0x80, s0, s28, $0xb8;
	[tilespmem:$0x1E800] =	vst v63  }
0x72: {  	_ =	swait.ge [sflag:s25], $0x4000  }
0x73: {  	[sflag:s25] =	ssyncset.done $0x0  }
0x74: {  	[sflag:s25] =	ssyncadd.s32 $0xFFFFC000  }
0x75: {  	_ =	swait.ge [sflag:s31], $0x4000  }
0x76: {  	[sflag:s31] =	ssyncset.done $0x0  }
0x77: {  	[sflag:s31] =	ssyncadd.s32 $0xFFFFC000  }
0x78: {  	[spmem:s1] =	stream.indirect.scatter.add.f32 [tilespmem:s29], [sflag:$0x3], $0x80, s2, s28, $0xb8;
	[tilespmem:$0x1E800] =	vst v63  }
0x79: {  	_ =	swait.ge [sflag:s25], $0x4000  }
0x7a: {  	[sflag:s25] =	ssyncset.done $0x0  }
0x7b: {  	s7 =	simm.s32 $0x0;
	s9 =	rddreg [dreg:$0x6];
	[sflag:s25] =	ssyncadd.s32 $0xFFFFC000  }
0x7c: {  	[tilespmem:s7], [sflag:$0x3] =	stream.linear.gather [hbm4b:s9+s7], $0x1400, $0x38;
	[tilespmem:$0x1E800] =	vst v63  }
0x7d: {  	_ =	swait.ge [sflag:s25], $0x1400  }
0x7e: {  	[sflag:s25] =	ssyncset.done $0x0  }
0x7f: {  	s9 =	rddreg [dreg:$0x7];
	[sflag:s25] =	ssyncadd.s32 $0xFFFFEC00  }
0x80: {  	[tilespmem:s26], [sflag:$0x3] =	stream.linear.gather [hbm4b:s9+s7], $0x1400, $0x38;
	[tilespmem:$0x1E800] =	vst v63  }
0x81: {  	_ =	swait.ge [sflag:s25], $0x1400  }
0x82: {  	[sflag:s25] =	ssyncset.done $0x0  }
0x83: {  	[sflag:s25] =	ssyncadd.s32 $0xFFFFEC00  }
0x84: {  	[tilespmem:s24], [sflag:$0x1] =	stream.indirect.gather [hbm4b:s4+s28], $0x80, s7, s28, $0xb8;
	[tilespmem:$0x1E800] =	vst v63  }
0x85: {  	_ = 	snop  }
0x86: {  	[tilespmem:s29], [sflag:$0x2] =	stream.indirect.gather [hbm4b:s4+s28], $0x80, s28, s28, $0xb8;
	[tilespmem:$0x1E800] =	vst v63  }
0x87: {  	_ =	swait.ge [sflag:s30], $0x4000  }
0x88: {  	[sflag:s30] =	ssyncset.done $0x0  }
0x89: {  	s9 =	simm.s32 $0x1400;
	[sflag:s30] =	ssyncadd.s32 $0xFFFFC000  }
0x8a: {  	[spmem:s1] =	stream.indirect.scatter.add.f32 [tilespmem:s24], [sflag:$0x3], $0x80, s9, s28, $0xb8;
	[tilespmem:$0x1E800] =	vst v63  }
0x8b: {  	_ =	swait.ge [sflag:s25], $0x4000  }
0x8c: {  	[sflag:s25] =	ssyncset.done $0x0  }
0x8d: {  	s8 =	simm.s32 $0x100;
	[sflag:s25] =	ssyncadd.s32 $0xFFFFC000  }
0x8e: {  	[tilespmem:s24], [sflag:$0x1] =	stream.indirect.gather [hbm4b:s4+s28], $0x80, s8, s28, $0xb8;
	[tilespmem:$0x1E800] =	vst v63  }
0x8f: {  	_ =	swait.ge [sflag:s31], $0x4000  }
0x90: {  	[sflag:s31] =	ssyncset.done $0x0  }
0x91: {  	s9 =	simm.s32 $0x1480;
	[sflag:s31] =	ssyncadd.s32 $0xFFFFC000  }
0x92: {  	[spmem:s1] =	stream.indirect.scatter.add.f32 [tilespmem:s29], [sflag:$0x3], $0x80, s9, s28, $0xb8;
	[tilespmem:$0x1E800] =	vst v63  }
0x93: {  	_ =	swait.ge [sflag:s25], $0x4000  }
0x94: {  	[sflag:s25] =	ssyncset.done $0x0  }
0x95: {  	s7 =	simm.s32 $0x400;
	s8 =	simm.s32 $0x180;
	[sflag:s25] =	ssyncadd.s32 $0xFFFFC000  }
.LBB2_6:
0x96: {  	[tilespmem:s29], [sflag:$0x2] =	stream.indirect.gather [hbm4b:s4+s28], $0x80, s8, s28, $0xb8;
	[tilespmem:$0x1E800] =	vst v63  }
0x97: {  	s8 =	smov.u32 s7  }
0x98: {  	p0 =	sne.s32 s7, $0x4800;
	s7 =	sadd.s32 $0x400, s7;
	_ =	swait.ge [sflag:s30], $0x4000  }
0x99: {  	s8 =	sshra.s32 s8, $0x2;
	[sflag:s30] =	ssyncset.done $0x0  }
0x9a: {  	s9 =	sadd.s32 $0x1400, s8;
	[sflag:s30] =	ssyncadd.s32 $0xFFFFC000  }
0x9b: {  	[spmem:s1] =	stream.indirect.scatter.add.f32 [tilespmem:s24], [sflag:$0x3], $0x80, s9, s28, $0xb8;
	[tilespmem:$0x1E800] =	vst v63  }
0x9c: {  	_ =	swait.ge [sflag:s25], $0x4000  }
0x9d: {  	[sflag:s25] =	ssyncset.done $0x0  }
0x9e: {  	s9 =	sadd.s32 $0x100, s8;
	[sflag:s25] =	ssyncadd.s32 $0xFFFFC000  }
0x9f: {  	[tilespmem:s24], [sflag:$0x1] =	stream.indirect.gather [hbm4b:s4+s28], $0x80, s9, s28, $0xb8;
	[tilespmem:$0x1E800] =	vst v63  }
0xa0: {  	_ =	swait.ge [sflag:s31], $0x4000  }
0xa1: {  	[sflag:s31] =	ssyncset.done $0x0  }
.Ltmp2:
0xa2: {  	s9 =	sadd.s32 $0x1480, s8;
	[sflag:s31] =	ssyncadd.s32 $0xFFFFC000;
	(pc) =	sbr.rel @p0 .LBB2_6-.Ltmp2, $4  }
0xa3: {  	[spmem:s1] =	stream.indirect.scatter.add.f32 [tilespmem:s29], [sflag:$0x3], $0x80, s9, s28, $0xb8;
	[tilespmem:$0x1E800] =	vst v63  }
0xa4: {  	_ =	swait.ge [sflag:s25], $0x4000  }
0xa5: {  	[sflag:s25] =	ssyncset.done $0x0  }
0xa6: {  	s8 =	sadd.s32 $0x180, s8;
	[sflag:s25] =	ssyncadd.s32 $0xFFFFC000  }
0xa7: {  	[tilespmem:s29], [sflag:$0x2] =	stream.indirect.gather [hbm4b:s4+s28], $0x80, s8, s28, $0xb8;
	[tilespmem:$0x1E800] =	vst v63  }
0xa8: {  	_ =	swait.ge [sflag:s30], $0x4000  }
0xa9: {  	[sflag:s30] =	ssyncset.done $0x0  }
0xaa: {  	[sflag:s30] =	ssyncadd.s32 $0xFFFFC000  }
0xab: {  	[spmem:s1] =	stream.indirect.scatter.add.f32 [tilespmem:s24], [sflag:$0x3], $0x80, s0, s28, $0xb8;
	[tilespmem:$0x1E800] =	vst v63  }
0xac: {  	_ =	swait.ge [sflag:s25], $0x4000  }
0xad: {  	[sflag:s25] =	ssyncset.done $0x0  }
0xae: {  	[sflag:s25] =	ssyncadd.s32 $0xFFFFC000  }
0xaf: {  	_ =	swait.ge [sflag:s31], $0x4000  }
0xb0: {  	[sflag:s31] =	ssyncset.done $0x0  }
0xb1: {  	[sflag:s31] =	ssyncadd.s32 $0xFFFFC000  }
0xb2: {  	[spmem:s1] =	stream.indirect.scatter.add.f32 [tilespmem:s29], [sflag:$0x3], $0x80, s2, s28, $0xb8;
	[tilespmem:$0x1E800] =	vst v63  }
0xb3: {  	_ =	swait.ge [sflag:s25], $0x4000  }
0xb4: {  	[sflag:s25] =	ssyncset.done $0x0  }
0xb5: {  	[sflag:s25] =	ssyncadd.s32 $0xFFFFC000  }
0xb6: {  	[bflag:$0x0] =	sbarrier.arrive $0xFFFF  }
0xb7: {  	[tilespmem:s24], [sflag:$0x3] =	stream.linear.gather [spmem:s5], $0x4000, $0x38;
	[tilespmem:$0x1E800] =	vst v63  }
0xb8: {  	_ =	swait.ge [sflag:s25], $0x4000  }
0xb9: {  	[sflag:s25] =	ssyncset.done $0x0  }
0xba: {  	[sflag:s25] =	ssyncadd.s32 $0xFFFFC000  }
0xbb: {  	[hbm4b:s15+s3] =	stream.linear.scatter [tilespmem:s24], [sflag:$0x3], $0x4000, $0x38;
	[tilespmem:$0x1E800] =	vst v63  }
0xbc: {  	_ =	swait.ge [sflag:s25], $0x4000  }
0xbd: {  	[sflag:s25] =	ssyncset.done $0x0  }
0xbe: {  	[sflag:s25] =	ssyncadd.s32 $0xFFFFC000  }
0xbf: {  	[tilespmem:s24], [sflag:$0x3] =	stream.linear.gather [spmem:s16], $0x4000, $0x38;
	[tilespmem:$0x1E800] =	vst v63  }
0xc0: {  	_ =	swait.ge [sflag:s25], $0x4000  }
0xc1: {  	[sflag:s25] =	ssyncset.done $0x0  }
0xc2: {  	[sflag:s25] =	ssyncadd.s32 $0xFFFFC000  }
0xc3: {  	[hbm4b:s17+s3] =	stream.linear.scatter [tilespmem:s24], [sflag:$0x3], $0x4000, $0x38;
	[tilespmem:$0x1E800] =	vst v63  }
0xc4: {  	_ =	swait.ge [sflag:s25], $0x4000  }
0xc5: {  	[sflag:s25] =	ssyncset.done $0x0  }
0xc6: {  	[sflag:s25] =	ssyncadd.s32 $0xFFFFC000  }
0xc7: {  	[tilespmem:s24], [sflag:$0x3] =	stream.linear.gather [spmem:s18], $0x4000, $0x38;
	[tilespmem:$0x1E800] =	vst v63  }
0xc8: {  	_ =	swait.ge [sflag:s25], $0x4000  }
0xc9: {  	[sflag:s25] =	ssyncset.done $0x0  }
0xca: {  	[sflag:s25] =	ssyncadd.s32 $0xFFFFC000  }
0xcb: {  	[hbm4b:s19+s3] =	stream.linear.scatter [tilespmem:s24], [sflag:$0x3], $0x4000, $0x38;
	[tilespmem:$0x1E800] =	vst v63  }
0xcc: {  	_ =	swait.ge [sflag:s25], $0x4000  }
0xcd: {  	[sflag:s25] =	ssyncset.done $0x0  }
0xce: {  	[sflag:s25] =	ssyncadd.s32 $0xFFFFC000  }
0xcf: {  	[tilespmem:s24], [sflag:$0x3] =	stream.linear.gather [spmem:s20], $0x4000, $0x38;
	[tilespmem:$0x1E800] =	vst v63  }
0xd0: {  	_ =	swait.ge [sflag:s25], $0x4000  }
0xd1: {  	[sflag:s25] =	ssyncset.done $0x0  }
0xd2: {  	[sflag:s25] =	ssyncadd.s32 $0xFFFFC000  }
0xd3: {  	[hbm4b:s21+s3] =	stream.linear.scatter [tilespmem:s24], [sflag:$0x3], $0x4000, $0x38;
	[tilespmem:$0x1E800] =	vst v63  }
0xd4: {  	_ =	swait.ge [sflag:s25], $0x4000  }
0xd5: {  	[sflag:s25] =	ssyncset.done $0x0  }
0xd6: {  	[sflag:s25] =	ssyncadd.s32 $0xFFFFC000  }
0xd7: {  	[tilespmem:s24], [sflag:$0x3] =	stream.linear.gather [spmem:s22], $0x4000, $0x38;
	[tilespmem:$0x1E800] =	vst v63  }
0xd8: {  	s6 =	sadd.s32 $0x1, s6;
	_ =	swait.ge [sflag:s25], $0x4000  }
0xd9: {  	p0 =	sne.s32 s6, s10;
	[sflag:s25] =	ssyncset.done $0x0  }
.Ltmp3:
0xda: {  	[sflag:s25] =	ssyncadd.s32 $0xFFFFC000;
	(pc) =	sbr.rel @p0 .LBB2_1-.Ltmp3, $4  }
0xdb: {  	[hbm4b:s23+s3] =	stream.linear.scatter [tilespmem:s24], [sflag:$0x3], $0x4000, $0x38;
	[tilespmem:$0x1E800] =	vst v63  }
0xdc: {  	_ =	swait.ge [sflag:s25], $0x4000  }
0xdd: {  	[sflag:s25] =	ssyncset.done $0x0  }
0xde: {  	[sflag:s25] =	ssyncadd.s32 $0xFFFFC000  }
0xdf: {  	_ =	sfence.sel $0x180000  }
0xe0: {  	[bflag:$0x0] =	sbarrier.arrive $0xFFFF  }
0xe1: {  	_ =	strace $0x9000004D  }
0xe2: {  	s0 =	stileid.u32;
	[bflag:$0x2] =	sbarrier.arrive $0xFFFF  }
0xe3: {  	p0 =	sne.s32 s0, $0x0;
	s0 =	rddreg [dreg:$0x3]  }
0xe4: {  	s0 =	sadd.s32 @!p0 $0x100000, s0  }
0xe5: {  	[sflag:s0] =	ssyncadd.tile.s32 @!p0 $0x1;
	_ =	shalt  }
.Lfunc_end2:
_tile_overlayer_lowered:
.L_overlay_start_2:
0xe6: {  	(tag) =	ssettag $0x2  }
0xe7: {  	s0 =	rddreg [dreg:$0x0];
	s2 =	stileid.u32  }
0xe8: {  	s1 =	rddreg [dreg:$0x1];
	p0 =	sne.s32 s2, $0x0  }
0xe9: {  	s3 =	rddreg [dreg:$0x2];
	[bflag:$0x3] =	sbarrier.arrive $0xFFFF;
	s2 =	simm.s32 @!p0 $0x1C03  }
0xea: {  	[timem:s3], [sflag:s2] =	dma.local @!p0 [hbm:s0], s1  }
0xeb: {  	s0 =	simm.s32 @!p0 $0x3  }
0xec: {  	_ =	swait.ge @!p0 [sflag:s0], s1  }
0xed: {  	s1 =	ssub.s32 @!p0 $0x0, s1;
	[sflag:s0] =	ssyncset.done @!p0 $0x0  }
0xee: {  	[sflag:s0] =	ssyncadd.s32 @!p0 s1  }
0xef: {  	[bflag:$0x3] =	sbarrier.arrive $0xFFFF  }
0xf0: {  	_ =	shalt  }

// kernel: kernel.8.cloned.1.call-start
scs
__scs_entry_jumppad:
0x0: {  	(pc) =	sbr.rel $0x88, $3  }
0x1: {  	(tag) =	ssettag $0x0;
	lr =	simm.s32 $0x1  }
0x2: {  	[smem:$0x3F9B] =	sst lr;
	_ =	strace $0xD0000000  }
0x3: {  	_ = 	snop  }
0x4: {  	_ = 	snop  }
0x5: {  	_ = 	snop  }
0x6: {  	_ = 	snop  }
0x7: {  	_ = 	snop  }
__scs_overlays_trampoline_lowered:
0x8: {  	[smem:$0x3FAA] =	sst s0  }
0x9: {  	[smem:$0x3FAB] =	sst s1  }
0xa: {  	[smem:$0x3FAC] =	sst s2  }
0xb: {  	[smem:$0x3FAD] =	sst s3  }
0xc: {  	[smem:$0x3FAE] =	sst s4  }
0xd: {  	[smem:$0x3FAF] =	sst s5  }
0xe: {  	[smem:$0x3FB0] =	sst s6  }
0xf: {  	[smem:$0x3FB1] =	sst s7  }
0x10: {  	[smem:$0x3FB2] =	sst s8  }
0x11: {  	[smem:$0x3FB3] =	sst s9;
	s0 =	simm.s32 @!p0 $0x0  }
0x12: {  	s1 =	sld [smem:$0x3F99];
	s0 =	simm.s32 @p0 $0x1  }
0x13: {  	[smem:$0x3FB4] =	sst s0;
	s0 =	simm.s32 @!p1 $0x0  }
0x14: {  	s2 =	sld [smem:$0x3F98];
	s0 =	simm.s32 @p1 $0x1  }
0x15: {  	[smem:$0x3FB5] =	sst s0;
	s0 =	simm.s32 @!p2 $0x0  }
0x16: {  	s3 =	sld [smem:$0x3FDB];
	s0 =	simm.s32 @p2 $0x1  }
0x17: {  	s4 =	simm.s32 $0x1BF5;
	[smem:$0x3FB7] =	sst s0  }
0x18: {  	s0 =	sld [smem:$0x3F9A];
	_ =	swait.ge [sflag:s4], $0x0  }
0x19: {  	s7 =	sld [smem:$0x3F9B]  }
0x1a: {  	s8 =	sadd.s32 $0xFFFFE003, lr  }
0x1b: {  	s9 =	sadd.s32 $0xFFFFFEF7, lr;
	s5 =	simm.s32 $0xFFFFFFFF;
	p2 =	slt.u32 s8, $0xFFFFF086  }
0x1c: {  	p1 =	slt.u32 s9, $0xF7A;
	s5 =	simm.s32 @!p2 $0x0  }
0x1d: {  	s5 =	simm.s32 @p1 $0x1;
	p0 =	seq.s32 s7, s2  }
0x1e: {  	s7 =	smul.u32 @!p0 $0xF7A, s2;
	p2 =	seq.s32 @!p0 s5, $0x0  }
0x1f: {  	s9 =	smul.u32 $0xF7A, s1;
	s8 =	simm.s32 @!p0 $0x1BF5;
	p2 =	por !p2, p0  }
0x20: {  	[sflag:s8] =	ssyncset.s32 @!p0 $0xFFFFF086;
	s6 =	sadd.s32 @!p0 s3, s7;
	s7 =	simm.s32 @!p0 $0x108  }
0x21: {  	s3 =	sadd.s32 s3, s9;
	s6 =	sadd.s32 @!p0 $0x88, s6;
	s7 =	simm.s32 @p2 $0x1082  }
0x22: {  	[simem:s7], [sflag:s8] =	dma.local @!p0 [hbm:s6], $0xF7A  }
0x23: {  	s9 =	sor.u32 $0xD0000000, s2;
	s6 =	simm.s32 $0x108;
	_ =	swait.ge @!p0 [sflag:s8], $0x0  }
0x24: {  	s3 =	sadd.s32 $0x88, s3;
	s6 =	simm.s32 @!p1 $0x1082;
	[sflag:s4] =	ssyncset.s32 $0xFFFFF086  }
0x25: {  	[simem:s6], [sflag:s4] =	dma.local [hbm:s3], $0xF7A  }
0x26: {  	[smem:$0x3F9B] =	sst s1;
	(tag) =	ssettag s2;
	_ =	strace s9  }
0x27: {  	s1 =	sld [smem:$0x3FAB]  }
0x28: {  	s2 =	sld [smem:$0x3FAC]  }
0x29: {  	s4 =	sld [smem:$0x3FAE]  }
0x2a: {  	p0 =	seq.s32 s5, $0x0;
	s5 =	sld [smem:$0x3FAF]  }
0x2b: {  	s6 =	sld [smem:$0x3FB0]  }
0x2c: {  	s7 =	sld [smem:$0x3FB1]  }
0x2d: {  	s3 =	simm.s32 $0x108;
	s8 =	sld [smem:$0x3FB2]  }
0x2e: {  	s3 =	simm.s32 @!p0 $0x1082;
	s9 =	sld [smem:$0x3FB3]  }
0x2f: {  	lr =	sadd.s32 s0, s3;
	s0 =	sld [smem:$0x3FAA]  }
0x30: {  	s3 =	sld [smem:$0x3FAD]  }
0x31: {  	[smem:$0x3FB6] =	sst s10  }
0x32: {  	s10 =	sld [smem:$0x3FB4];
	_ =	sdelay $0x3  }
0x33: {  	p0 =	seq.s32 s10, $0x1;
	s10 =	sld [smem:$0x3FB6];
	_ =	sdelay $0x3  }
0x34: {  	[smem:$0x3FB6] =	sst s10  }
0x35: {  	s10 =	sld [smem:$0x3FB5];
	_ =	sdelay $0x3  }
0x36: {  	p1 =	seq.s32 s10, $0x1;
	s10 =	sld [smem:$0x3FB6];
	_ =	sdelay $0x3  }
0x37: {  	[smem:$0x3FB6] =	sst s10  }
0x38: {  	s10 =	sld [smem:$0x3FB7]  }
0x39: {  	_ = 	snop;
	(pc) =	sbr.ind lr, $3  }
0x3a: {  	_ = 	snop  }
0x3b: {  	_ = 	snop  }
0x3c: {  	p2 =	seq.s32 s10, $0x1;
	s10 =	sld [smem:$0x3FB6]  }
0x3d: {  	_ =	shalt  }
0x3e: {  	_ =	shalt  }
0x3f: {  	_ =	shalt  }
0x40: {  	_ =	shalt  }
0x41: {  	_ =	shalt  }
0x42: {  	_ =	shalt  }
0x43: {  	_ =	shalt  }
0x44: {  	_ =	shalt  }
0x45: {  	_ =	shalt  }
0x46: {  	_ =	shalt  }
0x47: {  	_ =	shalt  }
0x48: {  	_ =	shalt  }
0x49: {  	_ =	shalt  }
0x4a: {  	_ =	shalt  }
0x4b: {  	_ =	shalt  }
0x4c: {  	_ =	shalt  }
0x4d: {  	_ =	shalt  }
0x4e: {  	_ =	shalt  }
0x4f: {  	_ =	shalt  }
0x50: {  	_ =	shalt  }
0x51: {  	_ =	shalt  }
0x52: {  	_ =	shalt  }
0x53: {  	_ =	shalt  }
0x54: {  	_ =	shalt  }
0x55: {  	_ =	shalt  }
0x56: {  	_ =	shalt  }
0x57: {  	_ =	shalt  }
0x58: {  	_ =	shalt  }
0x59: {  	_ =	shalt  }
0x5a: {  	_ =	shalt  }
0x5b: {  	_ =	shalt  }
0x5c: {  	_ =	shalt  }
0x5d: {  	_ =	shalt  }
0x5e: {  	_ =	shalt  }
0x5f: {  	_ =	shalt  }
0x60: {  	_ =	shalt  }
0x61: {  	_ =	shalt  }
0x62: {  	_ =	shalt  }
0x63: {  	_ =	shalt  }
0x64: {  	_ =	shalt  }
0x65: {  	_ =	shalt  }
0x66: {  	_ =	shalt  }
0x67: {  	_ =	shalt  }
0x68: {  	_ =	shalt  }
0x69: {  	_ =	shalt  }
0x6a: {  	_ =	shalt  }
0x6b: {  	_ =	shalt  }
0x6c: {  	_ =	shalt  }
0x6d: {  	_ =	shalt  }
0x6e: {  	_ =	shalt  }
0x6f: {  	_ =	shalt  }
0x70: {  	_ =	shalt  }
0x71: {  	_ =	shalt  }
0x72: {  	_ =	shalt  }
0x73: {  	_ =	shalt  }
0x74: {  	_ =	shalt  }
0x75: {  	_ =	shalt  }
0x76: {  	_ =	shalt  }
0x77: {  	_ =	shalt  }
0x78: {  	_ =	shalt  }
0x79: {  	_ =	shalt  }
0x7a: {  	_ =	shalt  }
0x7b: {  	_ =	shalt  }
0x7c: {  	_ =	shalt  }
0x7d: {  	_ =	shalt  }
0x7e: {  	_ =	shalt  }
0x7f: {  	_ =	shalt  }
0x80: {  	_ =	shalt  }
0x81: {  	_ =	shalt  }
0x82: {  	_ =	shalt  }
0x83: {  	_ =	shalt  }
0x84: {  	_ =	shalt  }
0x85: {  	_ =	shalt  }
0x86: {  	_ =	shalt  }
0x87: {  	_ =	shalt  }
.Lfunc_end0:
.L_simem_size_0:
called_computation_lowered:
.L_overlay_start_0:
0x88: {  	s2 =	sld [smem:$0x3FD9]  }
0x89: {  	s3 =	sld [smem:$0x3FFE];
	_ =	sdelay $0x1  }
0x8a: {  	s1 =	srdreg.scid  }
0x8b: {  	s0 =	sand.u32 $0x1, s1  }
0x8c: {  	s16 =	sshll.u32 s0, $0xA;
	s2 =	sadd.s32 s3, s2  }
0x8d: {  	s2 =	sadd.s32 s2, s16  }
0x8e: {  	[smem:$0x3FC2] =	sst s2  }
0x8f: {  	_ = 	snop  }
0x90: {  	(tm) =	ssettm $0x1  }
0x91: {  	s17 =	sld [smem:$0x3FFB];
	_ =	sdelay $0x3  }
0x92: {  	_ =	strace s17  }
0x93: {  	s2 =	sld [smem:$0x3FFC];
	_ =	sdelay $0x3  }
0x94: {  	_ =	strace s2  }
0x95: {  	s2 =	sld [smem:$0x3FFD];
	_ =	sdelay $0x3  }
0x96: {  	_ =	strace s2  }
0x97: {  	_ =	strace $0x8FFFFFFF  }
0x98: {  	s18 =	sld [smem:$0x3FDB];
	_ =	sdelay $0x1  }
0x99: {  	s19 =	simm.s32 $_scs_section_size  }
0x9a: {  	s4 =	simm.s32 $_size__tile_overlayer_lowered;
	s5 =	simm.s32 $_tile_overlayer_lowered  }
0x9b: {  	s22 =	simm.s32 $0x1BFF;
	s21 =	sshll.u32 s5, $0x1;
	s2 =	sadd.s32 s19, s18  }
0x9c: {  	s6 =	simm.s32 $0x0;
	s20 =	sshll.u32 s4, $0x1;
	s4 =	sadd.s32 s21, s2  }
0x9d: {  	[timem:s6], [sflag:s22] =	dma.local [hbm:s4], s20  }
0x9e: {  	_ =	swait.ge [sflag:s22], s20  }
0x9f: {  	s3 =	ssub.s32 $0x0, s20;
	[sflag:s22] =	ssyncset.done $0x0  }
0xa0: {  	[sflag:s22] =	ssyncadd.s32 s3;
	_ =	sdelay $0x1  }
0xa1: {  	s23 =	simm.s32 $0x1B8B  }
0xa2: {  	_ =	swait.ge [sflag:s23], $0x1  }
0xa3: {  	[sflag:s23] =	ssyncset.done $0x0  }
0xa4: {  	s25 =	simm.s32 $0x1B8E;
	s24 =	sld [smem:$0x3FFE];
	[sflag:s23] =	ssyncadd.s32 $0xFFFFFFFF  }
0xa5: {  	s26 =	simm.s32 $execute0_lowered;
	[smem:$0x3FD2] =	sst s25  }
0xa6: {  	s4 =	sshll.u32 s26, $0x1;
	_ =	strace $0x80000046;
	[dreg:$0x1] =	wrdreg $0xFFFFFFFF  }
0xa7: {  	s28 =	simm.s32 $_size_execute0_lowered;
	s2 =	sadd.s32 s2, s4;
	[dreg:$0x0] =	wrdreg $0x0  }
0xa8: {  	s4 =	sshll.u32 s28, $0x1;
	[dreg:$0x2] =	wrdreg s2  }
0xa9: {  	[dreg:$0x3] =	wrdreg s4  }
0xaa: {  	[dreg:$0x4] =	wrdreg $0xC0  }
0xab: {  	_ =	task [dreg:s6], $0x5FFFF  }
0xac: {  	[dreg:$0x1] =	wrdreg $0xFFFFFFFF  }
0xad: {  	[dreg:$0x0] =	wrdreg $0x60  }
0xae: {  	[dreg:$0x2] =	wrdreg s24  }
0xaf: {  	[dreg:$0x3] =	wrdreg $0x9  }
0xb0: {  	_ =	task.clear_ibuf [dreg:s6], $0x4FFFF;
	_ =	strace $0x90000046  }
0xb1: {  	s29 =	simm.s32 $0x9;
	_ =	strace $0x80000048  }
0xb2: {  	_ =	swait.ge [sflag:s29], $0x1  }
0xb3: {  	[sflag:s29] =	ssyncadd.s32 $0xFFFFFFFF  }
0xb4: {  	_ =	strace $0x90000048  }
0xb5: {  	_ =	sfence  }
0xb6: {  	s30 =	sld [smem:$0x0];
	_ =	sdelay $0x2  }
0xb7: {  	s31 =	sshll.u32 s1, $0xD;
	s1 =	sshrl.u32 s1, $0x2  }
0xb8: {  	s3 =	sand.u32 $0x4000, s31;
	s1 =	sadd.s32 s1, s30  }
0xb9: {  	s0 =	sor.u32 s3, s0;
	s1 =	sshll.u32 s1, $0x11  }
0xba: {  	s0 =	sor.u32 s1, s0  }
0xbb: {  	s0 =	sadd.s32 $0x8F2B, s0  }
0xbc: {  	[sflag:s0] =	ssyncadd.remote.s32 $0x1  }
0xbd: {  	_ =	sfence.sel $0xFFFF  }
0xbe: {  	[dreg:$0x0] =	wrdreg $0xFFFFFFFF;
	(pc) =	sbr.abs _section_cstart, $3  }
0xbf: {  	[dreg:$0x1] =	wrdreg $0xFFFFFFFF  }
0xc0: {  	_ =	task.clear_ibuf [dreg:s6], $0x2FFFF;
	_ =	strace $0x9FFFFFFF  }
0xc1: {  	(tm) =	ssettm $0x7FFFFFFF  }
tec
execute0_lowered:
.L_overlay_start_1:
0x0: {  	(tag) =	ssettag $0x1  }
0x1: {  	s1 =	srdreg.scid  }
0x2: {  	s0 =	stileid.u32;
	s5 =	rddreg [dreg:$0x0]  }
0x3: {  	s2 =	simm.s32 $0x0;
	s8 =	simm.s32 $0x80;
	s9 =	simm.s32 $0x400  }
0x4: {  	s10 =	simm.s32 $0x0;
	s3 =	sand.u32 $0x1, s1;
	s29 =	sshll.u32 s0, $0x1  }
0x5: {  	s30 =	sshrl.u32 s0, $0x2;
	s1 =	rddreg [dreg:$0x1];
	s4 =	sor.u32 s3, s29  }
0x6: {  	[smem:$0x7FF] =	sst s2;
	s6 =	smul.u32 $0x14000, s30;
	s7 =	sshll.u32 s4, $0x7  }
0x7: {  	s3 =	ssub.s32 $0x2, s3;
	s4 =	smul.u32 $0x500, s4;
	s7 =	sand.u32 $0x380, s7  }
0x8: {  	_ =	strace $0x80000047;
	s31 =	sshrl.u32 s3, $0x1;
	s6 =	sor.u32 s6, s7  }
0x9: {  	s4 =	sadd.s32 s4, s5;
	s7 =	simm.s32 $0x2800;
	s6 =	sshrl.u32 s6, $0x3  }
0xa: {  	s5 =	sadd.s32 s6, s5;
	s6 =	ssub.s32 s3, s31;
	s3 =	sadd.s32 $0x2C00, s4  }
0xb: {  	v0 =	vimm.f32 $0.0e+00;
	v1 =	vimm.f32 $1.000000000e+00;
	s4 =	sadd.s32 $0xCC00, s5;
	s5 =	smax.u32 s6, $0x1;
	s6 =	simm.s32 $0x1  }
.LBB2_1:
0xc: {  	[tilespmem:s2], [sflag:$0x1] =	stream.linear.gather [hbm4b:s3+s2], $0x2800, $0x38;
	[tilespmem:$0x5000] =	vst v63  }
0xd: {  	_ =	swait.ge [sflag:s6], $0x2800  }
0xe: {  	[sflag:s6] =	ssyncset.done $0x0  }
0xf: {  	s11 =	simm.s32 $0x0;
	[sflag:s6] =	ssyncadd.s32 $0xFFFFD800  }
.LBB2_2:
0x10: {  	p0 =	sne.s32 s11, $0x9FC0  }
.Ltmp0:
0x11: {  	_ = 	snop;
	(pc) =	sbr.rel @p0 .LBB2_2-.Ltmp0, $3  }
0x12: {  	_ =	sdelay $0x1  }
0x13: {  	s12 =	sshra.s32 s11, $0x2  }
0x14: {  	s11 =	sadd.s32 $0x40, s11;
	[tilespmem:s12+$0x2800] =	vst v0  }
0x15: {  	s12 =	simm.s32 $0x0;
	s11 =	simm.s32 $0x40  }
.LBB2_4:
0x16: {  	p0 =	sne.s32 s11, $0x9FC0;
	v2 =	vld [tilespmem:s12+$0x0];
	_ =	sdelay $0x3  }
.Ltmp1:
0x17: {  	(pc) =	sbr.rel @p0 .LBB2_4-.Ltmp1, $2  }
0x18: {  	_ =	sdelay $0x2  }
0x19: {  	s12 =	sshra.s32 s11, $0x2;
	s11 =	sadd.s32 $0x40, s11;
	[tilespmem:v2+s7+$0x0] =	vst.idx.add.f32.msk $0xffff, v1  }
0x1a: {  	v2 =	vld [tilespmem:s12+$0x0];
	_ =	sdelay $0x5  }
0x1b: {  	s10 =	sadd.s32 $0x1, s10  }
0x1c: {  	p0 =	sne.s32 s10, s5  }
.Ltmp2:
0x1d: {  	[tilespmem:v2+s7+$0x0] =	vst.idx.add.f32.msk $0xffff, v1;
	(pc) =	sbr.rel @p0 .LBB2_1-.Ltmp2, $4  }
0x1e: {  	[hbm4b:s4+s8] =	stream.strided.scatter [tilespmem:s7], [sflag:$0x1], $0x2800, s9, s8, $0x38;
	[tilespmem:$0x5000] =	vst v63  }
0x1f: {  	_ =	swait.ge [sflag:s6], $0x2800  }
0x20: {  	[sflag:s6] =	ssyncset.done $0x0  }
0x21: {  	[sflag:s6] =	ssyncadd.s32 $0xFFFFD800  }
0x22: {  	_ =	sfence.sel $0x180000  }
0x23: {  	[bflag:$0x0] =	sbarrier.arrive $0xFFFF  }
0x24: {  	p0 =	sne.s32 s0, $0x0;
	_ =	strace $0x90000047  }
0x25: {  	s0 =	sadd.s32 @!p0 $0x100000, s1;
	[bflag:$0x2] =	sbarrier.arrive $0xFFFF  }
0x26: {  	[sflag:s0] =	ssyncadd.tile.s32 @!p0 $0x1;
	_ =	shalt  }
.Lfunc_end2:
_tile_overlayer_lowered:
.L_overlay_start_2:
0x27: {  	(tag) =	ssettag $0x2  }
0x28: {  	s0 =	rddreg [dreg:$0x0];
	s2 =	stileid.u32  }
0x29: {  	s1 =	rddreg [dreg:$0x1];
	p0 =	sne.s32 s2, $0x0  }
0x2a: {  	s3 =	rddreg [dreg:$0x2];
	[bflag:$0x3] =	sbarrier.arrive $0xFFFF;
	s2 =	simm.s32 @!p0 $0x1C01  }
0x2b: {  	[timem:s3], [sflag:s2] =	dma.local @!p0 [hbm:s0], s1  }
0x2c: {  	s0 =	simm.s32 @!p0 $0x1  }
0x2d: {  	_ =	swait.ge @!p0 [sflag:s0], s1  }
0x2e: {  	s1 =	ssub.s32 @!p0 $0x0, s1;
	[sflag:s0] =	ssyncset.done @!p0 $0x0  }
0x2f: {  	[sflag:s0] =	ssyncadd.s32 @!p0 s1  }
0x30: {  	[bflag:$0x3] =	sbarrier.arrive $0xFFFF  }
0x31: {  	_ =	shalt  }

</sc_bundles>
